<compile_context>
chip_gen: v7x
topology: tpu7x:2x2x1
jax: 0.10.2.dev20260603
libtpu: 0.0.44.dev20260713+nightly
codegen_flags: <defaults>
</compile_context>

<pallas_src>
import functools

import jax
import jax.numpy as jnp
import numpy as np
from jax import lax
from jax.experimental import pallas as pl
from jax.experimental.pallas import tpu as pltpu
from jax.experimental.pallas import tpu_sc as plsc

IN_CH = 96
OUT_CH = 96
N_EXPERT = 64
TOP_K = 2
CAP_F = 1.25
MOE_DIM = 3 * IN_CH
RB = 8


def _stageA_body(nbpb, W, TB, xp_ref, xc_ref, xn_ref, wt_ref, rw_ref,
                 xf_ref, idx_ref, gate_ref, win_ref, hist_ref):
    g = pl.program_id(0)
    base_h = (g % nbpb) * RB
    xh = jnp.concatenate([xp_ref[...], xc_ref[...], xn_ref[...]], axis=0)
    xh = xh.astype(jnp.bfloat16).astype(jnp.float32)
    t_loc = lax.broadcasted_iota(jnp.int32, (TB, 1), 0)
    w_img = t_loc % W
    h_img = base_h + t_loc // W
    H_img = nbpb * RB
    mw = [(w_img > 0), None, (w_img < W - 1)]
    mh = [(h_img > 0), None, (h_img < H_img - 1)]
    acc = [jnp.zeros((TB, IN_CH), jnp.float32) for _ in range(3)]
    for dh in range(3):
        for dw in range(3):
            off = (dh - 1) * W + (dw - 1)
            sl = xh[TB + off:2 * TB + off, :]
            m = None
            if mh[dh] is not None:
                m = mh[dh]
            if mw[dw] is not None:
                m = mw[dw] if m is None else (m & mw[dw])
            if m is not None:
                sl = sl * m.astype(jnp.float32)
            for j in range(3):
                wv = wt_ref[j * 9 + dh * 3 + dw, :].astype(jnp.float32)
                acc[j] = acc[j] + sl * wv[None, :]
    xflat = jnp.concatenate(acc, axis=1)
    xf_ref[...] = xflat

    logits = jnp.dot(xflat, rw_ref[...], preferred_element_type=jnp.float32)
    mx = jnp.max(logits, axis=1, keepdims=True)
    ex = jnp.exp(logits - mx)
    gates = ex / jnp.sum(ex, axis=1, keepdims=True)

    lane = lax.broadcasted_iota(jnp.int32, (TB, N_EXPERT), 1)
    m1 = jnp.max(gates, axis=1, keepdims=True)
    i1 = jnp.min(jnp.where(gates == m1, lane, N_EXPERT), axis=1, keepdims=True)
    oh1 = (lane == i1)
    g2 = jnp.where(oh1, -1.0, gates)
    m2 = jnp.max(g2, axis=1, keepdims=True)
    i2 = jnp.min(jnp.where(g2 == m2, lane, N_EXPERT), axis=1, keepdims=True)
    oh2 = (lane == i2)
    den = m1 + m2 + 1e-9
    idx_ref[...] = jnp.concatenate([i1, i2], axis=1)
    gate_ref[...] = jnp.concatenate([m1 / den, m2 / den], axis=1)

    nch = TB // 128
    r_i = lax.broadcasted_iota(jnp.int32, (128, 128), 0)
    c_i = lax.broadcasted_iota(jnp.int32, (128, 128), 1)
    tri = (r_i > c_i).astype(jnp.bfloat16)

    def prefix(oh):
        ohf = oh.astype(jnp.float32)
        ohb = oh.astype(jnp.bfloat16)
        parts = []
        prev = jnp.zeros((1, N_EXPERT), jnp.float32)
        for q in range(nch):
            ohq = ohb[q * 128:(q + 1) * 128, :]
            exq = jnp.dot(tri, ohq, preferred_element_type=jnp.float32) + prev
            prev = prev + jnp.sum(ohf[q * 128:(q + 1) * 128, :], axis=0,
                                  keepdims=True)
            parts.append(exq)
        exf = jnp.concatenate(parts, axis=0)
        win = jnp.sum(exf * ohf, axis=1, keepdims=True)
        return win, prev

    win1, hist1 = prefix(oh1)
    win2, hist2 = prefix(oh2)
    win_ref[...] = jnp.concatenate([win1, win2], axis=1).astype(jnp.int32)
    hist_ref[...] = jnp.concatenate([hist1, hist2], axis=0)[None]


def _stageA(xT, wt, rw, T, W, nbpb, nblk, TB):
    grid = (nblk,)
    specs = [
        pl.BlockSpec((TB, IN_CH), lambda g: (jnp.maximum(g - 1, 0), 0)),
        pl.BlockSpec((TB, IN_CH), lambda g: (g, 0)),
        pl.BlockSpec((TB, IN_CH), lambda g: (jnp.minimum(g + 1, nblk - 1), 0)),
        pl.BlockSpec((27, IN_CH), lambda g: (0, 0)),
        pl.BlockSpec((MOE_DIM, N_EXPERT), lambda g: (0, 0)),
    ]
    outs = [
        jax.ShapeDtypeStruct((T, MOE_DIM), jnp.float32),
        jax.ShapeDtypeStruct((T, 2), jnp.int32),
        jax.ShapeDtypeStruct((T, 2), jnp.float32),
        jax.ShapeDtypeStruct((T, 2), jnp.int32),
        jax.ShapeDtypeStruct((nblk, 2, N_EXPERT), jnp.float32),
    ]
    out_specs = [
        pl.BlockSpec((TB, MOE_DIM), lambda g: (g, 0)),
        pl.BlockSpec((TB, 2), lambda g: (g, 0)),
        pl.BlockSpec((TB, 2), lambda g: (g, 0)),
        pl.BlockSpec((TB, 2), lambda g: (g, 0)),
        pl.BlockSpec((1, 2, N_EXPERT), lambda g: (g, 0, 0)),
    ]
    return pl.pallas_call(
        functools.partial(_stageA_body, nbpb, W, TB),
        grid=grid, in_specs=specs, out_specs=out_specs, out_shape=outs,
    )(xT, xT, xT, wt, rw)


def _stageB_body(C, TB, nblk, hist_ref, idx_ref, win_ref, gate_ref,
                 slot_ref, geff_ref):
    g = pl.program_id(0)
    hist0 = hist_ref[:, 0, :]
    hist1 = hist_ref[:, 1, :]
    blk = lax.broadcasted_iota(jnp.int32, (nblk, 1), 0)
    mprev = (blk < g).astype(jnp.float32)
    off0 = jnp.sum(hist0 * mprev, axis=0, keepdims=True)
    total0 = jnp.sum(hist0, axis=0, keepdims=True)
    off1 = total0 + jnp.sum(hist1 * mprev, axis=0, keepdims=True)

    idx = idx_ref[...]
    lane = lax.broadcasted_iota(jnp.int32, (TB, N_EXPERT), 1)
    oh1 = (lane == idx[:, 0:1]).astype(jnp.float32)
    oh2 = (lane == idx[:, 1:2]).astype(jnp.float32)
    base1 = jnp.sum(oh1 * off0, axis=1, keepdims=True)
    base2 = jnp.sum(oh2 * off1, axis=1, keepdims=True)
    win = win_ref[...]
    loc1 = win[:, 0:1].astype(jnp.float32) + base1
    loc2 = win[:, 1:2].astype(jnp.float32) + base2
    keep1 = (loc1 < C).astype(jnp.float32)
    keep2 = (loc2 < C).astype(jnp.float32)
    slot1 = jnp.minimum(loc1, C).astype(jnp.int32)
    slot2 = jnp.minimum(loc2, C).astype(jnp.int32)
    gate = gate_ref[...]
    slot_ref[...] = jnp.concatenate([slot1, slot2], axis=1)
    geff_ref[...] = jnp.concatenate(
        [gate[:, 0:1] * keep1, gate[:, 1:2] * keep2], axis=1)


def _stageB(hist, idx, win, gate, C, T, TB, nblk):
    specs = [
        pl.BlockSpec((nblk, 2, N_EXPERT), lambda g: (0, 0, 0)),
        pl.BlockSpec((TB, 2), lambda g: (g, 0)),
        pl.BlockSpec((TB, 2), lambda g: (g, 0)),
        pl.BlockSpec((TB, 2), lambda g: (g, 0)),
    ]
    outs = [
        jax.ShapeDtypeStruct((T, 2), jnp.int32),
        jax.ShapeDtypeStruct((T, 2), jnp.float32),
    ]
    out_specs = [
        pl.BlockSpec((TB, 2), lambda g: (g, 0)),
        pl.BlockSpec((TB, 2), lambda g: (g, 0)),
    ]
    return pl.pallas_call(
        functools.partial(_stageB_body, C, TB, nblk),
        grid=(nblk,), in_specs=specs, out_specs=out_specs, out_shape=outs,
    )(hist, idx, win, gate)


def _stageC(e_all, s_all, t_all, C, Cp, Np, n_assign):
    info = plsc.get_sparse_core_info()
    NW = info.num_cores * info.num_subcores
    per_w = n_assign // NW
    nv = per_w // 16
    mesh = plsc.VectorSubcoreMesh(core_axis_name="c", subcore_axis_name="s")

    @functools.partial(
        pl.kernel, mesh=mesh,
        compiler_params=pltpu.CompilerParams(use_tc_tiling_on_sc=False),
        out_type=jax.ShapeDtypeStruct((Np + 16,), jnp.int32),
        scratch_types=[
            pltpu.VMEM((per_w,), jnp.int32),
            pltpu.VMEM((per_w,), jnp.int32),
            pltpu.VMEM((per_w,), jnp.int32),
            pltpu.VMEM((128,), jnp.int32),
        ],
    )
    def k(e_hbm, s_hbm, t_hbm, tfs_hbm, e_v, s_v, t_v, addr_v):
        wid = lax.axis_index("s") * info.num_cores + lax.axis_index("c")
        base = wid * per_w
        pltpu.sync_copy(e_hbm.at[pl.ds(base, per_w)], e_v)
        pltpu.sync_copy(s_hbm.at[pl.ds(base, per_w)], s_v)
        pltpu.sync_copy(t_hbm.at[pl.ds(base, per_w)], t_v)

        def chunk(j, _):
            def body(i, _):
                sl = pl.ds(j * 128 + i * 16, 16)
                e = e_v[sl]
                s = s_v[sl]
                keep = s < C
                addr_v[pl.ds(i * 16, 16)] = jnp.where(keep, e * Cp + s, Np)
                return 0

            lax.fori_loop(0, 8, body, 0, unroll=True)
            pltpu.sync_copy(t_v.at[pl.ds(j * 128, 128)], tfs_hbm.at[addr_v])
            return 0

        lax.fori_loop(0, per_w // 128, chunk, 0)

    return k(e_all, s_all, t_all)


def _stageD(tfs, xf, T, Np):
    info = plsc.get_sparse_core_info()
    NW = info.num_cores * info.num_subcores
    per_w = Np // NW
    CH = 128
    nch = per_w // CH
    mesh = plsc.VectorSubcoreMesh(core_axis_name="c", subcore_axis_name="s")

    @functools.partial(
        pl.kernel, mesh=mesh,
        compiler_params=pltpu.CompilerParams(use_tc_tiling_on_sc=False),
        out_type=jax.ShapeDtypeStruct((Np, MOE_DIM), jnp.float32),
        scratch_types=[
            pltpu.VMEM((per_w,), jnp.int32),
            pltpu.VMEM((CH,), jnp.int32),
            pltpu.VMEM((CH,), jnp.int32),
            pltpu.VMEM((CH, MOE_DIM), jnp.float32),
            pltpu.VMEM((CH, MOE_DIM), jnp.float32),
            pltpu.SemaphoreType.DMA,
            pltpu.SemaphoreType.DMA,
        ],
    )
    def k(tfs_hbm, xf_hbm, disp_hbm, raw_v, idx0, idx1, rows0, rows1,
          semA, semB):
        wid = lax.axis_index("s") * info.num_cores + lax.axis_index("c")
        wbase = wid * per_w
        pltpu.sync_copy(tfs_hbm.at[pl.ds(wbase, per_w)], raw_v)

        def clampv(i, _):
            sl = pl.ds(i * 16, 16)
            raw_v[sl] = jnp.clip(raw_v[sl], 0, T - 1)
            return 0

        lax.fori_loop(0, per_w // 16, clampv, 0)

        def body(p, _):
            b0 = 2 * p * CH
            b1 = (2 * p + 1) * CH

            def cp(i, _):
                sl = pl.ds(i * 16, 16)
                idx0[sl] = raw_v[pl.ds(b0 + i * 16, 16)]
                idx1[sl] = raw_v[pl.ds(b1 + i * 16, 16)]
                return 0

            lax.fori_loop(0, CH // 16, cp, 0)
            g0 = pltpu.async_copy(xf_hbm.at[idx0], rows0, semA)
            g1 = pltpu.async_copy(xf_hbm.at[idx1], rows1, semB)
            g0.wait()
            w0 = pltpu.async_copy(rows0, disp_hbm.at[pl.ds(wbase + b0, CH)],
                                  semA)
            g1.wait()
            w1 = pltpu.async_copy(rows1, disp_hbm.at[pl.ds(wbase + b1, CH)],
                                  semB)
            w0.wait()
            w1.wait()
            return 0

        lax.fori_loop(0, nch // 2, body, 0)

    return k(tfs, xf)


def _stageE_body(disp_ref, ew_ref, eb_ref, h_ref):
    h = jnp.dot(disp_ref[...], ew_ref[0], preferred_element_type=jnp.float32)
    h_ref[...] = h + eb_ref[0]


def _stageE(disp, ew, eb, Cp, Np):
    CB = 496 if Cp % 496 == 0 else 128
    nb = Cp // CB
    grid = (N_EXPERT, nb)
    specs = [
        pl.BlockSpec((CB, MOE_DIM), lambda e, c: (e * nb + c, 0)),
        pl.BlockSpec((1, MOE_DIM, OUT_CH), lambda e, c: (e, 0, 0)),
        pl.BlockSpec((1, 1, OUT_CH), lambda e, c: (e, 0, 0)),
    ]
    out_spec = pl.BlockSpec((CB, OUT_CH), lambda e, c: (e * nb + c, 0))
    return pl.pallas_call(
        _stageE_body, grid=grid, in_specs=specs, out_specs=out_spec,
        out_shape=jax.ShapeDtypeStruct((Np, OUT_CH), jnp.float32),
    )(disp, ew, eb)


def _stageG(e_all, s_all, h, C, Cp, Np, n_assign):
    info = plsc.get_sparse_core_info()
    NW = info.num_cores * info.num_subcores
    per_w = n_assign // NW
    CH = 128
    nch = per_w // CH
    mesh = plsc.VectorSubcoreMesh(core_axis_name="c", subcore_axis_name="s")

    @functools.partial(
        pl.kernel, mesh=mesh,
        compiler_params=pltpu.CompilerParams(use_tc_tiling_on_sc=False),
        out_type=jax.ShapeDtypeStruct((n_assign, OUT_CH), jnp.float32),
        scratch_types=[
            pltpu.VMEM((CH,), jnp.int32),
            pltpu.VMEM((CH,), jnp.int32),
            pltpu.VMEM((CH,), jnp.int32),
            pltpu.VMEM((CH, OUT_CH), jnp.float32),
            pltpu.SemaphoreType.DMA,
        ],
    )
    def k(e_hbm, s_hbm, h_hbm, hg_hbm, e_v, s_v, r_v, rows_v, sem):
        wid = lax.axis_index("s") * info.num_cores + lax.axis_index("c")
        wbase = wid * per_w

        def body(ci, _):
            base = wbase + ci * CH
            pltpu.sync_copy(e_hbm.at[pl.ds(base, CH)], e_v)
            pltpu.sync_copy(s_hbm.at[pl.ds(base, CH)], s_v)

            def addr(i, _):
                sl = pl.ds(i * 16, 16)
                r_v[sl] = e_v[sl] * Cp + jnp.minimum(s_v[sl], C - 1)
                return 0

            lax.fori_loop(0, CH // 16, addr, 0)
            pltpu.async_copy(h_hbm.at[r_v], rows_v, sem).wait()
            pltpu.sync_copy(rows_v, hg_hbm.at[pl.ds(base, CH)])
            return 0

        lax.fori_loop(0, nch, body, 0)

    return k(e_all, s_all, h)


def _stageF_body(xf_ref, geff_ref, hg1_ref, hg2_ref, sw_ref, sb_ref, y_ref):
    y = jnp.dot(xf_ref[...], sw_ref[...], preferred_element_type=jnp.float32)
    ge = geff_ref[...]
    y = y + sb_ref[...] + ge[:, 0:1] * hg1_ref[...] + ge[:, 1:2] * hg2_ref[...]
    y_ref[...] = y


def _stageF(xf, geff, hg_all, sw, sb, T, TB, nblk):
    specs = [
        pl.BlockSpec((TB, MOE_DIM), lambda g: (g, 0)),
        pl.BlockSpec((TB, 2), lambda g: (g, 0)),
        pl.BlockSpec((TB, OUT_CH), lambda g: (g, 0)),
        pl.BlockSpec((TB, OUT_CH), lambda g: (nblk + g, 0)),
        pl.BlockSpec((MOE_DIM, OUT_CH), lambda g: (0, 0)),
        pl.BlockSpec((1, OUT_CH), lambda g: (0, 0)),
    ]
    out_spec = pl.BlockSpec((TB, OUT_CH), lambda g: (g, 0))
    return pl.pallas_call(
        _stageF_body, grid=(nblk,), in_specs=specs, out_specs=out_spec,
        out_shape=jax.ShapeDtypeStruct((T, OUT_CH), jnp.float32),
    )(xf, geff, hg_all, hg_all, sw, sb)


def kernel(x, conv_w, router_w, expert_w, expert_b, shared_w, shared_b):
    B, Cin, H, W = x.shape
    T = B * H * W
    C = int(CAP_F * TOP_K * T / N_EXPERT)
    Cp = ((C + 127) // 128) * 128
    Np = N_EXPERT * Cp
    TB = RB * W
    nbpb = H // RB
    nblk = B * nbpb
    n_assign = TOP_K * T

    cc = np.arange(MOE_DIM) % IN_CH
    jj = np.arange(MOE_DIM) // IN_CH
    perm = 3 * cc + jj
    rw = router_w[perm]
    ew = expert_w[:, perm, :]
    sw = shared_w[perm]
    wt = jnp.transpose(conv_w[:, 0].reshape(IN_CH, 3, 3, 3), (1, 2, 3, 0))
    wt = wt.reshape(27, IN_CH).astype(jnp.bfloat16)

    xT = jnp.transpose(x, (0, 2, 3, 1)).reshape(T, Cin)
    xf, idx, gate, win, hist = _stageA(xT, wt, rw, T, W, nbpb, nblk, TB)
    slots, geff = _stageB(hist, idx, win, gate, C, T, TB, nblk)

    e_all = jnp.transpose(idx).reshape(n_assign)
    s_all = jnp.transpose(slots).reshape(n_assign)
    t_all = jnp.concatenate([jnp.arange(T, dtype=jnp.int32)] * TOP_K)

    tfs = _stageC(e_all, s_all, t_all, C, Cp, Np, n_assign)
    disp = _stageD(tfs[:Np], xf, T, Np)
    h = _stageE(disp, ew, expert_b.reshape(N_EXPERT, 1, OUT_CH), Cp, Np)
    hg_all = _stageG(e_all, s_all, h, C, Cp, Np, n_assign)
    y_flat = _stageF(xf, geff, hg_all, sw, shared_b.reshape(1, OUT_CH),
                     T, TB, nblk)

    return jnp.transpose(y_flat.reshape(B, H, W, OUT_CH), (0, 3, 1, 2))

# --- scband reference (transcript-rebuilt; emitter-appended) ---
"""Pipeline reference for scband-moe-conv2d-35845797053227 (READ-ONLY COPY).

The authoritative reference and input builder live on the scoring server;
editing this copy changes nothing except your own understanding.
"""

import jax, jax.numpy as jnp
import numpy as np

IN_CH = 96
OUT_CH = 96
K_SIZE = 3
N_EXPERT = 64
TOP_K = 2
CAP_F = 1.25
MOE_DIM = IN_CH * K_SIZE  # 288


def setup_inputs(seed: int = 0) -> dict:
    key = jax.random.key(seed)
    ks = jax.random.split(key, 7)
    x = jax.random.normal(ks[0], (2, IN_CH, 224, 224), dtype=jnp.float32)
    # depthwise-style conv: groups=IN_CH, out=IN_CH*K_SIZE, torch OIHW layout -> (O, I/g, kh, kw)
    conv_w = jax.random.normal(ks[1], (MOE_DIM, 1, K_SIZE, K_SIZE), dtype=jnp.float32) * 0.1
    router_w = jax.random.normal(ks[2], (MOE_DIM, N_EXPERT), dtype=jnp.float32) * 0.05
    expert_w = jax.random.normal(ks[3], (N_EXPERT, MOE_DIM, OUT_CH), dtype=jnp.float32) * (1.0 / np.sqrt(MOE_DIM))
    expert_b = jnp.zeros((N_EXPERT, OUT_CH), dtype=jnp.float32)
    shared_w = jax.random.normal(ks[4], (MOE_DIM, OUT_CH), dtype=jnp.float32) * (1.0 / np.sqrt(MOE_DIM))
    shared_b = jnp.zeros((OUT_CH,), dtype=jnp.float32)
    return {"x": x, "conv_w": conv_w, "router_w": router_w, "expert_w": expert_w,
            "expert_b": expert_b, "shared_w": shared_w, "shared_b": shared_b}


def _moe(x_flat, router_w, expert_w, expert_b, shared_w, shared_b):
    T, D = x_flat.shape
    C = int(CAP_F * TOP_K * T / N_EXPERT)  # per-expert capacity (drop_tokens=True)
    logits = x_flat @ router_w  # noisy_gating=False -> deterministic
    gates = jax.nn.softmax(logits, axis=-1)
    topv, topi = jax.lax.top_k(gates, TOP_K)  # [T, K]
    topv = topv / (jnp.sum(topv, axis=-1, keepdims=True) + 1e-9)
    prev = jnp.zeros((N_EXPERT,), dtype=jnp.float32)
    disp = jnp.zeros((N_EXPERT, C, D), dtype=x_flat.dtype)
    slots, keeps = [], []
    for k in range(TOP_K):
        m = jax.nn.one_hot(topi[:, k], N_EXPERT, dtype=jnp.float32)  # [T, E]
        loc = jnp.cumsum(m, axis=0) - m + prev[None, :]
        prev = prev + jnp.sum(m, axis=0)
        loc_k = jnp.sum(loc * m, axis=-1)  # [T]
        keep_k = (loc_k < C).astype(x_flat.dtype)
        slot_k = jnp.clip(loc_k, 0, C - 1).astype(jnp.int32)
        disp = disp.at[topi[:, k], slot_k].add(x_flat * keep_k[:, None])  # scatter-add dispatch
        slots.append(slot_k)
        keeps.append(keep_k)
    h = jnp.einsum('ecd,edo->eco', disp, expert_w) + expert_b[:, None, :]  # expert compute
    y = jnp.zeros((T, OUT_CH), dtype=x_flat.dtype)
    for k in range(TOP_K):
        g = h[topi[:, k], slots[k]]  # gather combine
        y = y + topv[:, k:k + 1] * keeps[k][:, None] * g
    y = y + x_flat @ shared_w + shared_b[None, :]  # shared expert (n_shared_expert=1)
    return y


def reference(x, conv_w, router_w, expert_w, expert_b, shared_w, shared_b):
    B, _, H, W = x.shape
    x_conv = jax.lax.conv_general_dilated(
        x, conv_w, window_strides=(1, 1), padding=((1, 1), (1, 1)),
        dimension_numbers=('NCHW', 'OIHW', 'NCHW'), feature_group_count=IN_CH)
    x_flat = jnp.transpose(x_conv, (0, 2, 3, 1)).reshape(-1, MOE_DIM)
    y_flat = _moe(x_flat, router_w, expert_w, expert_b, shared_w, shared_b)
    y = jnp.transpose(y_flat.reshape(B, H, W, OUT_CH), (0, 3, 1, 2))
    return y

if __name__ == "__main__":
    import jax
    _d = setup_inputs()
    print(jax.jit(kernel)(*tuple(_d.values())))

</pallas_src>

<mosaic_0001>
#map = affine_map<(d0, d1) -> (0)>
module attributes {stable_mosaic.version = 14 : i64} {
  func.func @k(%arg0: i32, %arg1: i32, %arg2: memref<200704xi32, #tpu.memory_space<hbm>>, %arg3: memref<200704xi32, #tpu.memory_space<hbm>>, %arg4: memref<200704xi32, #tpu.memory_space<hbm>>, %arg5: memref<253968xi32, #tpu.memory_space<hbm>>, %arg6: memref<6272xi32, #tpu.memory_space<vmem>>, %arg7: memref<6272xi32, #tpu.memory_space<vmem>>, %arg8: memref<6272xi32, #tpu.memory_space<vmem>>, %arg9: memref<128xi32, #tpu.memory_space<vmem>>) attributes {dimension_semantics = [#tpu.dimension_semantics<core_parallel>, #tpu.dimension_semantics<subcore_parallel>], iteration_bounds = array<i64: 2, 16>, scalar_prefetch = 0 : i64, scratch_operands = 4 : i64, tpu.core_type = #tpu.core_type<sc_vector_subcore>, window_params = [{transform_indices = #map}, {transform_indices = #map}, {transform_indices = #map}, {transform_indices = #map}]} {
    %mul3A = arith.constant 2 : i32
    %mul3A_0 = arith.muli %arg1, %mul3A : i32
    %add3A = arith.addi %mul3A_0, %arg0 : i32
    %mul3A_1 = arith.constant 6272 : i32
    %mul3A_2 = arith.muli %add3A, %mul3A_1 : i32
    "tpu.region"() ({
      %run_scoped3A = tpu.sem_alloc : memref<!tpu.dma_semaphore, #tpu.memory_space<semaphore_mem>>
      %dma_start3A = tpu.memref_slice %arg2[%mul3A_2] : memref<200704xi32, #tpu.memory_space<hbm>> -> memref<6272xi32, #tpu.memory_space<hbm>>
      %dma_start3A_9 = tpu.memref_slice %arg2[%mul3A_2] : memref<200704xi32, #tpu.memory_space<hbm>> -> memref<6272xi32, #tpu.memory_space<hbm>>
      tpu.enqueue_dma source(%dma_start3A_9 : memref<6272xi32, #tpu.memory_space<hbm>>) target(%arg6 : memref<6272xi32, #tpu.memory_space<vmem>>) target_semaphore(%run_scoped3A : memref<!tpu.dma_semaphore, #tpu.memory_space<semaphore_mem>>)
      %dma_wait3A = tpu.memref_slice %arg2[%mul3A_2] : memref<200704xi32, #tpu.memory_space<hbm>> -> memref<6272xi32, #tpu.memory_space<hbm>>
      %dma_wait3A_10 = tpu.memref_slice %arg2[%mul3A_2] : memref<200704xi32, #tpu.memory_space<hbm>> -> memref<6272xi32, #tpu.memory_space<hbm>>
      tpu.wait_dma2 semaphore(%run_scoped3A : memref<!tpu.dma_semaphore, #tpu.memory_space<semaphore_mem>>) src(%dma_wait3A_10 : memref<6272xi32, #tpu.memory_space<hbm>>) dst(%arg6 : memref<6272xi32, #tpu.memory_space<vmem>>)
      tpu.yield
    }) : () -> ()
    "tpu.region"() ({
      %run_scoped3A = tpu.sem_alloc : memref<!tpu.dma_semaphore, #tpu.memory_space<semaphore_mem>>
      %dma_start3A = tpu.memref_slice %arg3[%mul3A_2] : memref<200704xi32, #tpu.memory_space<hbm>> -> memref<6272xi32, #tpu.memory_space<hbm>>
      %dma_start3A_9 = tpu.memref_slice %arg3[%mul3A_2] : memref<200704xi32, #tpu.memory_space<hbm>> -> memref<6272xi32, #tpu.memory_space<hbm>>
      tpu.enqueue_dma source(%dma_start3A_9 : memref<6272xi32, #tpu.memory_space<hbm>>) target(%arg7 : memref<6272xi32, #tpu.memory_space<vmem>>) target_semaphore(%run_scoped3A : memref<!tpu.dma_semaphore, #tpu.memory_space<semaphore_mem>>)
      %dma_wait3A = tpu.memref_slice %arg3[%mul3A_2] : memref<200704xi32, #tpu.memory_space<hbm>> -> memref<6272xi32, #tpu.memory_space<hbm>>
      %dma_wait3A_10 = tpu.memref_slice %arg3[%mul3A_2] : memref<200704xi32, #tpu.memory_space<hbm>> -> memref<6272xi32, #tpu.memory_space<hbm>>
      tpu.wait_dma2 semaphore(%run_scoped3A : memref<!tpu.dma_semaphore, #tpu.memory_space<semaphore_mem>>) src(%dma_wait3A_10 : memref<6272xi32, #tpu.memory_space<hbm>>) dst(%arg7 : memref<6272xi32, #tpu.memory_space<vmem>>)
      tpu.yield
    }) : () -> ()
    "tpu.region"() ({
      %run_scoped3A = tpu.sem_alloc : memref<!tpu.dma_semaphore, #tpu.memory_space<semaphore_mem>>
      %dma_start3A = tpu.memref_slice %arg4[%mul3A_2] : memref<200704xi32, #tpu.memory_space<hbm>> -> memref<6272xi32, #tpu.memory_space<hbm>>
      %dma_start3A_9 = tpu.memref_slice %arg4[%mul3A_2] : memref<200704xi32, #tpu.memory_space<hbm>> -> memref<6272xi32, #tpu.memory_space<hbm>>
      tpu.enqueue_dma source(%dma_start3A_9 : memref<6272xi32, #tpu.memory_space<hbm>>) target(%arg8 : memref<6272xi32, #tpu.memory_space<vmem>>) target_semaphore(%run_scoped3A : memref<!tpu.dma_semaphore, #tpu.memory_space<semaphore_mem>>)
      %dma_wait3A = tpu.memref_slice %arg4[%mul3A_2] : memref<200704xi32, #tpu.memory_space<hbm>> -> memref<6272xi32, #tpu.memory_space<hbm>>
      %dma_wait3A_10 = tpu.memref_slice %arg4[%mul3A_2] : memref<200704xi32, #tpu.memory_space<hbm>> -> memref<6272xi32, #tpu.memory_space<hbm>>
      tpu.wait_dma2 semaphore(%run_scoped3A : memref<!tpu.dma_semaphore, #tpu.memory_space<semaphore_mem>>) src(%dma_wait3A_10 : memref<6272xi32, #tpu.memory_space<hbm>>) dst(%arg8 : memref<6272xi32, #tpu.memory_space<vmem>>)
      tpu.yield
    }) : () -> ()
    %scan3A = arith.constant 0 : i32
    %scan3A_3 = arith.constant 0 : i32
    %scan3A_4 = arith.constant 49 : i32
    %scan3A_5 = arith.addi %scan3A_3, %scan3A_4 : i32
    %scan3A_6 = arith.constant 1 : i32
    %scan3A_7 = scf.for %scan3A_9 = %scan3A_3 to %scan3A_5 step %scan3A_6 iter_args(%scan3A_10 = %scan3A) -> (i32)  : i32 {
      %scan3A_11 = arith.constant 0 : i32
      %scan3A_12 = arith.constant 0 : i32
      %mul3A_13 = arith.constant 128 : i32
      %mul3A_14 = arith.muli %scan3A_9, %mul3A_13 : i32
      %mul3A_15 = arith.constant 16 : i32
      %mul3A_16 = arith.muli %scan3A_12, %mul3A_15 : i32
      %add3A_17 = arith.addi %mul3A_14, %mul3A_16 : i32
      %get3A = arith.index_cast %add3A_17 : i32 to index
      %get3A_18 = tpu.vector_load %arg6[%get3A] {strides = array<i32>} : memref<6272xi32, #tpu.memory_space<vmem>>, vector<16xi32>,
      %get3A_19 = vector.shape_cast %get3A_18 : vector<16xi32> to vector<16xi32>
      %get3A_20 = arith.index_cast %add3A_17 : i32 to index
      %get3A_21 = tpu.vector_load %arg7[%get3A_20] {strides = array<i32>} : memref<6272xi32, #tpu.memory_space<vmem>>, vector<16xi32>,
      %get3A_22 = vector.shape_cast %get3A_21 : vector<16xi32> to vector<16xi32>
      %lt3A = arith.constant 3920 : i32
      %lt3A_23 = vector.broadcast %lt3A : i32 to vector<16xi32>
      %lt3A_24 = arith.cmpi slt, %get3A_22, %lt3A_23 : vector<16xi32>
      %mul3A_25 = arith.constant 3968 : i32
      %mul3A_26 = vector.broadcast %mul3A_25 : i32 to vector<16xi32>
      %mul3A_27 = arith.muli %get3A_19, %mul3A_26 : vector<16xi32>
      %add3A_28 = arith.addi %mul3A_27, %get3A_22 : vector<16xi32>
      %jit3A = arith.constant 253952 : i32
      %broadcast_in_dim3A = vector.broadcast %jit3A : i32 to vector<16xi32>
      %select_n3A = arith.select %lt3A_24, %add3A_28, %broadcast_in_dim3A : vector<16xi1>, vector<16xi32>
      %mul3A_29 = arith.constant 16 : i32
      %mul3A_30 = arith.muli %scan3A_12, %mul3A_29 : i32
      %swap3A = arith.index_cast %mul3A_30 : i32 to index
      %swap3A_31 = tpu.vector_load %arg9[%swap3A] {strides = array<i32>} : memref<128xi32, #tpu.memory_space<vmem>>, vector<16xi32>,
      %swap3A_32 = vector.shape_cast %swap3A_31 : vector<16xi32> to vector<16xi32>
      %swap3A_33 = vector.shape_cast %select_n3A : vector<16xi32> to vector<16xi32>
      tpu.vector_store %arg9[%swap3A], %swap3A_33 {strides = array<i32>} : memref<128xi32, #tpu.memory_space<vmem>>, vector<16xi32>,
      %scan3A_34 = arith.constant 0 : i32
      %scan3A_35 = arith.constant 1 : i32
      %mul3A_36 = arith.constant 128 : i32
      %mul3A_37 = arith.muli %scan3A_9, %mul3A_36 : i32
      %mul3A_38 = arith.constant 16 : i32
      %mul3A_39 = arith.muli %scan3A_35, %mul3A_38 : i32
      %add3A_40 = arith.addi %mul3A_37, %mul3A_39 : i32
      %get3A_41 = arith.index_cast %add3A_40 : i32 to index
      %get3A_42 = tpu.vector_load %arg6[%get3A_41] {strides = array<i32>} : memref<6272xi32, #tpu.memory_space<vmem>>, vector<16xi32>,
      %get3A_43 = vector.shape_cast %get3A_42 : vector<16xi32> to vector<16xi32>
      %get3A_44 = arith.index_cast %add3A_40 : i32 to index
      %get3A_45 = tpu.vector_load %arg7[%get3A_44] {strides = array<i32>} : memref<6272xi32, #tpu.memory_space<vmem>>, vector<16xi32>,
      %get3A_46 = vector.shape_cast %get3A_45 : vector<16xi32> to vector<16xi32>
      %lt3A_47 = arith.constant 3920 : i32
      %lt3A_48 = vector.broadcast %lt3A_47 : i32 to vector<16xi32>
      %lt3A_49 = arith.cmpi slt, %get3A_46, %lt3A_48 : vector<16xi32>
      %mul3A_50 = arith.constant 3968 : i32
      %mul3A_51 = vector.broadcast %mul3A_50 : i32 to vector<16xi32>
      %mul3A_52 = arith.muli %get3A_43, %mul3A_51 : vector<16xi32>
      %add3A_53 = arith.addi %mul3A_52, %get3A_46 : vector<16xi32>
      %jit3A_54 = arith.constant 253952 : i32
      %broadcast_in_dim3A_55 = vector.broadcast %jit3A_54 : i32 to vector<16xi32>
      %select_n3A_56 = arith.select %lt3A_49, %add3A_53, %broadcast_in_dim3A_55 : vector<16xi1>, vector<16xi32>
      %mul3A_57 = arith.constant 16 : i32
      %mul3A_58 = arith.muli %scan3A_35, %mul3A_57 : i32
      %swap3A_59 = arith.index_cast %mul3A_58 : i32 to index
      %swap3A_60 = tpu.vector_load %arg9[%swap3A_59] {strides = array<i32>} : memref<128xi32, #tpu.memory_space<vmem>>, vector<16xi32>,
      %swap3A_61 = vector.shape_cast %swap3A_60 : vector<16xi32> to vector<16xi32>
      %swap3A_62 = vector.shape_cast %select_n3A_56 : vector<16xi32> to vector<16xi32>
      tpu.vector_store %arg9[%swap3A_59], %swap3A_62 {strides = array<i32>} : memref<128xi32, #tpu.memory_space<vmem>>, vector<16xi32>,
      %scan3A_63 = arith.constant 0 : i32
      %scan3A_64 = arith.constant 2 : i32
      %mul3A_65 = arith.constant 128 : i32
      %mul3A_66 = arith.muli %scan3A_9, %mul3A_65 : i32
      %mul3A_67 = arith.constant 16 : i32
      %mul3A_68 = arith.muli %scan3A_64, %mul3A_67 : i32
      %add3A_69 = arith.addi %mul3A_66, %mul3A_68 : i32
      %get3A_70 = arith.index_cast %add3A_69 : i32 to index
      %get3A_71 = tpu.vector_load %arg6[%get3A_70] {strides = array<i32>} : memref<6272xi32, #tpu.memory_space<vmem>>, vector<16xi32>,
      %get3A_72 = vector.shape_cast %get3A_71 : vector<16xi32> to vector<16xi32>
      %get3A_73 = arith.index_cast %add3A_69 : i32 to index
      %get3A_74 = tpu.vector_load %arg7[%get3A_73] {strides = array<i32>} : memref<6272xi32, #tpu.memory_space<vmem>>, vector<16xi32>,
      %get3A_75 = vector.shape_cast %get3A_74 : vector<16xi32> to vector<16xi32>
      %lt3A_76 = arith.constant 3920 : i32
      %lt3A_77 = vector.broadcast %lt3A_76 : i32 to vector<16xi32>
      %lt3A_78 = arith.cmpi slt, %get3A_75, %lt3A_77 : vector<16xi32>
      %mul3A_79 = arith.constant 3968 : i32
      %mul3A_80 = vector.broadcast %mul3A_79 : i32 to vector<16xi32>
      %mul3A_81 = arith.muli %get3A_72, %mul3A_80 : vector<16xi32>
      %add3A_82 = arith.addi %mul3A_81, %get3A_75 : vector<16xi32>
      %jit3A_83 = arith.constant 253952 : i32
      %broadcast_in_dim3A_84 = vector.broadcast %jit3A_83 : i32 to vector<16xi32>
      %select_n3A_85 = arith.select %lt3A_78, %add3A_82, %broadcast_in_dim3A_84 : vector<16xi1>, vector<16xi32>
      %mul3A_86 = arith.constant 16 : i32
      %mul3A_87 = arith.muli %scan3A_64, %mul3A_86 : i32
      %swap3A_88 = arith.index_cast %mul3A_87 : i32 to index
      %swap3A_89 = tpu.vector_load %arg9[%swap3A_88] {strides = array<i32>} : memref<128xi32, #tpu.memory_space<vmem>>, vector<16xi32>,
      %swap3A_90 = vector.shape_cast %swap3A_89 : vector<16xi32> to vector<16xi32>
      %swap3A_91 = vector.shape_cast %select_n3A_85 : vector<16xi32> to vector<16xi32>
      tpu.vector_store %arg9[%swap3A_88], %swap3A_91 {strides = array<i32>} : memref<128xi32, #tpu.memory_space<vmem>>, vector<16xi32>,
      %scan3A_92 = arith.constant 0 : i32
      %scan3A_93 = arith.constant 3 : i32
      %mul3A_94 = arith.constant 128 : i32
      %mul3A_95 = arith.muli %scan3A_9, %mul3A_94 : i32
      %mul3A_96 = arith.constant 16 : i32
      %mul3A_97 = arith.muli %scan3A_93, %mul3A_96 : i32
      %add3A_98 = arith.addi %mul3A_95, %mul3A_97 : i32
      %get3A_99 = arith.index_cast %add3A_98 : i32 to index
      %get3A_100 = tpu.vector_load %arg6[%get3A_99] {strides = array<i32>} : memref<6272xi32, #tpu.memory_space<vmem>>, vector<16xi32>,
      %get3A_101 = vector.shape_cast %get3A_100 : vector<16xi32> to vector<16xi32>
      %get3A_102 = arith.index_cast %add3A_98 : i32 to index
      %get3A_103 = tpu.vector_load %arg7[%get3A_102] {strides = array<i32>} : memref<6272xi32, #tpu.memory_space<vmem>>, vector<16xi32>,
      %get3A_104 = vector.shape_cast %get3A_103 : vector<16xi32> to vector<16xi32>
      %lt3A_105 = arith.constant 3920 : i32
      %lt3A_106 = vector.broadcast %lt3A_105 : i32 to vector<16xi32>
      %lt3A_107 = arith.cmpi slt, %get3A_104, %lt3A_106 : vector<16xi32>
      %mul3A_108 = arith.constant 3968 : i32
      %mul3A_109 = vector.broadcast %mul3A_108 : i32 to vector<16xi32>
      %mul3A_110 = arith.muli %get3A_101, %mul3A_109 : vector<16xi32>
      %add3A_111 = arith.addi %mul3A_110, %get3A_104 : vector<16xi32>
      %jit3A_112 = arith.constant 253952 : i32
      %broadcast_in_dim3A_113 = vector.broadcast %jit3A_112 : i32 to vector<16xi32>
      %select_n3A_114 = arith.select %lt3A_107, %add3A_111, %broadcast_in_dim3A_113 : vector<16xi1>, vector<16xi32>
      %mul3A_115 = arith.constant 16 : i32
      %mul3A_116 = arith.muli %scan3A_93, %mul3A_115 : i32
      %swap3A_117 = arith.index_cast %mul3A_116 : i32 to index
      %swap3A_118 = tpu.vector_load %arg9[%swap3A_117] {strides = array<i32>} : memref<128xi32, #tpu.memory_space<vmem>>, vector<16xi32>,
      %swap3A_119 = vector.shape_cast %swap3A_118 : vector<16xi32> to vector<16xi32>
      %swap3A_120 = vector.shape_cast %select_n3A_114 : vector<16xi32> to vector<16xi32>
      tpu.vector_store %arg9[%swap3A_117], %swap3A_120 {strides = array<i32>} : memref<128xi32, #tpu.memory_space<vmem>>, vector<16xi32>,
      %scan3A_121 = arith.constant 0 : i32
      %scan3A_122 = arith.constant 4 : i32
      %mul3A_123 = arith.constant 128 : i32
      %mul3A_124 = arith.muli %scan3A_9, %mul3A_123 : i32
      %mul3A_125 = arith.constant 16 : i32
      %mul3A_126 = arith.muli %scan3A_122, %mul3A_125 : i32
      %add3A_127 = arith.addi %mul3A_124, %mul3A_126 : i32
      %get3A_128 = arith.index_cast %add3A_127 : i32 to index
      %get3A_129 = tpu.vector_load %arg6[%get3A_128] {strides = array<i32>} : memref<6272xi32, #tpu.memory_space<vmem>>, vector<16xi32>,
      %get3A_130 = vector.shape_cast %get3A_129 : vector<16xi32> to vector<16xi32>
      %get3A_131 = arith.index_cast %add3A_127 : i32 to index
      %get3A_132 = tpu.vector_load %arg7[%get3A_131] {strides = array<i32>} : memref<6272xi32, #tpu.memory_space<vmem>>, vector<16xi32>,
      %get3A_133 = vector.shape_cast %get3A_132 : vector<16xi32> to vector<16xi32>
      %lt3A_134 = arith.constant 3920 : i32
      %lt3A_135 = vector.broadcast %lt3A_134 : i32 to vector<16xi32>
      %lt3A_136 = arith.cmpi slt, %get3A_133, %lt3A_135 : vector<16xi32>
      %mul3A_137 = arith.constant 3968 : i32
      %mul3A_138 = vector.broadcast %mul3A_137 : i32 to vector<16xi32>
      %mul3A_139 = arith.muli %get3A_130, %mul3A_138 : vector<16xi32>
      %add3A_140 = arith.addi %mul3A_139, %get3A_133 : vector<16xi32>
      %jit3A_141 = arith.constant 253952 : i32
      %broadcast_in_dim3A_142 = vector.broadcast %jit3A_141 : i32 to vector<16xi32>
      %select_n3A_143 = arith.select %lt3A_136, %add3A_140, %broadcast_in_dim3A_142 : vector<16xi1>, vector<16xi32>
      %mul3A_144 = arith.constant 16 : i32
      %mul3A_145 = arith.muli %scan3A_122, %mul3A_144 : i32
      %swap3A_146 = arith.index_cast %mul3A_145 : i32 to index
      %swap3A_147 = tpu.vector_load %arg9[%swap3A_146] {strides = array<i32>} : memref<128xi32, #tpu.memory_space<vmem>>, vector<16xi32>,
      %swap3A_148 = vector.shape_cast %swap3A_147 : vector<16xi32> to vector<16xi32>
      %swap3A_149 = vector.shape_cast %select_n3A_143 : vector<16xi32> to vector<16xi32>
      tpu.vector_store %arg9[%swap3A_146], %swap3A_149 {strides = array<i32>} : memref<128xi32, #tpu.memory_space<vmem>>, vector<16xi32>,
      %scan3A_150 = arith.constant 0 : i32
      %scan3A_151 = arith.constant 5 : i32
      %mul3A_152 = arith.constant 128 : i32
      %mul3A_153 = arith.muli %scan3A_9, %mul3A_152 : i32
      %mul3A_154 = arith.constant 16 : i32
      %mul3A_155 = arith.muli %scan3A_151, %mul3A_154 : i32
      %add3A_156 = arith.addi %mul3A_153, %mul3A_155 : i32
      %get3A_157 = arith.index_cast %add3A_156 : i32 to index
      %get3A_158 = tpu.vector_load %arg6[%get3A_157] {strides = array<i32>} : memref<6272xi32, #tpu.memory_space<vmem>>, vector<16xi32>,
      %get3A_159 = vector.shape_cast %get3A_158 : vector<16xi32> to vector<16xi32>
      %get3A_160 = arith.index_cast %add3A_156 : i32 to index
      %get3A_161 = tpu.vector_load %arg7[%get3A_160] {strides = array<i32>} : memref<6272xi32, #tpu.memory_space<vmem>>, vector<16xi32>,
      %get3A_162 = vector.shape_cast %get3A_161 : vector<16xi32> to vector<16xi32>
      %lt3A_163 = arith.constant 3920 : i32
      %lt3A_164 = vector.broadcast %lt3A_163 : i32 to vector<16xi32>
      %lt3A_165 = arith.cmpi slt, %get3A_162, %lt3A_164 : vector<16xi32>
      %mul3A_166 = arith.constant 3968 : i32
      %mul3A_167 = vector.broadcast %mul3A_166 : i32 to vector<16xi32>
      %mul3A_168 = arith.muli %get3A_159, %mul3A_167 : vector<16xi32>
      %add3A_169 = arith.addi %mul3A_168, %get3A_162 : vector<16xi32>
      %jit3A_170 = arith.constant 253952 : i32
      %broadcast_in_dim3A_171 = vector.broadcast %jit3A_170 : i32 to vector<16xi32>
      %select_n3A_172 = arith.select %lt3A_165, %add3A_169, %broadcast_in_dim3A_171 : vector<16xi1>, vector<16xi32>
      %mul3A_173 = arith.constant 16 : i32
      %mul3A_174 = arith.muli %scan3A_151, %mul3A_173 : i32
      %swap3A_175 = arith.index_cast %mul3A_174 : i32 to index
      %swap3A_176 = tpu.vector_load %arg9[%swap3A_175] {strides = array<i32>} : memref<128xi32, #tpu.memory_space<vmem>>, vector<16xi32>,
      %swap3A_177 = vector.shape_cast %swap3A_176 : vector<16xi32> to vector<16xi32>
      %swap3A_178 = vector.shape_cast %select_n3A_172 : vector<16xi32> to vector<16xi32>
      tpu.vector_store %arg9[%swap3A_175], %swap3A_178 {strides = array<i32>} : memref<128xi32, #tpu.memory_space<vmem>>, vector<16xi32>,
      %scan3A_179 = arith.constant 0 : i32
      %scan3A_180 = arith.constant 6 : i32
      %mul3A_181 = arith.constant 128 : i32
      %mul3A_182 = arith.muli %scan3A_9, %mul3A_181 : i32
      %mul3A_183 = arith.constant 16 : i32
      %mul3A_184 = arith.muli %scan3A_180, %mul3A_183 : i32
      %add3A_185 = arith.addi %mul3A_182, %mul3A_184 : i32
      %get3A_186 = arith.index_cast %add3A_185 : i32 to index
      %get3A_187 = tpu.vector_load %arg6[%get3A_186] {strides = array<i32>} : memref<6272xi32, #tpu.memory_space<vmem>>, vector<16xi32>,
      %get3A_188 = vector.shape_cast %get3A_187 : vector<16xi32> to vector<16xi32>
      %get3A_189 = arith.index_cast %add3A_185 : i32 to index
      %get3A_190 = tpu.vector_load %arg7[%get3A_189] {strides = array<i32>} : memref<6272xi32, #tpu.memory_space<vmem>>, vector<16xi32>,
      %get3A_191 = vector.shape_cast %get3A_190 : vector<16xi32> to vector<16xi32>
      %lt3A_192 = arith.constant 3920 : i32
      %lt3A_193 = vector.broadcast %lt3A_192 : i32 to vector<16xi32>
      %lt3A_194 = arith.cmpi slt, %get3A_191, %lt3A_193 : vector<16xi32>
      %mul3A_195 = arith.constant 3968 : i32
      %mul3A_196 = vector.broadcast %mul3A_195 : i32 to vector<16xi32>
      %mul3A_197 = arith.muli %get3A_188, %mul3A_196 : vector<16xi32>
      %add3A_198 = arith.addi %mul3A_197, %get3A_191 : vector<16xi32>
      %jit3A_199 = arith.constant 253952 : i32
      %broadcast_in_dim3A_200 = vector.broadcast %jit3A_199 : i32 to vector<16xi32>
      %select_n3A_201 = arith.select %lt3A_194, %add3A_198, %broadcast_in_dim3A_200 : vector<16xi1>, vector<16xi32>
      %mul3A_202 = arith.constant 16 : i32
      %mul3A_203 = arith.muli %scan3A_180, %mul3A_202 : i32
      %swap3A_204 = arith.index_cast %mul3A_203 : i32 to index
      %swap3A_205 = tpu.vector_load %arg9[%swap3A_204] {strides = array<i32>} : memref<128xi32, #tpu.memory_space<vmem>>, vector<16xi32>,
      %swap3A_206 = vector.shape_cast %swap3A_205 : vector<16xi32> to vector<16xi32>
      %swap3A_207 = vector.shape_cast %select_n3A_201 : vector<16xi32> to vector<16xi32>
      tpu.vector_store %arg9[%swap3A_204], %swap3A_207 {strides = array<i32>} : memref<128xi32, #tpu.memory_space<vmem>>, vector<16xi32>,
      %scan3A_208 = arith.constant 0 : i32
      %scan3A_209 = arith.constant 7 : i32
      %mul3A_210 = arith.constant 128 : i32
      %mul3A_211 = arith.muli %scan3A_9, %mul3A_210 : i32
      %mul3A_212 = arith.constant 16 : i32
      %mul3A_213 = arith.muli %scan3A_209, %mul3A_212 : i32
      %add3A_214 = arith.addi %mul3A_211, %mul3A_213 : i32
      %get3A_215 = arith.index_cast %add3A_214 : i32 to index
      %get3A_216 = tpu.vector_load %arg6[%get3A_215] {strides = array<i32>} : memref<6272xi32, #tpu.memory_space<vmem>>, vector<16xi32>,
      %get3A_217 = vector.shape_cast %get3A_216 : vector<16xi32> to vector<16xi32>
      %get3A_218 = arith.index_cast %add3A_214 : i32 to index
      %get3A_219 = tpu.vector_load %arg7[%get3A_218] {strides = array<i32>} : memref<6272xi32, #tpu.memory_space<vmem>>, vector<16xi32>,
      %get3A_220 = vector.shape_cast %get3A_219 : vector<16xi32> to vector<16xi32>
      %lt3A_221 = arith.constant 3920 : i32
      %lt3A_222 = vector.broadcast %lt3A_221 : i32 to vector<16xi32>
      %lt3A_223 = arith.cmpi slt, %get3A_220, %lt3A_222 : vector<16xi32>
      %mul3A_224 = arith.constant 3968 : i32
      %mul3A_225 = vector.broadcast %mul3A_224 : i32 to vector<16xi32>
      %mul3A_226 = arith.muli %get3A_217, %mul3A_225 : vector<16xi32>
      %add3A_227 = arith.addi %mul3A_226, %get3A_220 : vector<16xi32>
      %jit3A_228 = arith.constant 253952 : i32
      %broadcast_in_dim3A_229 = vector.broadcast %jit3A_228 : i32 to vector<16xi32>
      %select_n3A_230 = arith.select %lt3A_223, %add3A_227, %broadcast_in_dim3A_229 : vector<16xi1>, vector<16xi32>
      %mul3A_231 = arith.constant 16 : i32
      %mul3A_232 = arith.muli %scan3A_209, %mul3A_231 : i32
      %swap3A_233 = arith.index_cast %mul3A_232 : i32 to index
      %swap3A_234 = tpu.vector_load %arg9[%swap3A_233] {strides = array<i32>} : memref<128xi32, #tpu.memory_space<vmem>>, vector<16xi32>,
      %swap3A_235 = vector.shape_cast %swap3A_234 : vector<16xi32> to vector<16xi32>
      %swap3A_236 = vector.shape_cast %select_n3A_230 : vector<16xi32> to vector<16xi32>
      tpu.vector_store %arg9[%swap3A_233], %swap3A_236 {strides = array<i32>} : memref<128xi32, #tpu.memory_space<vmem>>, vector<16xi32>,
      %scan3A_237 = arith.constant 0 : i32
      %scan3A_238 = arith.constant 8 : i32
      %mul3A_239 = arith.constant 128 : i32
      %mul3A_240 = arith.muli %scan3A_9, %mul3A_239 : i32
      "tpu.region"() ({
        %run_scoped3A = tpu.sem_alloc : memref<!tpu.dma_semaphore, #tpu.memory_space<semaphore_mem>>
        %dma_start3A = tpu.memref_slice %arg8[%mul3A_240] : memref<6272xi32, #tpu.memory_space<vmem>> -> memref<128xi32, #tpu.memory_space<vmem>>
        %dma_start3A_242 = arith.constant 0 : i32
        %dma_start3A_243 = tpu.memref_slice %arg5[%dma_start3A_242] : memref<253968xi32, #tpu.memory_space<hbm>> -> memref<253968xi32, #tpu.memory_space<hbm>>
        tpu.enqueue_indirect_dma source(%dma_start3A : memref<128xi32, #tpu.memory_space<vmem>>) target(%dma_start3A_243 : memref<253968xi32, #tpu.memory_space<hbm>>) offsets(%arg9 : memref<128xi32, #tpu.memory_space<vmem>>) semaphore(%run_scoped3A : memref<!tpu.dma_semaphore, #tpu.memory_space<semaphore_mem>>)
        %dma_wait3A = tpu.memref_slice %arg8[%mul3A_240] : memref<6272xi32, #tpu.memory_space<vmem>> -> memref<128xi32, #tpu.memory_space<vmem>>
        %dma_wait3A_244 = arith.constant 0 : i32
        %dma_wait3A_245 = tpu.memref_slice %arg5[%dma_wait3A_244] : memref<253968xi32, #tpu.memory_space<hbm>> -> memref<253968xi32, #tpu.memory_space<hbm>>
        tpu.wait_indirect_dma semaphore(%run_scoped3A : memref<!tpu.dma_semaphore, #tpu.memory_space<semaphore_mem>>) src(%dma_wait3A : memref<128xi32, #tpu.memory_space<vmem>>) dst(%dma_wait3A_245 : memref<253968xi32, #tpu.memory_space<hbm>>)
        tpu.yield
      }) : () -> ()
      %scan3A_241 = arith.constant 0 : i32
      scf.yield %scan3A_241 : i32
    }
    %scan3A_8 = arith.constant 49 : i32
    return
  }
}

#map = affine_map<(d0, d1) -> (0)>
#map1 = affine_map<(d0, d1) -> (0, 0)>
module attributes {stable_mosaic.version = 14 : i64} {
  func.func @k(%arg0: i32, %arg1: i32, %arg2: memref<253952xi32, #tpu.memory_space<hbm>>, %arg3: memref<100352x288xf32, #tpu.memory_space<hbm>>, %arg4: memref<253952x288xf32, #tpu.memory_space<hbm>>, %arg5: memref<7936xi32, #tpu.memory_space<vmem>>, %arg6: memref<128xi32, #tpu.memory_space<vmem>>, %arg7: memref<128xi32, #tpu.memory_space<vmem>>, %arg8: memref<128x288xf32, #tpu.memory_space<vmem>>, %arg9: memref<128x288xf32, #tpu.memory_space<vmem>>, %arg10: memref<!tpu.dma_semaphore, #tpu.memory_space<semaphore_mem>>, %arg11: memref<!tpu.dma_semaphore, #tpu.memory_space<semaphore_mem>>) attributes {dimension_semantics = [#tpu.dimension_semantics<core_parallel>, #tpu.dimension_semantics<subcore_parallel>], iteration_bounds = array<i64: 2, 16>, scalar_prefetch = 0 : i64, scratch_operands = 7 : i64, tpu.core_type = #tpu.core_type<sc_vector_subcore>, window_params = [{transform_indices = #map}, {transform_indices = #map1}, {transform_indices = #map1}]} {
    %mul3A = arith.constant 2 : i32
    %mul3A_0 = arith.muli %arg1, %mul3A : i32
    %add3A = arith.addi %mul3A_0, %arg0 : i32
    %mul3A_1 = arith.constant 7936 : i32
    %mul3A_2 = arith.muli %add3A, %mul3A_1 : i32
    "tpu.region"() ({
      %run_scoped3A = tpu.sem_alloc : memref<!tpu.dma_semaphore, #tpu.memory_space<semaphore_mem>>
      %dma_start3A = tpu.memref_slice %arg2[%mul3A_2] : memref<253952xi32, #tpu.memory_space<hbm>> -> memref<7936xi32, #tpu.memory_space<hbm>>
      %dma_start3A_16 = tpu.memref_slice %arg2[%mul3A_2] : memref<253952xi32, #tpu.memory_space<hbm>> -> memref<7936xi32, #tpu.memory_space<hbm>>
      tpu.enqueue_dma source(%dma_start3A_16 : memref<7936xi32, #tpu.memory_space<hbm>>) target(%arg5 : memref<7936xi32, #tpu.memory_space<vmem>>) target_semaphore(%run_scoped3A : memref<!tpu.dma_semaphore, #tpu.memory_space<semaphore_mem>>)
      %dma_wait3A = tpu.memref_slice %arg2[%mul3A_2] : memref<253952xi32, #tpu.memory_space<hbm>> -> memref<7936xi32, #tpu.memory_space<hbm>>
      %dma_wait3A_17 = tpu.memref_slice %arg2[%mul3A_2] : memref<253952xi32, #tpu.memory_space<hbm>> -> memref<7936xi32, #tpu.memory_space<hbm>>
      tpu.wait_dma2 semaphore(%run_scoped3A : memref<!tpu.dma_semaphore, #tpu.memory_space<semaphore_mem>>) src(%dma_wait3A_17 : memref<7936xi32, #tpu.memory_space<hbm>>) dst(%arg5 : memref<7936xi32, #tpu.memory_space<vmem>>)
      tpu.yield
    }) : () -> ()
    %scan3A = arith.constant 0 : i32
    %scan3A_3 = arith.constant 0 : i32
    %scan3A_4 = arith.constant 496 : i32
    %scan3A_5 = arith.addi %scan3A_3, %scan3A_4 : i32
    %scan3A_6 = arith.constant 1 : i32
    %scan3A_7 = scf.for %scan3A_16 = %scan3A_3 to %scan3A_5 step %scan3A_6 iter_args(%scan3A_17 = %scan3A) -> (i32)  : i32 {
      %mul3A_18 = arith.constant 16 : i32
      %mul3A_19 = arith.muli %scan3A_16, %mul3A_18 : i32
      %get3A = arith.index_cast %mul3A_19 : i32 to index
      %get3A_20 = tpu.vector_load %arg5[%get3A] {strides = array<i32>} : memref<7936xi32, #tpu.memory_space<vmem>>, vector<16xi32>,
      %get3A_21 = vector.shape_cast %get3A_20 : vector<16xi32> to vector<16xi32>
      %jit3A = arith.constant 0 : i32
      %jit3A_22 = arith.constant 100351 : i32
      %max3A = vector.broadcast %jit3A : i32 to vector<16xi32>
      %max3A_23 = arith.maxsi %max3A, %get3A_21 : vector<16xi32>
      %min3A = vector.broadcast %jit3A_22 : i32 to vector<16xi32>
      %min3A_24 = arith.minsi %min3A, %max3A_23 : vector<16xi32>
      %swap3A = arith.index_cast %mul3A_19 : i32 to index
      %swap3A_25 = tpu.vector_load %arg5[%swap3A] {strides = array<i32>} : memref<7936xi32, #tpu.memory_space<vmem>>, vector<16xi32>,
      %swap3A_26 = vector.shape_cast %swap3A_25 : vector<16xi32> to vector<16xi32>
      %swap3A_27 = vector.shape_cast %min3A_24 : vector<16xi32> to vector<16xi32>
      tpu.vector_store %arg5[%swap3A], %swap3A_27 {strides = array<i32>} : memref<7936xi32, #tpu.memory_space<vmem>>, vector<16xi32>,
      %scan3A_28 = arith.constant 0 : i32
      scf.yield %scan3A_28 : i32
    }
    %scan3A_8 = arith.constant 496 : i32
    %scan3A_9 = arith.constant 0 : i32
    %scan3A_10 = arith.constant 0 : i32
    %scan3A_11 = arith.constant 31 : i32
    %scan3A_12 = arith.addi %scan3A_10, %scan3A_11 : i32
    %scan3A_13 = arith.constant 1 : i32
    %scan3A_14 = scf.for %scan3A_16 = %scan3A_10 to %scan3A_12 step %scan3A_13 iter_args(%scan3A_17 = %scan3A_9) -> (i32)  : i32 {
      %mul3A_18 = arith.constant 2 : i32
      %mul3A_19 = arith.muli %mul3A_18, %scan3A_16 : i32
      %mul3A_20 = arith.constant 128 : i32
      %mul3A_21 = arith.muli %mul3A_19, %mul3A_20 : i32
      %mul3A_22 = arith.constant 2 : i32
      %mul3A_23 = arith.muli %mul3A_22, %scan3A_16 : i32
      %add3A_24 = arith.constant 1 : i32
      %add3A_25 = arith.addi %mul3A_23, %add3A_24 : i32
      %mul3A_26 = arith.constant 128 : i32
      %mul3A_27 = arith.muli %add3A_25, %mul3A_26 : i32
      %scan3A_28 = arith.constant 0 : i32
      %scan3A_29 = arith.constant 0 : i32
      %scan3A_30 = arith.constant 8 : i32
      %scan3A_31 = arith.addi %scan3A_29, %scan3A_30 : i32
      %scan3A_32 = arith.constant 1 : i32
      %scan3A_33 = scf.for %scan3A_64 = %scan3A_29 to %scan3A_31 step %scan3A_32 iter_args(%scan3A_65 = %scan3A_28) -> (i32)  : i32 {
        %mul3A_66 = arith.constant 16 : i32
        %mul3A_67 = arith.muli %scan3A_64, %mul3A_66 : i32
        %mul3A_68 = arith.constant 16 : i32
        %mul3A_69 = arith.muli %scan3A_64, %mul3A_68 : i32
        %add3A_70 = arith.addi %mul3A_21, %mul3A_69 : i32
        %get3A = arith.index_cast %add3A_70 : i32 to index
        %get3A_71 = tpu.vector_load %arg5[%get3A] {strides = array<i32>} : memref<7936xi32, #tpu.memory_space<vmem>>, vector<16xi32>,
        %get3A_72 = vector.shape_cast %get3A_71 : vector<16xi32> to vector<16xi32>
        %swap3A = arith.index_cast %mul3A_67 : i32 to index
        %swap3A_73 = tpu.vector_load %arg6[%swap3A] {strides = array<i32>} : memref<128xi32, #tpu.memory_space<vmem>>, vector<16xi32>,
        %swap3A_74 = vector.shape_cast %swap3A_73 : vector<16xi32> to vector<16xi32>
        %swap3A_75 = vector.shape_cast %get3A_72 : vector<16xi32> to vector<16xi32>
        tpu.vector_store %arg6[%swap3A], %swap3A_75 {strides = array<i32>} : memref<128xi32, #tpu.memory_space<vmem>>, vector<16xi32>,
        %mul3A_76 = arith.constant 16 : i32
        %mul3A_77 = arith.muli %scan3A_64, %mul3A_76 : i32
        %add3A_78 = arith.addi %mul3A_27, %mul3A_77 : i32
        %get3A_79 = arith.index_cast %add3A_78 : i32 to index
        %get3A_80 = tpu.vector_load %arg5[%get3A_79] {strides = array<i32>} : memref<7936xi32, #tpu.memory_space<vmem>>, vector<16xi32>,
        %get3A_81 = vector.shape_cast %get3A_80 : vector<16xi32> to vector<16xi32>
        %swap3A_82 = arith.index_cast %mul3A_67 : i32 to index
        %swap3A_83 = tpu.vector_load %arg7[%swap3A_82] {strides = array<i32>} : memref<128xi32, #tpu.memory_space<vmem>>, vector<16xi32>,
        %swap3A_84 = vector.shape_cast %swap3A_83 : vector<16xi32> to vector<16xi32>
        %swap3A_85 = vector.shape_cast %get3A_81 : vector<16xi32> to vector<16xi32>
        tpu.vector_store %arg7[%swap3A_82], %swap3A_85 {strides = array<i32>} : memref<128xi32, #tpu.memory_space<vmem>>, vector<16xi32>,
        %scan3A_86 = arith.constant 0 : i32
        scf.yield %scan3A_86 : i32
      }
      %scan3A_34 = arith.constant 8 : i32
      %dma_start3A = arith.constant 0 : i32
      %dma_start3A_35 = arith.constant 0 : i32
      %dma_start3A_36 = tpu.memref_slice %arg3[%dma_start3A, %dma_start3A_35] : memref<100352x288xf32, #tpu.memory_space<hbm>> -> memref<100352x288xf32, #tpu.memory_space<hbm>>
      tpu.enqueue_indirect_dma source(%dma_start3A_36 : memref<100352x288xf32, #tpu.memory_space<hbm>>) target(%arg8 : memref<128x288xf32, #tpu.memory_space<vmem>>) offsets(%arg6 : memref<128xi32, #tpu.memory_space<vmem>>) semaphore(%arg10 : memref<!tpu.dma_semaphore, #tpu.memory_space<semaphore_mem>>)
      %dma_start3A_37 = arith.constant 0 : i32
      %dma_start3A_38 = arith.constant 0 : i32
      %dma_start3A_39 = tpu.memref_slice %arg3[%dma_start3A_37, %dma_start3A_38] : memref<100352x288xf32, #tpu.memory_space<hbm>> -> memref<100352x288xf32, #tpu.memory_space<hbm>>
      tpu.enqueue_indirect_dma source(%dma_start3A_39 : memref<100352x288xf32, #tpu.memory_space<hbm>>) target(%arg9 : memref<128x288xf32, #tpu.memory_space<vmem>>) offsets(%arg7 : memref<128xi32, #tpu.memory_space<vmem>>) semaphore(%arg11 : memref<!tpu.dma_semaphore, #tpu.memory_space<semaphore_mem>>)
      %dma_wait3A = arith.constant 0 : i32
      %dma_wait3A_40 = arith.constant 0 : i32
      %dma_wait3A_41 = tpu.memref_slice %arg3[%dma_wait3A, %dma_wait3A_40] : memref<100352x288xf32, #tpu.memory_space<hbm>> -> memref<100352x288xf32, #tpu.memory_space<hbm>>
      tpu.wait_indirect_dma semaphore(%arg10 : memref<!tpu.dma_semaphore, #tpu.memory_space<semaphore_mem>>) src(%dma_wait3A_41 : memref<100352x288xf32, #tpu.memory_space<hbm>>) dst(%arg8 : memref<128x288xf32, #tpu.memory_space<vmem>>)
      %add3A_42 = arith.addi %mul3A_2, %mul3A_21 : i32
      %dma_start3A_43 = arith.constant 0 : i32
      %dma_start3A_44 = tpu.memref_slice %arg4[%add3A_42, %dma_start3A_43] : memref<253952x288xf32, #tpu.memory_space<hbm>> -> memref<128x288xf32, #tpu.memory_space<hbm>>
      %dma_start3A_45 = arith.constant 0 : i32
      %dma_start3A_46 = tpu.memref_slice %arg4[%add3A_42, %dma_start3A_45] : memref<253952x288xf32, #tpu.memory_space<hbm>> -> memref<128x288xf32, #tpu.memory_space<hbm>>
      tpu.enqueue_dma source(%arg8 : memref<128x288xf32, #tpu.memory_space<vmem>>) target(%dma_start3A_46 : memref<128x288xf32, #tpu.memory_space<hbm>>) target_semaphore(%arg10 : memref<!tpu.dma_semaphore, #tpu.memory_space<semaphore_mem>>)
      %dma_wait3A_47 = arith.constant 0 : i32
      %dma_wait3A_48 = arith.constant 0 : i32
      %dma_wait3A_49 = tpu.memref_slice %arg3[%dma_wait3A_47, %dma_wait3A_48] : memref<100352x288xf32, #tpu.memory_space<hbm>> -> memref<100352x288xf32, #tpu.memory_space<hbm>>
      tpu.wait_indirect_dma semaphore(%arg11 : memref<!tpu.dma_semaphore, #tpu.memory_space<semaphore_mem>>) src(%dma_wait3A_49 : memref<100352x288xf32, #tpu.memory_space<hbm>>) dst(%arg9 : memref<128x288xf32, #tpu.memory_space<vmem>>)
      %add3A_50 = arith.addi %mul3A_2, %mul3A_27 : i32
      %dma_start3A_51 = arith.constant 0 : i32
      %dma_start3A_52 = tpu.memref_slice %arg4[%add3A_50, %dma_start3A_51] : memref<253952x288xf32, #tpu.memory_space<hbm>> -> memref<128x288xf32, #tpu.memory_space<hbm>>
      %dma_start3A_53 = arith.constant 0 : i32
      %dma_start3A_54 = tpu.memref_slice %arg4[%add3A_50, %dma_start3A_53] : memref<253952x288xf32, #tpu.memory_space<hbm>> -> memref<128x288xf32, #tpu.memory_space<hbm>>
      tpu.enqueue_dma source(%arg9 : memref<128x288xf32, #tpu.memory_space<vmem>>) target(%dma_start3A_54 : memref<128x288xf32, #tpu.memory_space<hbm>>) target_semaphore(%arg11 : memref<!tpu.dma_semaphore, #tpu.memory_space<semaphore_mem>>)
      %dma_wait3A_55 = arith.constant 0 : i32
      %dma_wait3A_56 = tpu.memref_slice %arg4[%add3A_42, %dma_wait3A_55] : memref<253952x288xf32, #tpu.memory_space<hbm>> -> memref<128x288xf32, #tpu.memory_space<hbm>>
      %dma_wait3A_57 = arith.constant 0 : i32
      %dma_wait3A_58 = tpu.memref_slice %arg4[%add3A_42, %dma_wait3A_57] : memref<253952x288xf32, #tpu.memory_space<hbm>> -> memref<128x288xf32, #tpu.memory_space<hbm>>
      tpu.wait_dma2 semaphore(%arg10 : memref<!tpu.dma_semaphore, #tpu.memory_space<semaphore_mem>>) src(%arg8 : memref<128x288xf32, #tpu.memory_space<vmem>>) dst(%dma_wait3A_58 : memref<128x288xf32, #tpu.memory_space<hbm>>)
      %dma_wait3A_59 = arith.constant 0 : i32
      %dma_wait3A_60 = tpu.memref_slice %arg4[%add3A_50, %dma_wait3A_59] : memref<253952x288xf32, #tpu.memory_space<hbm>> -> memref<128x288xf32, #tpu.memory_space<hbm>>
      %dma_wait3A_61 = arith.constant 0 : i32
      %dma_wait3A_62 = tpu.memref_slice %arg4[%add3A_50, %dma_wait3A_61] : memref<253952x288xf32, #tpu.memory_space<hbm>> -> memref<128x288xf32, #tpu.memory_space<hbm>>
      tpu.wait_dma2 semaphore(%arg11 : memref<!tpu.dma_semaphore, #tpu.memory_space<semaphore_mem>>) src(%arg9 : memref<128x288xf32, #tpu.memory_space<vmem>>) dst(%dma_wait3A_62 : memref<128x288xf32, #tpu.memory_space<hbm>>)
      %scan3A_63 = arith.constant 0 : i32
      scf.yield %scan3A_63 : i32
    }
    %scan3A_15 = arith.constant 31 : i32
    return
  }
}

#map = affine_map<(d0, d1) -> (0)>
#map1 = affine_map<(d0, d1) -> (0, 0)>
module attributes {stable_mosaic.version = 14 : i64} {
  func.func @k(%arg0: i32, %arg1: i32, %arg2: memref<200704xi32, #tpu.memory_space<hbm>>, %arg3: memref<200704xi32, #tpu.memory_space<hbm>>, %arg4: memref<253952x96xf32, #tpu.memory_space<hbm>>, %arg5: memref<200704x96xf32, #tpu.memory_space<hbm>>, %arg6: memref<128xi32, #tpu.memory_space<vmem>>, %arg7: memref<128xi32, #tpu.memory_space<vmem>>, %arg8: memref<128xi32, #tpu.memory_space<vmem>>, %arg9: memref<128x96xf32, #tpu.memory_space<vmem>>, %arg10: memref<!tpu.dma_semaphore, #tpu.memory_space<semaphore_mem>>) attributes {dimension_semantics = [#tpu.dimension_semantics<core_parallel>, #tpu.dimension_semantics<subcore_parallel>], iteration_bounds = array<i64: 2, 16>, scalar_prefetch = 0 : i64, scratch_operands = 5 : i64, tpu.core_type = #tpu.core_type<sc_vector_subcore>, window_params = [{transform_indices = #map}, {transform_indices = #map}, {transform_indices = #map1}, {transform_indices = #map1}]} {
    %mul3A = arith.constant 2 : i32
    %mul3A_0 = arith.muli %arg1, %mul3A : i32
    %add3A = arith.addi %mul3A_0, %arg0 : i32
    %mul3A_1 = arith.constant 6272 : i32
    %mul3A_2 = arith.muli %add3A, %mul3A_1 : i32
    %scan3A = arith.constant 0 : i32
    %scan3A_3 = arith.constant 0 : i32
    %scan3A_4 = arith.constant 49 : i32
    %scan3A_5 = arith.addi %scan3A_3, %scan3A_4 : i32
    %scan3A_6 = arith.constant 1 : i32
    %scan3A_7 = scf.for %scan3A_9 = %scan3A_3 to %scan3A_5 step %scan3A_6 iter_args(%scan3A_10 = %scan3A) -> (i32)  : i32 {
      %mul3A_11 = arith.constant 128 : i32
      %mul3A_12 = arith.muli %scan3A_9, %mul3A_11 : i32
      %add3A_13 = arith.addi %mul3A_2, %mul3A_12 : i32
      "tpu.region"() ({
        %run_scoped3A = tpu.sem_alloc : memref<!tpu.dma_semaphore, #tpu.memory_space<semaphore_mem>>
        %dma_start3A_26 = tpu.memref_slice %arg2[%add3A_13] : memref<200704xi32, #tpu.memory_space<hbm>> -> memref<128xi32, #tpu.memory_space<hbm>>
        %dma_start3A_27 = tpu.memref_slice %arg2[%add3A_13] : memref<200704xi32, #tpu.memory_space<hbm>> -> memref<128xi32, #tpu.memory_space<hbm>>
        tpu.enqueue_dma source(%dma_start3A_27 : memref<128xi32, #tpu.memory_space<hbm>>) target(%arg6 : memref<128xi32, #tpu.memory_space<vmem>>) target_semaphore(%run_scoped3A : memref<!tpu.dma_semaphore, #tpu.memory_space<semaphore_mem>>)
        %dma_wait3A_28 = tpu.memref_slice %arg2[%add3A_13] : memref<200704xi32, #tpu.memory_space<hbm>> -> memref<128xi32, #tpu.memory_space<hbm>>
        %dma_wait3A_29 = tpu.memref_slice %arg2[%add3A_13] : memref<200704xi32, #tpu.memory_space<hbm>> -> memref<128xi32, #tpu.memory_space<hbm>>
        tpu.wait_dma2 semaphore(%run_scoped3A : memref<!tpu.dma_semaphore, #tpu.memory_space<semaphore_mem>>) src(%dma_wait3A_29 : memref<128xi32, #tpu.memory_space<hbm>>) dst(%arg6 : memref<128xi32, #tpu.memory_space<vmem>>)
        tpu.yield
      }) : () -> ()
      "tpu.region"() ({
        %run_scoped3A = tpu.sem_alloc : memref<!tpu.dma_semaphore, #tpu.memory_space<semaphore_mem>>
        %dma_start3A_26 = tpu.memref_slice %arg3[%add3A_13] : memref<200704xi32, #tpu.memory_space<hbm>> -> memref<128xi32, #tpu.memory_space<hbm>>
        %dma_start3A_27 = tpu.memref_slice %arg3[%add3A_13] : memref<200704xi32, #tpu.memory_space<hbm>> -> memref<128xi32, #tpu.memory_space<hbm>>
        tpu.enqueue_dma source(%dma_start3A_27 : memref<128xi32, #tpu.memory_space<hbm>>) target(%arg7 : memref<128xi32, #tpu.memory_space<vmem>>) target_semaphore(%run_scoped3A : memref<!tpu.dma_semaphore, #tpu.memory_space<semaphore_mem>>)
        %dma_wait3A_28 = tpu.memref_slice %arg3[%add3A_13] : memref<200704xi32, #tpu.memory_space<hbm>> -> memref<128xi32, #tpu.memory_space<hbm>>
        %dma_wait3A_29 = tpu.memref_slice %arg3[%add3A_13] : memref<200704xi32, #tpu.memory_space<hbm>> -> memref<128xi32, #tpu.memory_space<hbm>>
        tpu.wait_dma2 semaphore(%run_scoped3A : memref<!tpu.dma_semaphore, #tpu.memory_space<semaphore_mem>>) src(%dma_wait3A_29 : memref<128xi32, #tpu.memory_space<hbm>>) dst(%arg7 : memref<128xi32, #tpu.memory_space<vmem>>)
        tpu.yield
      }) : () -> ()
      %scan3A_14 = arith.constant 0 : i32
      %scan3A_15 = arith.constant 0 : i32
      %scan3A_16 = arith.constant 8 : i32
      %scan3A_17 = arith.addi %scan3A_15, %scan3A_16 : i32
      %scan3A_18 = arith.constant 1 : i32
      %scan3A_19 = scf.for %scan3A_26 = %scan3A_15 to %scan3A_17 step %scan3A_18 iter_args(%scan3A_27 = %scan3A_14) -> (i32)  : i32 {
        %mul3A_28 = arith.constant 16 : i32
        %mul3A_29 = arith.muli %scan3A_26, %mul3A_28 : i32
        %get3A = arith.index_cast %mul3A_29 : i32 to index
        %get3A_30 = tpu.vector_load %arg6[%get3A] {strides = array<i32>} : memref<128xi32, #tpu.memory_space<vmem>>, vector<16xi32>,
        %get3A_31 = vector.shape_cast %get3A_30 : vector<16xi32> to vector<16xi32>
        %mul3A_32 = arith.constant 3968 : i32
        %mul3A_33 = vector.broadcast %mul3A_32 : i32 to vector<16xi32>
        %mul3A_34 = arith.muli %get3A_31, %mul3A_33 : vector<16xi32>
        %get3A_35 = arith.index_cast %mul3A_29 : i32 to index
        %get3A_36 = tpu.vector_load %arg7[%get3A_35] {strides = array<i32>} : memref<128xi32, #tpu.memory_space<vmem>>, vector<16xi32>,
        %get3A_37 = vector.shape_cast %get3A_36 : vector<16xi32> to vector<16xi32>
        %min3A = arith.constant 3919 : i32
        %min3A_38 = vector.broadcast %min3A : i32 to vector<16xi32>
        %min3A_39 = arith.minsi %get3A_37, %min3A_38 : vector<16xi32>
        %add3A_40 = arith.addi %mul3A_34, %min3A_39 : vector<16xi32>
        %swap3A = arith.index_cast %mul3A_29 : i32 to index
        %swap3A_41 = tpu.vector_load %arg8[%swap3A] {strides = array<i32>} : memref<128xi32, #tpu.memory_space<vmem>>, vector<16xi32>,
        %swap3A_42 = vector.shape_cast %swap3A_41 : vector<16xi32> to vector<16xi32>
        %swap3A_43 = vector.shape_cast %add3A_40 : vector<16xi32> to vector<16xi32>
        tpu.vector_store %arg8[%swap3A], %swap3A_43 {strides = array<i32>} : memref<128xi32, #tpu.memory_space<vmem>>, vector<16xi32>,
        %scan3A_44 = arith.constant 0 : i32
        scf.yield %scan3A_44 : i32
      }
      %scan3A_20 = arith.constant 8 : i32
      %dma_start3A = arith.constant 0 : i32
      %dma_start3A_21 = arith.constant 0 : i32
      %dma_start3A_22 = tpu.memref_slice %arg4[%dma_start3A, %dma_start3A_21] : memref<253952x96xf32, #tpu.memory_space<hbm>> -> memref<253952x96xf32, #tpu.memory_space<hbm>>
      tpu.enqueue_indirect_dma source(%dma_start3A_22 : memref<253952x96xf32, #tpu.memory_space<hbm>>) target(%arg9 : memref<128x96xf32, #tpu.memory_space<vmem>>) offsets(%arg8 : memref<128xi32, #tpu.memory_space<vmem>>) semaphore(%arg10 : memref<!tpu.dma_semaphore, #tpu.memory_space<semaphore_mem>>)
      %dma_wait3A = arith.constant 0 : i32
      %dma_wait3A_23 = arith.constant 0 : i32
      %dma_wait3A_24 = tpu.memref_slice %arg4[%dma_wait3A, %dma_wait3A_23] : memref<253952x96xf32, #tpu.memory_space<hbm>> -> memref<253952x96xf32, #tpu.memory_space<hbm>>
      tpu.wait_indirect_dma semaphore(%arg10 : memref<!tpu.dma_semaphore, #tpu.memory_space<semaphore_mem>>) src(%dma_wait3A_24 : memref<253952x96xf32, #tpu.memory_space<hbm>>) dst(%arg9 : memref<128x96xf32, #tpu.memory_space<vmem>>)
      "tpu.region"() ({
        %run_scoped3A = tpu.sem_alloc : memref<!tpu.dma_semaphore, #tpu.memory_space<semaphore_mem>>
        %dma_start3A_26 = arith.constant 0 : i32
        %dma_start3A_27 = tpu.memref_slice %arg5[%add3A_13, %dma_start3A_26] : memref<200704x96xf32, #tpu.memory_space<hbm>> -> memref<128x96xf32, #tpu.memory_space<hbm>>
        %dma_start3A_28 = arith.constant 0 : i32
        %dma_start3A_29 = tpu.memref_slice %arg5[%add3A_13, %dma_start3A_28] : memref<200704x96xf32, #tpu.memory_space<hbm>> -> memref<128x96xf32, #tpu.memory_space<hbm>>
        tpu.enqueue_dma source(%arg9 : memref<128x96xf32, #tpu.memory_space<vmem>>) target(%dma_start3A_29 : memref<128x96xf32, #tpu.memory_space<hbm>>) target_semaphore(%run_scoped3A : memref<!tpu.dma_semaphore, #tpu.memory_space<semaphore_mem>>)
        %dma_wait3A_30 = arith.constant 0 : i32
        %dma_wait3A_31 = tpu.memref_slice %arg5[%add3A_13, %dma_wait3A_30] : memref<200704x96xf32, #tpu.memory_space<hbm>> -> memref<128x96xf32, #tpu.memory_space<hbm>>
        %dma_wait3A_32 = arith.constant 0 : i32
        %dma_wait3A_33 = tpu.memref_slice %arg5[%add3A_13, %dma_wait3A_32] : memref<200704x96xf32, #tpu.memory_space<hbm>> -> memref<128x96xf32, #tpu.memory_space<hbm>>
        tpu.wait_dma2 semaphore(%run_scoped3A : memref<!tpu.dma_semaphore, #tpu.memory_space<semaphore_mem>>) src(%arg9 : memref<128x96xf32, #tpu.memory_space<vmem>>) dst(%dma_wait3A_33 : memref<128x96xf32, #tpu.memory_space<hbm>>)
        tpu.yield
      }) : () -> ()
      %scan3A_25 = arith.constant 0 : i32
      scf.yield %scan3A_25 : i32
    }
    %scan3A_8 = arith.constant 49 : i32
    return
  }
}

module attributes {stable_mosaic.version = 14 : i64} {
  func.func @_stageA_body(%arg0: i32, %arg1: memref<1792x96xf32, #tpu.memory_space<vmem>>, %arg2: memref<1792x96xf32, #tpu.memory_space<vmem>>, %arg3: memref<1792x96xf32, #tpu.memory_space<vmem>>, %arg4: memref<27x96xbf16, #tpu.memory_space<vmem>>, %arg5: memref<288x64xf32, #tpu.memory_space<vmem>>, %arg6: memref<1792x288xf32, #tpu.memory_space<vmem>>, %arg7: memref<1792x2xi32, #tpu.memory_space<vmem>>, %arg8: memref<1792x2xf32, #tpu.memory_space<vmem>>, %arg9: memref<1792x2xi32, #tpu.memory_space<vmem>>, %arg10: memref<1x2x64xf32, #tpu.memory_space<vmem>>) attributes {dimension_semantics = [#tpu.dimension_semantics<arbitrary>], iteration_bounds = array<i64: 56>, scalar_prefetch = 0 : i64, scratch_operands = 0 : i64, tpu.core_type = #tpu.core_type<tc>, window_params = [{transform_indices = @transform_0, window_bounds = array<i64: 1792, 96>}, {transform_indices = @transform_1, window_bounds = array<i64: 1792, 96>}, {transform_indices = @transform_2, window_bounds = array<i64: 1792, 96>}, {pipeline_mode = #tpu.pipeline_mode<synchronous>, transform_indices = @transform_3, window_bounds = array<i64: 27, 96>}, {pipeline_mode = #tpu.pipeline_mode<synchronous>, transform_indices = @transform_4, window_bounds = array<i64: 288, 64>}, {transform_indices = @transform_5, window_bounds = array<i64: 1792, 288>}, {transform_indices = @transform_6, window_bounds = array<i64: 1792, 2>}, {transform_indices = @transform_7, window_bounds = array<i64: 1792, 2>}, {transform_indices = @transform_8, window_bounds = array<i64: 1792, 2>}, {transform_indices = @transform_9, window_bounds = array<i64: 1, 2, 64>}]} {
    %jit3A = arith.constant 28 : i32
    %eq3A = arith.constant 0 : i32
    %eq3A_0 = arith.cmpi eq, %jit3A, %eq3A : i32
    %jit3A_1 = arith.constant 1 : i32
    %select_n3A = arith.select %eq3A_0, %jit3A_1, %jit3A : i32
    %rem3A = arith.remsi %arg0, %select_n3A : i32
    %ne3A = arith.constant 0 : i32
    %ne3A_2 = arith.cmpi ne, %rem3A, %ne3A : i32
    %lt3A = arith.constant 0 : i32
    %lt3A_3 = arith.cmpi slt, %rem3A, %lt3A : i32
    %lt3A_4 = arith.constant 0 : i32
    %lt3A_5 = arith.cmpi slt, %select_n3A, %lt3A_4 : i32
    %ne3A_6 = arith.xori %lt3A_3, %lt3A_5 : i1
    %and3A = arith.andi %ne3A_6, %ne3A_2 : i1
    %add3A = arith.addi %rem3A, %select_n3A : i32
    %select_n3A_7 = arith.select %and3A, %add3A, %rem3A : i32
    %mul3A = arith.constant 8 : i32
    %mul3A_8 = arith.muli %select_n3A_7, %mul3A : i32
    %get3A = arith.constant 0 : index
    %get3A_9 = arith.constant 0 : index
    %get3A_10 = vector.load %arg1[%get3A, %get3A_9] : memref<1792x96xf32, #tpu.memory_space<vmem>>, vector<1792x96xf32>
    %get3A_11 = arith.constant 0 : index
    %get3A_12 = arith.constant 0 : index
    %get3A_13 = vector.load %arg2[%get3A_11, %get3A_12] : memref<1792x96xf32, #tpu.memory_space<vmem>>, vector<1792x96xf32>
    %get3A_14 = arith.constant 0 : index
    %get3A_15 = arith.constant 0 : index
    %get3A_16 = vector.load %arg3[%get3A_14, %get3A_15] : memref<1792x96xf32, #tpu.memory_space<vmem>>, vector<1792x96xf32>
    %concatenate3A = tpu.concatenate %get3A_10, %get3A_13, %get3A_16 in 0 : vector<1792x96xf32>, vector<1792x96xf32>, vector<1792x96xf32> -> vector<5376x96xf32>
    %convert_element_type3A = arith.truncf %concatenate3A : vector<5376x96xf32> to vector<5376x96xbf16>
    %convert_element_type3A_17 = arith.extf %convert_element_type3A : vector<5376x96xbf16> to vector<5376x96xf32>
    %iota3A = tpu.iota {dimensions = array<i32: 0>} : vector<1792x1xi32>
    %jit3A_18 = arith.constant 224 : i32
    %eq3A_19 = arith.constant 0 : i32
    %eq3A_20 = arith.cmpi eq, %jit3A_18, %eq3A_19 : i32
    %jit3A_21 = arith.constant 1 : i32
    %select_n3A_22 = arith.select %eq3A_20, %jit3A_21, %jit3A_18 : i32
    %rem3A_23 = vector.broadcast %select_n3A_22 : i32 to vector<1792x1xi32>
    %rem3A_24 = arith.remsi %iota3A, %rem3A_23 : vector<1792x1xi32>
    %ne3A_25 = arith.constant 0 : i32
    %ne3A_26 = vector.broadcast %ne3A_25 : i32 to vector<1792x1xi32>
    %ne3A_27 = arith.cmpi ne, %rem3A_24, %ne3A_26 : vector<1792x1xi32>
    %lt3A_28 = arith.constant 0 : i32
    %lt3A_29 = vector.broadcast %lt3A_28 : i32 to vector<1792x1xi32>
    %lt3A_30 = arith.cmpi slt, %rem3A_24, %lt3A_29 : vector<1792x1xi32>
    %lt3A_31 = arith.constant 0 : i32
    %lt3A_32 = arith.cmpi slt, %select_n3A_22, %lt3A_31 : i32
    %ne3A_33 = vector.broadcast %lt3A_32 : i1 to vector<1792x1xi1>
    %ne3A_34 = vector.broadcast %ne3A_33 : vector<1792x1xi1> to vector<1792x1xi1>
    %ne3A_35 = arith.xori %lt3A_30, %ne3A_34 : vector<1792x1xi1>
    %and3A_36 = arith.andi %ne3A_35, %ne3A_27 : vector<1792x1xi1>
    %add3A_37 = vector.broadcast %select_n3A_22 : i32 to vector<1792x1xi32>
    %add3A_38 = arith.addi %rem3A_24, %add3A_37 : vector<1792x1xi32>
    %select_n3A_39 = arith.select %and3A_36, %add3A_38, %rem3A_24 : vector<1792x1xi1>, vector<1792x1xi32>
    %jit3A_40 = arith.constant 224 : i32
    %div3A = vector.broadcast %jit3A_40 : i32 to vector<1792x1xi32>
    %div3A_41 = arith.divsi %iota3A, %div3A : vector<1792x1xi32>
    %sign3A = arith.constant 0 : i32
    %sign3A_42 = vector.broadcast %sign3A : i32 to vector<1792x1xi32>
    %sign3A_43 = arith.cmpi sgt, %iota3A, %sign3A_42 : vector<1792x1xi32>
    %sign3A_44 = arith.extui %sign3A_43 : vector<1792x1xi1> to vector<1792x1xi32>
    %sign3A_45 = arith.constant 0 : i32
    %sign3A_46 = vector.broadcast %sign3A_45 : i32 to vector<1792x1xi32>
    %sign3A_47 = arith.cmpi slt, %iota3A, %sign3A_46 : vector<1792x1xi32>
    %sign3A_48 = arith.extui %sign3A_47 : vector<1792x1xi1> to vector<1792x1xi32>
    %sign3A_49 = arith.subi %sign3A_44, %sign3A_48 : vector<1792x1xi32>
    %sign3A_50 = arith.constant 0 : i32
    %sign3A_51 = arith.cmpi sgt, %jit3A_40, %sign3A_50 : i32
    %sign3A_52 = arith.extui %sign3A_51 : i1 to i32
    %sign3A_53 = arith.constant 0 : i32
    %sign3A_54 = arith.cmpi slt, %jit3A_40, %sign3A_53 : i32
    %sign3A_55 = arith.extui %sign3A_54 : i1 to i32
    %sign3A_56 = arith.subi %sign3A_52, %sign3A_55 : i32
    %ne3A_57 = vector.broadcast %sign3A_56 : i32 to vector<1792x1xi32>
    %ne3A_58 = arith.cmpi ne, %sign3A_49, %ne3A_57 : vector<1792x1xi32>
    %rem3A_59 = vector.broadcast %jit3A_40 : i32 to vector<1792x1xi32>
    %rem3A_60 = arith.remsi %iota3A, %rem3A_59 : vector<1792x1xi32>
    %ne3A_61 = arith.constant 0 : i32
    %ne3A_62 = vector.broadcast %ne3A_61 : i32 to vector<1792x1xi32>
    %ne3A_63 = arith.cmpi ne, %rem3A_60, %ne3A_62 : vector<1792x1xi32>
    %and3A_64 = arith.andi %ne3A_58, %ne3A_63 : vector<1792x1xi1>
    %sub3A = arith.constant 1 : i32
    %sub3A_65 = vector.broadcast %sub3A : i32 to vector<1792x1xi32>
    %sub3A_66 = arith.subi %div3A_41, %sub3A_65 : vector<1792x1xi32>
    %select_n3A_67 = arith.select %and3A_64, %sub3A_66, %div3A_41 : vector<1792x1xi1>, vector<1792x1xi32>
    %add3A_68 = vector.broadcast %mul3A_8 : i32 to vector<1792x1xi32>
    %add3A_69 = arith.addi %add3A_68, %select_n3A_67 : vector<1792x1xi32>
    %gt3A = arith.constant 0 : i32
    %gt3A_70 = vector.broadcast %gt3A : i32 to vector<1792x1xi32>
    %gt3A_71 = arith.cmpi sgt, %select_n3A_39, %gt3A_70 : vector<1792x1xi32>
    %lt3A_72 = arith.constant 223 : i32
    %lt3A_73 = vector.broadcast %lt3A_72 : i32 to vector<1792x1xi32>
    %lt3A_74 = arith.cmpi slt, %select_n3A_39, %lt3A_73 : vector<1792x1xi32>
    %gt3A_75 = arith.constant 0 : i32
    %gt3A_76 = vector.broadcast %gt3A_75 : i32 to vector<1792x1xi32>
    %gt3A_77 = arith.cmpi sgt, %add3A_69, %gt3A_76 : vector<1792x1xi32>
    %lt3A_78 = arith.constant 223 : i32
    %lt3A_79 = vector.broadcast %lt3A_78 : i32 to vector<1792x1xi32>
    %lt3A_80 = arith.cmpi slt, %add3A_69, %lt3A_79 : vector<1792x1xi32>
    %broadcast_in_dim3A = arith.constant 0.000000e+00 : f32
    %broadcast_in_dim3A_81 = vector.broadcast %broadcast_in_dim3A : f32 to vector<1792x96xf32>
    %broadcast_in_dim3A_82 = arith.constant 0.000000e+00 : f32
    %broadcast_in_dim3A_83 = vector.broadcast %broadcast_in_dim3A_82 : f32 to vector<1792x96xf32>
    %broadcast_in_dim3A_84 = arith.constant 0.000000e+00 : f32
    %broadcast_in_dim3A_85 = vector.broadcast %broadcast_in_dim3A_84 : f32 to vector<1792x96xf32>
    %slice3A = vector.extract_strided_slice %convert_element_type3A_17 {offsets = [1567, 0], sizes = [1792, 96], strides = [1, 1]} : vector<5376x96xf32> to vector<1792x96xf32>
    %and3A_86 = arith.andi %gt3A_77, %gt3A_71 : vector<1792x1xi1>
    %convert_element_type3A_87 = arith.extui %and3A_86 : vector<1792x1xi1> to vector<1792x1xi32>
    %convert_element_type3A_88 = arith.sitofp %convert_element_type3A_87 : vector<1792x1xi32> to vector<1792x1xf32>
    %mul3A_89 = vector.broadcast %convert_element_type3A_88 : vector<1792x1xf32> to vector<1792x96xf32>
    %mul3A_90 = arith.mulf %slice3A, %mul3A_89 : vector<1792x96xf32>
    %get3A_91 = arith.constant 0 : index
    %get3A_92 = arith.constant 0 : index
    %get3A_93 = vector.load %arg4[%get3A_91, %get3A_92] : memref<27x96xbf16, #tpu.memory_space<vmem>>, vector<1x96xbf16>
    %get3A_94 = vector.shape_cast %get3A_93 : vector<1x96xbf16> to vector<96xbf16>
    %convert_element_type3A_95 = arith.extf %get3A_94 : vector<96xbf16> to vector<96xf32>
    %broadcast_in_dim3A_96 = vector.shape_cast %convert_element_type3A_95 : vector<96xf32> to vector<1x96xf32>
    %mul3A_97 = vector.broadcast %broadcast_in_dim3A_96 : vector<1x96xf32> to vector<1792x96xf32>
    %mul3A_98 = arith.mulf %mul3A_90, %mul3A_97 : vector<1792x96xf32>
    %add3A_99 = arith.addf %broadcast_in_dim3A_81, %mul3A_98 : vector<1792x96xf32>
    %get3A_100 = arith.constant 9 : index
    %get3A_101 = arith.constant 0 : index
    %get3A_102 = vector.load %arg4[%get3A_100, %get3A_101] : memref<27x96xbf16, #tpu.memory_space<vmem>>, vector<1x96xbf16>
    %get3A_103 = vector.shape_cast %get3A_102 : vector<1x96xbf16> to vector<96xbf16>
    %convert_element_type3A_104 = arith.extf %get3A_103 : vector<96xbf16> to vector<96xf32>
    %broadcast_in_dim3A_105 = vector.shape_cast %convert_element_type3A_104 : vector<96xf32> to vector<1x96xf32>
    %mul3A_106 = vector.broadcast %broadcast_in_dim3A_105 : vector<1x96xf32> to vector<1792x96xf32>
    %mul3A_107 = arith.mulf %mul3A_90, %mul3A_106 : vector<1792x96xf32>
    %add3A_108 = arith.addf %broadcast_in_dim3A_83, %mul3A_107 : vector<1792x96xf32>
    %get3A_109 = arith.constant 18 : index
    %get3A_110 = arith.constant 0 : index
    %get3A_111 = vector.load %arg4[%get3A_109, %get3A_110] : memref<27x96xbf16, #tpu.memory_space<vmem>>, vector<1x96xbf16>
    %get3A_112 = vector.shape_cast %get3A_111 : vector<1x96xbf16> to vector<96xbf16>
    %convert_element_type3A_113 = arith.extf %get3A_112 : vector<96xbf16> to vector<96xf32>
    %broadcast_in_dim3A_114 = vector.shape_cast %convert_element_type3A_113 : vector<96xf32> to vector<1x96xf32>
    %mul3A_115 = vector.broadcast %broadcast_in_dim3A_114 : vector<1x96xf32> to vector<1792x96xf32>
    %mul3A_116 = arith.mulf %mul3A_90, %mul3A_115 : vector<1792x96xf32>
    %add3A_117 = arith.addf %broadcast_in_dim3A_85, %mul3A_116 : vector<1792x96xf32>
    %slice3A_118 = vector.extract_strided_slice %convert_element_type3A_17 {offsets = [1568, 0], sizes = [1792, 96], strides = [1, 1]} : vector<5376x96xf32> to vector<1792x96xf32>
    %convert_element_type3A_119 = arith.extui %gt3A_77 : vector<1792x1xi1> to vector<1792x1xi32>
    %convert_element_type3A_120 = arith.sitofp %convert_element_type3A_119 : vector<1792x1xi32> to vector<1792x1xf32>
    %mul3A_121 = vector.broadcast %convert_element_type3A_120 : vector<1792x1xf32> to vector<1792x96xf32>
    %mul3A_122 = arith.mulf %slice3A_118, %mul3A_121 : vector<1792x96xf32>
    %get3A_123 = arith.constant 1 : index
    %get3A_124 = arith.constant 0 : index
    %get3A_125 = vector.load %arg4[%get3A_123, %get3A_124] : memref<27x96xbf16, #tpu.memory_space<vmem>>, vector<1x96xbf16>
    %get3A_126 = vector.shape_cast %get3A_125 : vector<1x96xbf16> to vector<96xbf16>
    %convert_element_type3A_127 = arith.extf %get3A_126 : vector<96xbf16> to vector<96xf32>
    %broadcast_in_dim3A_128 = vector.shape_cast %convert_element_type3A_127 : vector<96xf32> to vector<1x96xf32>
    %mul3A_129 = vector.broadcast %broadcast_in_dim3A_128 : vector<1x96xf32> to vector<1792x96xf32>
    %mul3A_130 = arith.mulf %mul3A_122, %mul3A_129 : vector<1792x96xf32>
    %add3A_131 = arith.addf %add3A_99, %mul3A_130 : vector<1792x96xf32>
    %get3A_132 = arith.constant 10 : index
    %get3A_133 = arith.constant 0 : index
    %get3A_134 = vector.load %arg4[%get3A_132, %get3A_133] : memref<27x96xbf16, #tpu.memory_space<vmem>>, vector<1x96xbf16>
    %get3A_135 = vector.shape_cast %get3A_134 : vector<1x96xbf16> to vector<96xbf16>
    %convert_element_type3A_136 = arith.extf %get3A_135 : vector<96xbf16> to vector<96xf32>
    %broadcast_in_dim3A_137 = vector.shape_cast %convert_element_type3A_136 : vector<96xf32> to vector<1x96xf32>
    %mul3A_138 = vector.broadcast %broadcast_in_dim3A_137 : vector<1x96xf32> to vector<1792x96xf32>
    %mul3A_139 = arith.mulf %mul3A_122, %mul3A_138 : vector<1792x96xf32>
    %add3A_140 = arith.addf %add3A_108, %mul3A_139 : vector<1792x96xf32>
    %get3A_141 = arith.constant 19 : index
    %get3A_142 = arith.constant 0 : index
    %get3A_143 = vector.load %arg4[%get3A_141, %get3A_142] : memref<27x96xbf16, #tpu.memory_space<vmem>>, vector<1x96xbf16>
    %get3A_144 = vector.shape_cast %get3A_143 : vector<1x96xbf16> to vector<96xbf16>
    %convert_element_type3A_145 = arith.extf %get3A_144 : vector<96xbf16> to vector<96xf32>
    %broadcast_in_dim3A_146 = vector.shape_cast %convert_element_type3A_145 : vector<96xf32> to vector<1x96xf32>
    %mul3A_147 = vector.broadcast %broadcast_in_dim3A_146 : vector<1x96xf32> to vector<1792x96xf32>
    %mul3A_148 = arith.mulf %mul3A_122, %mul3A_147 : vector<1792x96xf32>
    %add3A_149 = arith.addf %add3A_117, %mul3A_148 : vector<1792x96xf32>
    %slice3A_150 = vector.extract_strided_slice %convert_element_type3A_17 {offsets = [1569, 0], sizes = [1792, 96], strides = [1, 1]} : vector<5376x96xf32> to vector<1792x96xf32>
    %and3A_151 = arith.andi %gt3A_77, %lt3A_74 : vector<1792x1xi1>
    %convert_element_type3A_152 = arith.extui %and3A_151 : vector<1792x1xi1> to vector<1792x1xi32>
    %convert_element_type3A_153 = arith.sitofp %convert_element_type3A_152 : vector<1792x1xi32> to vector<1792x1xf32>
    %mul3A_154 = vector.broadcast %convert_element_type3A_153 : vector<1792x1xf32> to vector<1792x96xf32>
    %mul3A_155 = arith.mulf %slice3A_150, %mul3A_154 : vector<1792x96xf32>
    %get3A_156 = arith.constant 2 : index
    %get3A_157 = arith.constant 0 : index
    %get3A_158 = vector.load %arg4[%get3A_156, %get3A_157] : memref<27x96xbf16, #tpu.memory_space<vmem>>, vector<1x96xbf16>
    %get3A_159 = vector.shape_cast %get3A_158 : vector<1x96xbf16> to vector<96xbf16>
    %convert_element_type3A_160 = arith.extf %get3A_159 : vector<96xbf16> to vector<96xf32>
    %broadcast_in_dim3A_161 = vector.shape_cast %convert_element_type3A_160 : vector<96xf32> to vector<1x96xf32>
    %mul3A_162 = vector.broadcast %broadcast_in_dim3A_161 : vector<1x96xf32> to vector<1792x96xf32>
    %mul3A_163 = arith.mulf %mul3A_155, %mul3A_162 : vector<1792x96xf32>
    %add3A_164 = arith.addf %add3A_131, %mul3A_163 : vector<1792x96xf32>
    %get3A_165 = arith.constant 11 : index
    %get3A_166 = arith.constant 0 : index
    %get3A_167 = vector.load %arg4[%get3A_165, %get3A_166] : memref<27x96xbf16, #tpu.memory_space<vmem>>, vector<1x96xbf16>
    %get3A_168 = vector.shape_cast %get3A_167 : vector<1x96xbf16> to vector<96xbf16>
    %convert_element_type3A_169 = arith.extf %get3A_168 : vector<96xbf16> to vector<96xf32>
    %broadcast_in_dim3A_170 = vector.shape_cast %convert_element_type3A_169 : vector<96xf32> to vector<1x96xf32>
    %mul3A_171 = vector.broadcast %broadcast_in_dim3A_170 : vector<1x96xf32> to vector<1792x96xf32>
    %mul3A_172 = arith.mulf %mul3A_155, %mul3A_171 : vector<1792x96xf32>
    %add3A_173 = arith.addf %add3A_140, %mul3A_172 : vector<1792x96xf32>
    %get3A_174 = arith.constant 20 : index
    %get3A_175 = arith.constant 0 : index
    %get3A_176 = vector.load %arg4[%get3A_174, %get3A_175] : memref<27x96xbf16, #tpu.memory_space<vmem>>, vector<1x96xbf16>
    %get3A_177 = vector.shape_cast %get3A_176 : vector<1x96xbf16> to vector<96xbf16>
    %convert_element_type3A_178 = arith.extf %get3A_177 : vector<96xbf16> to vector<96xf32>
    %broadcast_in_dim3A_179 = vector.shape_cast %convert_element_type3A_178 : vector<96xf32> to vector<1x96xf32>
    %mul3A_180 = vector.broadcast %broadcast_in_dim3A_179 : vector<1x96xf32> to vector<1792x96xf32>
    %mul3A_181 = arith.mulf %mul3A_155, %mul3A_180 : vector<1792x96xf32>
    %add3A_182 = arith.addf %add3A_149, %mul3A_181 : vector<1792x96xf32>
    %slice3A_183 = vector.extract_strided_slice %convert_element_type3A_17 {offsets = [1791, 0], sizes = [1792, 96], strides = [1, 1]} : vector<5376x96xf32> to vector<1792x96xf32>
    %convert_element_type3A_184 = arith.extui %gt3A_71 : vector<1792x1xi1> to vector<1792x1xi32>
    %convert_element_type3A_185 = arith.sitofp %convert_element_type3A_184 : vector<1792x1xi32> to vector<1792x1xf32>
    %mul3A_186 = vector.broadcast %convert_element_type3A_185 : vector<1792x1xf32> to vector<1792x96xf32>
    %mul3A_187 = arith.mulf %slice3A_183, %mul3A_186 : vector<1792x96xf32>
    %get3A_188 = arith.constant 3 : index
    %get3A_189 = arith.constant 0 : index
    %get3A_190 = vector.load %arg4[%get3A_188, %get3A_189] : memref<27x96xbf16, #tpu.memory_space<vmem>>, vector<1x96xbf16>
    %get3A_191 = vector.shape_cast %get3A_190 : vector<1x96xbf16> to vector<96xbf16>
    %convert_element_type3A_192 = arith.extf %get3A_191 : vector<96xbf16> to vector<96xf32>
    %broadcast_in_dim3A_193 = vector.shape_cast %convert_element_type3A_192 : vector<96xf32> to vector<1x96xf32>
    %mul3A_194 = vector.broadcast %broadcast_in_dim3A_193 : vector<1x96xf32> to vector<1792x96xf32>
    %mul3A_195 = arith.mulf %mul3A_187, %mul3A_194 : vector<1792x96xf32>
    %add3A_196 = arith.addf %add3A_164, %mul3A_195 : vector<1792x96xf32>
    %get3A_197 = arith.constant 12 : index
    %get3A_198 = arith.constant 0 : index
    %get3A_199 = vector.load %arg4[%get3A_197, %get3A_198] : memref<27x96xbf16, #tpu.memory_space<vmem>>, vector<1x96xbf16>
    %get3A_200 = vector.shape_cast %get3A_199 : vector<1x96xbf16> to vector<96xbf16>
    %convert_element_type3A_201 = arith.extf %get3A_200 : vector<96xbf16> to vector<96xf32>
    %broadcast_in_dim3A_202 = vector.shape_cast %convert_element_type3A_201 : vector<96xf32> to vector<1x96xf32>
    %mul3A_203 = vector.broadcast %broadcast_in_dim3A_202 : vector<1x96xf32> to vector<1792x96xf32>
    %mul3A_204 = arith.mulf %mul3A_187, %mul3A_203 : vector<1792x96xf32>
    %add3A_205 = arith.addf %add3A_173, %mul3A_204 : vector<1792x96xf32>
    %get3A_206 = arith.constant 21 : index
    %get3A_207 = arith.constant 0 : index
    %get3A_208 = vector.load %arg4[%get3A_206, %get3A_207] : memref<27x96xbf16, #tpu.memory_space<vmem>>, vector<1x96xbf16>
    %get3A_209 = vector.shape_cast %get3A_208 : vector<1x96xbf16> to vector<96xbf16>
    %convert_element_type3A_210 = arith.extf %get3A_209 : vector<96xbf16> to vector<96xf32>
    %broadcast_in_dim3A_211 = vector.shape_cast %convert_element_type3A_210 : vector<96xf32> to vector<1x96xf32>
    %mul3A_212 = vector.broadcast %broadcast_in_dim3A_211 : vector<1x96xf32> to vector<1792x96xf32>
    %mul3A_213 = arith.mulf %mul3A_187, %mul3A_212 : vector<1792x96xf32>
    %add3A_214 = arith.addf %add3A_182, %mul3A_213 : vector<1792x96xf32>
    %slice3A_215 = vector.extract_strided_slice %convert_element_type3A_17 {offsets = [1792, 0], sizes = [1792, 96], strides = [1, 1]} : vector<5376x96xf32> to vector<1792x96xf32>
    %get3A_216 = arith.constant 4 : index
    %get3A_217 = arith.constant 0 : index
    %get3A_218 = vector.load %arg4[%get3A_216, %get3A_217] : memref<27x96xbf16, #tpu.memory_space<vmem>>, vector<1x96xbf16>
    %get3A_219 = vector.shape_cast %get3A_218 : vector<1x96xbf16> to vector<96xbf16>
    %convert_element_type3A_220 = arith.extf %get3A_219 : vector<96xbf16> to vector<96xf32>
    %broadcast_in_dim3A_221 = vector.shape_cast %convert_element_type3A_220 : vector<96xf32> to vector<1x96xf32>
    %mul3A_222 = vector.broadcast %broadcast_in_dim3A_221 : vector<1x96xf32> to vector<1792x96xf32>
    %mul3A_223 = arith.mulf %slice3A_215, %mul3A_222 : vector<1792x96xf32>
    %add3A_224 = arith.addf %add3A_196, %mul3A_223 : vector<1792x96xf32>
    %get3A_225 = arith.constant 13 : index
    %get3A_226 = arith.constant 0 : index
    %get3A_227 = vector.load %arg4[%get3A_225, %get3A_226] : memref<27x96xbf16, #tpu.memory_space<vmem>>, vector<1x96xbf16>
    %get3A_228 = vector.shape_cast %get3A_227 : vector<1x96xbf16> to vector<96xbf16>
    %convert_element_type3A_229 = arith.extf %get3A_228 : vector<96xbf16> to vector<96xf32>
    %broadcast_in_dim3A_230 = vector.shape_cast %convert_element_type3A_229 : vector<96xf32> to vector<1x96xf32>
    %mul3A_231 = vector.broadcast %broadcast_in_dim3A_230 : vector<1x96xf32> to vector<1792x96xf32>
    %mul3A_232 = arith.mulf %slice3A_215, %mul3A_231 : vector<1792x96xf32>
    %add3A_233 = arith.addf %add3A_205, %mul3A_232 : vector<1792x96xf32>
    %get3A_234 = arith.constant 22 : index
    %get3A_235 = arith.constant 0 : index
    %get3A_236 = vector.load %arg4[%get3A_234, %get3A_235] : memref<27x96xbf16, #tpu.memory_space<vmem>>, vector<1x96xbf16>
    %get3A_237 = vector.shape_cast %get3A_236 : vector<1x96xbf16> to vector<96xbf16>
    %convert_element_type3A_238 = arith.extf %get3A_237 : vector<96xbf16> to vector<96xf32>
    %broadcast_in_dim3A_239 = vector.shape_cast %convert_element_type3A_238 : vector<96xf32> to vector<1x96xf32>
    %mul3A_240 = vector.broadcast %broadcast_in_dim3A_239 : vector<1x96xf32> to vector<1792x96xf32>
    %mul3A_241 = arith.mulf %slice3A_215, %mul3A_240 : vector<1792x96xf32>
    %add3A_242 = arith.addf %add3A_214, %mul3A_241 : vector<1792x96xf32>
    %slice3A_243 = vector.extract_strided_slice %convert_element_type3A_17 {offsets = [1793, 0], sizes = [1792, 96], strides = [1, 1]} : vector<5376x96xf32> to vector<1792x96xf32>
    %convert_element_type3A_244 = arith.extui %lt3A_74 : vector<1792x1xi1> to vector<1792x1xi32>
    %convert_element_type3A_245 = arith.sitofp %convert_element_type3A_244 : vector<1792x1xi32> to vector<1792x1xf32>
    %mul3A_246 = vector.broadcast %convert_element_type3A_245 : vector<1792x1xf32> to vector<1792x96xf32>
    %mul3A_247 = arith.mulf %slice3A_243, %mul3A_246 : vector<1792x96xf32>
    %get3A_248 = arith.constant 5 : index
    %get3A_249 = arith.constant 0 : index
    %get3A_250 = vector.load %arg4[%get3A_248, %get3A_249] : memref<27x96xbf16, #tpu.memory_space<vmem>>, vector<1x96xbf16>
    %get3A_251 = vector.shape_cast %get3A_250 : vector<1x96xbf16> to vector<96xbf16>
    %convert_element_type3A_252 = arith.extf %get3A_251 : vector<96xbf16> to vector<96xf32>
    %broadcast_in_dim3A_253 = vector.shape_cast %convert_element_type3A_252 : vector<96xf32> to vector<1x96xf32>
    %mul3A_254 = vector.broadcast %broadcast_in_dim3A_253 : vector<1x96xf32> to vector<1792x96xf32>
    %mul3A_255 = arith.mulf %mul3A_247, %mul3A_254 : vector<1792x96xf32>
    %add3A_256 = arith.addf %add3A_224, %mul3A_255 : vector<1792x96xf32>
    %get3A_257 = arith.constant 14 : index
    %get3A_258 = arith.constant 0 : index
    %get3A_259 = vector.load %arg4[%get3A_257, %get3A_258] : memref<27x96xbf16, #tpu.memory_space<vmem>>, vector<1x96xbf16>
    %get3A_260 = vector.shape_cast %get3A_259 : vector<1x96xbf16> to vector<96xbf16>
    %convert_element_type3A_261 = arith.extf %get3A_260 : vector<96xbf16> to vector<96xf32>
    %broadcast_in_dim3A_262 = vector.shape_cast %convert_element_type3A_261 : vector<96xf32> to vector<1x96xf32>
    %mul3A_263 = vector.broadcast %broadcast_in_dim3A_262 : vector<1x96xf32> to vector<1792x96xf32>
    %mul3A_264 = arith.mulf %mul3A_247, %mul3A_263 : vector<1792x96xf32>
    %add3A_265 = arith.addf %add3A_233, %mul3A_264 : vector<1792x96xf32>
    %get3A_266 = arith.constant 23 : index
    %get3A_267 = arith.constant 0 : index
    %get3A_268 = vector.load %arg4[%get3A_266, %get3A_267] : memref<27x96xbf16, #tpu.memory_space<vmem>>, vector<1x96xbf16>
    %get3A_269 = vector.shape_cast %get3A_268 : vector<1x96xbf16> to vector<96xbf16>
    %convert_element_type3A_270 = arith.extf %get3A_269 : vector<96xbf16> to vector<96xf32>
    %broadcast_in_dim3A_271 = vector.shape_cast %convert_element_type3A_270 : vector<96xf32> to vector<1x96xf32>
    %mul3A_272 = vector.broadcast %broadcast_in_dim3A_271 : vector<1x96xf32> to vector<1792x96xf32>
    %mul3A_273 = arith.mulf %mul3A_247, %mul3A_272 : vector<1792x96xf32>
    %add3A_274 = arith.addf %add3A_242, %mul3A_273 : vector<1792x96xf32>
    %slice3A_275 = vector.extract_strided_slice %convert_element_type3A_17 {offsets = [2015, 0], sizes = [1792, 96], strides = [1, 1]} : vector<5376x96xf32> to vector<1792x96xf32>
    %and3A_276 = arith.andi %lt3A_80, %gt3A_71 : vector<1792x1xi1>
    %convert_element_type3A_277 = arith.extui %and3A_276 : vector<1792x1xi1> to vector<1792x1xi32>
    %convert_element_type3A_278 = arith.sitofp %convert_element_type3A_277 : vector<1792x1xi32> to vector<1792x1xf32>
    %mul3A_279 = vector.broadcast %convert_element_type3A_278 : vector<1792x1xf32> to vector<1792x96xf32>
    %mul3A_280 = arith.mulf %slice3A_275, %mul3A_279 : vector<1792x96xf32>
    %get3A_281 = arith.constant 6 : index
    %get3A_282 = arith.constant 0 : index
    %get3A_283 = vector.load %arg4[%get3A_281, %get3A_282] : memref<27x96xbf16, #tpu.memory_space<vmem>>, vector<1x96xbf16>
    %get3A_284 = vector.shape_cast %get3A_283 : vector<1x96xbf16> to vector<96xbf16>
    %convert_element_type3A_285 = arith.extf %get3A_284 : vector<96xbf16> to vector<96xf32>
    %broadcast_in_dim3A_286 = vector.shape_cast %convert_element_type3A_285 : vector<96xf32> to vector<1x96xf32>
    %mul3A_287 = vector.broadcast %broadcast_in_dim3A_286 : vector<1x96xf32> to vector<1792x96xf32>
    %mul3A_288 = arith.mulf %mul3A_280, %mul3A_287 : vector<1792x96xf32>
    %add3A_289 = arith.addf %add3A_256, %mul3A_288 : vector<1792x96xf32>
    %get3A_290 = arith.constant 15 : index
    %get3A_291 = arith.constant 0 : index
    %get3A_292 = vector.load %arg4[%get3A_290, %get3A_291] : memref<27x96xbf16, #tpu.memory_space<vmem>>, vector<1x96xbf16>
    %get3A_293 = vector.shape_cast %get3A_292 : vector<1x96xbf16> to vector<96xbf16>
    %convert_element_type3A_294 = arith.extf %get3A_293 : vector<96xbf16> to vector<96xf32>
    %broadcast_in_dim3A_295 = vector.shape_cast %convert_element_type3A_294 : vector<96xf32> to vector<1x96xf32>
    %mul3A_296 = vector.broadcast %broadcast_in_dim3A_295 : vector<1x96xf32> to vector<1792x96xf32>
    %mul3A_297 = arith.mulf %mul3A_280, %mul3A_296 : vector<1792x96xf32>
    %add3A_298 = arith.addf %add3A_265, %mul3A_297 : vector<1792x96xf32>
    %get3A_299 = arith.constant 24 : index
    %get3A_300 = arith.constant 0 : index
    %get3A_301 = vector.load %arg4[%get3A_299, %get3A_300] : memref<27x96xbf16, #tpu.memory_space<vmem>>, vector<1x96xbf16>
    %get3A_302 = vector.shape_cast %get3A_301 : vector<1x96xbf16> to vector<96xbf16>
    %convert_element_type3A_303 = arith.extf %get3A_302 : vector<96xbf16> to vector<96xf32>
    %broadcast_in_dim3A_304 = vector.shape_cast %convert_element_type3A_303 : vector<96xf32> to vector<1x96xf32>
    %mul3A_305 = vector.broadcast %broadcast_in_dim3A_304 : vector<1x96xf32> to vector<1792x96xf32>
    %mul3A_306 = arith.mulf %mul3A_280, %mul3A_305 : vector<1792x96xf32>
    %add3A_307 = arith.addf %add3A_274, %mul3A_306 : vector<1792x96xf32>
    %slice3A_308 = vector.extract_strided_slice %convert_element_type3A_17 {offsets = [2016, 0], sizes = [1792, 96], strides = [1, 1]} : vector<5376x96xf32> to vector<1792x96xf32>
    %convert_element_type3A_309 = arith.extui %lt3A_80 : vector<1792x1xi1> to vector<1792x1xi32>
    %convert_element_type3A_310 = arith.sitofp %convert_element_type3A_309 : vector<1792x1xi32> to vector<1792x1xf32>
    %mul3A_311 = vector.broadcast %convert_element_type3A_310 : vector<1792x1xf32> to vector<1792x96xf32>
    %mul3A_312 = arith.mulf %slice3A_308, %mul3A_311 : vector<1792x96xf32>
    %get3A_313 = arith.constant 7 : index
    %get3A_314 = arith.constant 0 : index
    %get3A_315 = vector.load %arg4[%get3A_313, %get3A_314] : memref<27x96xbf16, #tpu.memory_space<vmem>>, vector<1x96xbf16>
    %get3A_316 = vector.shape_cast %get3A_315 : vector<1x96xbf16> to vector<96xbf16>
    %convert_element_type3A_317 = arith.extf %get3A_316 : vector<96xbf16> to vector<96xf32>
    %broadcast_in_dim3A_318 = vector.shape_cast %convert_element_type3A_317 : vector<96xf32> to vector<1x96xf32>
    %mul3A_319 = vector.broadcast %broadcast_in_dim3A_318 : vector<1x96xf32> to vector<1792x96xf32>
    %mul3A_320 = arith.mulf %mul3A_312, %mul3A_319 : vector<1792x96xf32>
    %add3A_321 = arith.addf %add3A_289, %mul3A_320 : vector<1792x96xf32>
    %get3A_322 = arith.constant 16 : index
    %get3A_323 = arith.constant 0 : index
    %get3A_324 = vector.load %arg4[%get3A_322, %get3A_323] : memref<27x96xbf16, #tpu.memory_space<vmem>>, vector<1x96xbf16>
    %get3A_325 = vector.shape_cast %get3A_324 : vector<1x96xbf16> to vector<96xbf16>
    %convert_element_type3A_326 = arith.extf %get3A_325 : vector<96xbf16> to vector<96xf32>
    %broadcast_in_dim3A_327 = vector.shape_cast %convert_element_type3A_326 : vector<96xf32> to vector<1x96xf32>
    %mul3A_328 = vector.broadcast %broadcast_in_dim3A_327 : vector<1x96xf32> to vector<1792x96xf32>
    %mul3A_329 = arith.mulf %mul3A_312, %mul3A_328 : vector<1792x96xf32>
    %add3A_330 = arith.addf %add3A_298, %mul3A_329 : vector<1792x96xf32>
    %get3A_331 = arith.constant 25 : index
    %get3A_332 = arith.constant 0 : index
    %get3A_333 = vector.load %arg4[%get3A_331, %get3A_332] : memref<27x96xbf16, #tpu.memory_space<vmem>>, vector<1x96xbf16>
    %get3A_334 = vector.shape_cast %get3A_333 : vector<1x96xbf16> to vector<96xbf16>
    %convert_element_type3A_335 = arith.extf %get3A_334 : vector<96xbf16> to vector<96xf32>
    %broadcast_in_dim3A_336 = vector.shape_cast %convert_element_type3A_335 : vector<96xf32> to vector<1x96xf32>
    %mul3A_337 = vector.broadcast %broadcast_in_dim3A_336 : vector<1x96xf32> to vector<1792x96xf32>
    %mul3A_338 = arith.mulf %mul3A_312, %mul3A_337 : vector<1792x96xf32>
    %add3A_339 = arith.addf %add3A_307, %mul3A_338 : vector<1792x96xf32>
    %slice3A_340 = vector.extract_strided_slice %convert_element_type3A_17 {offsets = [2017, 0], sizes = [1792, 96], strides = [1, 1]} : vector<5376x96xf32> to vector<1792x96xf32>
    %and3A_341 = arith.andi %lt3A_80, %lt3A_74 : vector<1792x1xi1>
    %convert_element_type3A_342 = arith.extui %and3A_341 : vector<1792x1xi1> to vector<1792x1xi32>
    %convert_element_type3A_343 = arith.sitofp %convert_element_type3A_342 : vector<1792x1xi32> to vector<1792x1xf32>
    %mul3A_344 = vector.broadcast %convert_element_type3A_343 : vector<1792x1xf32> to vector<1792x96xf32>
    %mul3A_345 = arith.mulf %slice3A_340, %mul3A_344 : vector<1792x96xf32>
    %get3A_346 = arith.constant 8 : index
    %get3A_347 = arith.constant 0 : index
    %get3A_348 = vector.load %arg4[%get3A_346, %get3A_347] : memref<27x96xbf16, #tpu.memory_space<vmem>>, vector<1x96xbf16>
    %get3A_349 = vector.shape_cast %get3A_348 : vector<1x96xbf16> to vector<96xbf16>
    %convert_element_type3A_350 = arith.extf %get3A_349 : vector<96xbf16> to vector<96xf32>
    %broadcast_in_dim3A_351 = vector.shape_cast %convert_element_type3A_350 : vector<96xf32> to vector<1x96xf32>
    %mul3A_352 = vector.broadcast %broadcast_in_dim3A_351 : vector<1x96xf32> to vector<1792x96xf32>
    %mul3A_353 = arith.mulf %mul3A_345, %mul3A_352 : vector<1792x96xf32>
    %add3A_354 = arith.addf %add3A_321, %mul3A_353 : vector<1792x96xf32>
    %get3A_355 = arith.constant 17 : index
    %get3A_356 = arith.constant 0 : index
    %get3A_357 = vector.load %arg4[%get3A_355, %get3A_356] : memref<27x96xbf16, #tpu.memory_space<vmem>>, vector<1x96xbf16>
    %get3A_358 = vector.shape_cast %get3A_357 : vector<1x96xbf16> to vector<96xbf16>
    %convert_element_type3A_359 = arith.extf %get3A_358 : vector<96xbf16> to vector<96xf32>
    %broadcast_in_dim3A_360 = vector.shape_cast %convert_element_type3A_359 : vector<96xf32> to vector<1x96xf32>
    %mul3A_361 = vector.broadcast %broadcast_in_dim3A_360 : vector<1x96xf32> to vector<1792x96xf32>
    %mul3A_362 = arith.mulf %mul3A_345, %mul3A_361 : vector<1792x96xf32>
    %add3A_363 = arith.addf %add3A_330, %mul3A_362 : vector<1792x96xf32>
    %get3A_364 = arith.constant 26 : index
    %get3A_365 = arith.constant 0 : index
    %get3A_366 = vector.load %arg4[%get3A_364, %get3A_365] : memref<27x96xbf16, #tpu.memory_space<vmem>>, vector<1x96xbf16>
    %get3A_367 = vector.shape_cast %get3A_366 : vector<1x96xbf16> to vector<96xbf16>
    %convert_element_type3A_368 = arith.extf %get3A_367 : vector<96xbf16> to vector<96xf32>
    %broadcast_in_dim3A_369 = vector.shape_cast %convert_element_type3A_368 : vector<96xf32> to vector<1x96xf32>
    %mul3A_370 = vector.broadcast %broadcast_in_dim3A_369 : vector<1x96xf32> to vector<1792x96xf32>
    %mul3A_371 = arith.mulf %mul3A_345, %mul3A_370 : vector<1792x96xf32>
    %add3A_372 = arith.addf %add3A_339, %mul3A_371 : vector<1792x96xf32>
    %concatenate3A_373 = tpu.concatenate %add3A_354, %add3A_363, %add3A_372 in 1 : vector<1792x96xf32>, vector<1792x96xf32>, vector<1792x96xf32> -> vector<1792x288xf32>
    %swap3A = arith.constant 0 : index
    %swap3A_374 = arith.constant 0 : index
    %swap3A_375 = vector.load %arg6[%swap3A, %swap3A_374] : memref<1792x288xf32, #tpu.memory_space<vmem>>, vector<1792x288xf32>
    tpu.vector_store %arg6[%swap3A, %swap3A_374], %concatenate3A_373 {strides = array<i32>} : memref<1792x288xf32, #tpu.memory_space<vmem>>, vector<1792x288xf32>,
    %get3A_376 = arith.constant 0 : index
    %get3A_377 = arith.constant 0 : index
    %get3A_378 = vector.load %arg5[%get3A_376, %get3A_377] : memref<288x64xf32, #tpu.memory_space<vmem>>, vector<288x64xf32>
    %dot_general3A = arith.constant dense<0.000000e+00> : vector<1792x64xf32>
    %dot_general3A_379 = tpu.matmul %concatenate3A_373, %get3A_378, %dot_general3A {dimension_numbers = #tpu.dot_dimension_numbers<[1], [0], [0], [1], [0, 0, 1, 1], [], []>, transpose_lhs_hint = false} : vector<1792x288xf32>, vector<288x64xf32>, vector<1792x64xf32> -> vector<1792x64xf32>
    %reduce_max3A = arith.constant dense<0xFF800000> : vector<1792xf32>
    %reduce_max3A_380 = vector.multi_reduction <maximumf>, %dot_general3A_379, %reduce_max3A [1] : vector<1792x64xf32> to vector<1792xf32>
    %broadcast_in_dim3A_381 = vector.shape_cast %reduce_max3A_380 : vector<1792xf32> to vector<1792x1xf32>
    %sub3A_382 = vector.broadcast %broadcast_in_dim3A_381 : vector<1792x1xf32> to vector<1792x64xf32>
    %sub3A_383 = arith.subf %dot_general3A_379, %sub3A_382 : vector<1792x64xf32>
    %exp3A = math.exp %sub3A_383 : vector<1792x64xf32>
    %reduce_sum3A = arith.constant dense<0.000000e+00> : vector<1792xf32>
    %reduce_sum3A_384 = vector.multi_reduction <add>, %exp3A, %reduce_sum3A [1] : vector<1792x64xf32> to vector<1792xf32>
    %broadcast_in_dim3A_385 = vector.shape_cast %reduce_sum3A_384 : vector<1792xf32> to vector<1792x1xf32>
    %div3A_386 = vector.broadcast %broadcast_in_dim3A_385 : vector<1792x1xf32> to vector<1792x64xf32>
    %div3A_387 = arith.divf %exp3A, %div3A_386 : vector<1792x64xf32>
    %iota3A_388 = tpu.iota {dimensions = array<i32: 1>} : vector<1792x64xi32>
    %reduce_max3A_389 = arith.constant dense<0xFF800000> : vector<1792xf32>
    %reduce_max3A_390 = vector.multi_reduction <maximumf>, %div3A_387, %reduce_max3A_389 [1] : vector<1792x64xf32> to vector<1792xf32>
    %broadcast_in_dim3A_391 = vector.shape_cast %reduce_max3A_390 : vector<1792xf32> to vector<1792x1xf32>
    %eq3A_392 = vector.broadcast %broadcast_in_dim3A_391 : vector<1792x1xf32> to vector<1792x64xf32>
    %eq3A_393 = arith.cmpf oeq, %div3A_387, %eq3A_392 : vector<1792x64xf32>
    %jit3A_394 = arith.constant 64 : i32
    %broadcast_in_dim3A_395 = vector.broadcast %jit3A_394 : i32 to vector<1792x64xi32>
    %select_n3A_396 = arith.select %eq3A_393, %iota3A_388, %broadcast_in_dim3A_395 : vector<1792x64xi1>, vector<1792x64xi32>
    %reduce_min3A = arith.constant dense<2147483647> : vector<1792xi32>
    %reduce_min3A_397 = vector.multi_reduction <minsi>, %select_n3A_396, %reduce_min3A [1] : vector<1792x64xi32> to vector<1792xi32>
    %broadcast_in_dim3A_398 = vector.shape_cast %reduce_min3A_397 : vector<1792xi32> to vector<1792x1xi32>
    %eq3A_399 = vector.broadcast %broadcast_in_dim3A_398 : vector<1792x1xi32> to vector<1792x64xi32>
    %eq3A_400 = arith.cmpi eq, %iota3A_388, %eq3A_399 : vector<1792x64xi32>
    %jit3A_401 = arith.constant -1.000000e+00 : f32
    %broadcast_in_dim3A_402 = vector.broadcast %jit3A_401 : f32 to vector<1792x64xf32>
    %select_n3A_403 = arith.select %eq3A_400, %broadcast_in_dim3A_402, %div3A_387 : vector<1792x64xi1>, vector<1792x64xf32>
    %reduce_max3A_404 = arith.constant dense<0xFF800000> : vector<1792xf32>
    %reduce_max3A_405 = vector.multi_reduction <maximumf>, %select_n3A_403, %reduce_max3A_404 [1] : vector<1792x64xf32> to vector<1792xf32>
    %broadcast_in_dim3A_406 = vector.shape_cast %reduce_max3A_405 : vector<1792xf32> to vector<1792x1xf32>
    %eq3A_407 = vector.broadcast %broadcast_in_dim3A_406 : vector<1792x1xf32> to vector<1792x64xf32>
    %eq3A_408 = arith.cmpf oeq, %select_n3A_403, %eq3A_407 : vector<1792x64xf32>
    %jit3A_409 = arith.constant 64 : i32
    %broadcast_in_dim3A_410 = vector.broadcast %jit3A_409 : i32 to vector<1792x64xi32>
    %select_n3A_411 = arith.select %eq3A_408, %iota3A_388, %broadcast_in_dim3A_410 : vector<1792x64xi1>, vector<1792x64xi32>
    %reduce_min3A_412 = arith.constant dense<2147483647> : vector<1792xi32>
    %reduce_min3A_413 = vector.multi_reduction <minsi>, %select_n3A_411, %reduce_min3A_412 [1] : vector<1792x64xi32> to vector<1792xi32>
    %broadcast_in_dim3A_414 = vector.shape_cast %reduce_min3A_413 : vector<1792xi32> to vector<1792x1xi32>
    %eq3A_415 = vector.broadcast %broadcast_in_dim3A_414 : vector<1792x1xi32> to vector<1792x64xi32>
    %eq3A_416 = arith.cmpi eq, %iota3A_388, %eq3A_415 : vector<1792x64xi32>
    %add3A_417 = arith.addf %broadcast_in_dim3A_391, %broadcast_in_dim3A_406 : vector<1792x1xf32>
    %add3A_418 = arith.constant 9.99999971E-10 : f32
    %add3A_419 = vector.broadcast %add3A_418 : f32 to vector<1792x1xf32>
    %add3A_420 = arith.addf %add3A_417, %add3A_419 : vector<1792x1xf32>
    %concatenate3A_421 = tpu.concatenate %broadcast_in_dim3A_398, %broadcast_in_dim3A_414 in 1 : vector<1792x1xi32>, vector<1792x1xi32> -> vector<1792x2xi32>
    %swap3A_422 = arith.constant 0 : index
    %swap3A_423 = arith.constant 0 : index
    %swap3A_424 = vector.load %arg7[%swap3A_422, %swap3A_423] : memref<1792x2xi32, #tpu.memory_space<vmem>>, vector<1792x2xi32>
    tpu.vector_store %arg7[%swap3A_422, %swap3A_423], %concatenate3A_421 {strides = array<i32>} : memref<1792x2xi32, #tpu.memory_space<vmem>>, vector<1792x2xi32>,
    %div3A_425 = arith.divf %broadcast_in_dim3A_391, %add3A_420 : vector<1792x1xf32>
    %div3A_426 = arith.divf %broadcast_in_dim3A_406, %add3A_420 : vector<1792x1xf32>
    %concatenate3A_427 = tpu.concatenate %div3A_425, %div3A_426 in 1 : vector<1792x1xf32>, vector<1792x1xf32> -> vector<1792x2xf32>
    %swap3A_428 = arith.constant 0 : index
    %swap3A_429 = arith.constant 0 : index
    %swap3A_430 = vector.load %arg8[%swap3A_428, %swap3A_429] : memref<1792x2xf32, #tpu.memory_space<vmem>>, vector<1792x2xf32>
    tpu.vector_store %arg8[%swap3A_428, %swap3A_429], %concatenate3A_427 {strides = array<i32>} : memref<1792x2xf32, #tpu.memory_space<vmem>>, vector<1792x2xf32>,
    %iota3A_431 = tpu.iota {dimensions = array<i32: 0>} : vector<128x128xi32>
    %iota3A_432 = tpu.iota {dimensions = array<i32: 1>} : vector<128x128xi32>
    %gt3A_433 = arith.cmpi sgt, %iota3A_431, %iota3A_432 : vector<128x128xi32>
    %convert_element_type3A_434 = arith.extui %gt3A_433 : vector<128x128xi1> to vector<128x128xi32>
    %convert_element_type3A_435 = arith.sitofp %convert_element_type3A_434 : vector<128x128xi32> to vector<128x128xf32>
    %convert_element_type3A_436 = arith.truncf %convert_element_type3A_435 : vector<128x128xf32> to vector<128x128xbf16>
    %convert_element_type3A_437 = arith.extui %eq3A_400 : vector<1792x64xi1> to vector<1792x64xi32>
    %convert_element_type3A_438 = arith.sitofp %convert_element_type3A_437 : vector<1792x64xi32> to vector<1792x64xf32>
    %convert_element_type3A_439 = arith.extui %eq3A_400 : vector<1792x64xi1> to vector<1792x64xi32>
    %convert_element_type3A_440 = arith.sitofp %convert_element_type3A_439 : vector<1792x64xi32> to vector<1792x64xf32>
    %convert_element_type3A_441 = arith.truncf %convert_element_type3A_440 : vector<1792x64xf32> to vector<1792x64xbf16>
    %broadcast_in_dim3A_442 = arith.constant 0.000000e+00 : f32
    %broadcast_in_dim3A_443 = vector.broadcast %broadcast_in_dim3A_442 : f32 to vector<1x64xf32>
    %slice3A_444 = vector.extract_strided_slice %convert_element_type3A_441 {offsets = [0, 0], sizes = [128, 64], strides = [1, 1]} : vector<1792x64xbf16> to vector<128x64xbf16>
    %dot_general3A_445 = arith.constant dense<0.000000e+00> : vector<128x64xf32>
    %dot_general3A_446 = tpu.matmul %convert_element_type3A_436, %slice3A_444, %dot_general3A_445 {dimension_numbers = #tpu.dot_dimension_numbers<[1], [0], [0], [1], [0, 0, 1, 1], [], []>, transpose_lhs_hint = false} : vector<128x128xbf16>, vector<128x64xbf16>, vector<128x64xf32> -> vector<128x64xf32>
    %add3A_447 = vector.broadcast %broadcast_in_dim3A_443 : vector<1x64xf32> to vector<128x64xf32>
    %add3A_448 = arith.addf %dot_general3A_446, %add3A_447 : vector<128x64xf32>
    %slice3A_449 = vector.extract_strided_slice %convert_element_type3A_438 {offsets = [0, 0], sizes = [128, 64], strides = [1, 1]} : vector<1792x64xf32> to vector<128x64xf32>
    %reduce_sum3A_450 = arith.constant dense<0.000000e+00> : vector<64xf32>
    %reduce_sum3A_451 = vector.multi_reduction <add>, %slice3A_449, %reduce_sum3A_450 [0] : vector<128x64xf32> to vector<64xf32>
    %broadcast_in_dim3A_452 = vector.shape_cast %reduce_sum3A_451 : vector<64xf32> to vector<1x64xf32>
    %add3A_453 = arith.addf %broadcast_in_dim3A_443, %broadcast_in_dim3A_452 : vector<1x64xf32>
    %slice3A_454 = vector.extract_strided_slice %convert_element_type3A_441 {offsets = [128, 0], sizes = [128, 64], strides = [1, 1]} : vector<1792x64xbf16> to vector<128x64xbf16>
    %dot_general3A_455 = arith.constant dense<0.000000e+00> : vector<128x64xf32>
    %dot_general3A_456 = tpu.matmul %convert_element_type3A_436, %slice3A_454, %dot_general3A_455 {dimension_numbers = #tpu.dot_dimension_numbers<[1], [0], [0], [1], [0, 0, 1, 1], [], []>, transpose_lhs_hint = false} : vector<128x128xbf16>, vector<128x64xbf16>, vector<128x64xf32> -> vector<128x64xf32>
    %add3A_457 = vector.broadcast %add3A_453 : vector<1x64xf32> to vector<128x64xf32>
    %add3A_458 = arith.addf %dot_general3A_456, %add3A_457 : vector<128x64xf32>
    %slice3A_459 = vector.extract_strided_slice %convert_element_type3A_438 {offsets = [128, 0], sizes = [128, 64], strides = [1, 1]} : vector<1792x64xf32> to vector<128x64xf32>
    %reduce_sum3A_460 = arith.constant dense<0.000000e+00> : vector<64xf32>
    %reduce_sum3A_461 = vector.multi_reduction <add>, %slice3A_459, %reduce_sum3A_460 [0] : vector<128x64xf32> to vector<64xf32>
    %broadcast_in_dim3A_462 = vector.shape_cast %reduce_sum3A_461 : vector<64xf32> to vector<1x64xf32>
    %add3A_463 = arith.addf %add3A_453, %broadcast_in_dim3A_462 : vector<1x64xf32>
    %slice3A_464 = vector.extract_strided_slice %convert_element_type3A_441 {offsets = [256, 0], sizes = [128, 64], strides = [1, 1]} : vector<1792x64xbf16> to vector<128x64xbf16>
    %dot_general3A_465 = arith.constant dense<0.000000e+00> : vector<128x64xf32>
    %dot_general3A_466 = tpu.matmul %convert_element_type3A_436, %slice3A_464, %dot_general3A_465 {dimension_numbers = #tpu.dot_dimension_numbers<[1], [0], [0], [1], [0, 0, 1, 1], [], []>, transpose_lhs_hint = false} : vector<128x128xbf16>, vector<128x64xbf16>, vector<128x64xf32> -> vector<128x64xf32>
    %add3A_467 = vector.broadcast %add3A_463 : vector<1x64xf32> to vector<128x64xf32>
    %add3A_468 = arith.addf %dot_general3A_466, %add3A_467 : vector<128x64xf32>
    %slice3A_469 = vector.extract_strided_slice %convert_element_type3A_438 {offsets = [256, 0], sizes = [128, 64], strides = [1, 1]} : vector<1792x64xf32> to vector<128x64xf32>
    %reduce_sum3A_470 = arith.constant dense<0.000000e+00> : vector<64xf32>
    %reduce_sum3A_471 = vector.multi_reduction <add>, %slice3A_469, %reduce_sum3A_470 [0] : vector<128x64xf32> to vector<64xf32>
    %broadcast_in_dim3A_472 = vector.shape_cast %reduce_sum3A_471 : vector<64xf32> to vector<1x64xf32>
    %add3A_473 = arith.addf %add3A_463, %broadcast_in_dim3A_472 : vector<1x64xf32>
    %slice3A_474 = vector.extract_strided_slice %convert_element_type3A_441 {offsets = [384, 0], sizes = [128, 64], strides = [1, 1]} : vector<1792x64xbf16> to vector<128x64xbf16>
    %dot_general3A_475 = arith.constant dense<0.000000e+00> : vector<128x64xf32>
    %dot_general3A_476 = tpu.matmul %convert_element_type3A_436, %slice3A_474, %dot_general3A_475 {dimension_numbers = #tpu.dot_dimension_numbers<[1], [0], [0], [1], [0, 0, 1, 1], [], []>, transpose_lhs_hint = false} : vector<128x128xbf16>, vector<128x64xbf16>, vector<128x64xf32> -> vector<128x64xf32>
    %add3A_477 = vector.broadcast %add3A_473 : vector<1x64xf32> to vector<128x64xf32>
    %add3A_478 = arith.addf %dot_general3A_476, %add3A_477 : vector<128x64xf32>
    %slice3A_479 = vector.extract_strided_slice %convert_element_type3A_438 {offsets = [384, 0], sizes = [128, 64], strides = [1, 1]} : vector<1792x64xf32> to vector<128x64xf32>
    %reduce_sum3A_480 = arith.constant dense<0.000000e+00> : vector<64xf32>
    %reduce_sum3A_481 = vector.multi_reduction <add>, %slice3A_479, %reduce_sum3A_480 [0] : vector<128x64xf32> to vector<64xf32>
    %broadcast_in_dim3A_482 = vector.shape_cast %reduce_sum3A_481 : vector<64xf32> to vector<1x64xf32>
    %add3A_483 = arith.addf %add3A_473, %broadcast_in_dim3A_482 : vector<1x64xf32>
    %slice3A_484 = vector.extract_strided_slice %convert_element_type3A_441 {offsets = [512, 0], sizes = [128, 64], strides = [1, 1]} : vector<1792x64xbf16> to vector<128x64xbf16>
    %dot_general3A_485 = arith.constant dense<0.000000e+00> : vector<128x64xf32>
    %dot_general3A_486 = tpu.matmul %convert_element_type3A_436, %slice3A_484, %dot_general3A_485 {dimension_numbers = #tpu.dot_dimension_numbers<[1], [0], [0], [1], [0, 0, 1, 1], [], []>, transpose_lhs_hint = false} : vector<128x128xbf16>, vector<128x64xbf16>, vector<128x64xf32> -> vector<128x64xf32>
    %add3A_487 = vector.broadcast %add3A_483 : vector<1x64xf32> to vector<128x64xf32>
    %add3A_488 = arith.addf %dot_general3A_486, %add3A_487 : vector<128x64xf32>
    %slice3A_489 = vector.extract_strided_slice %convert_element_type3A_438 {offsets = [512, 0], sizes = [128, 64], strides = [1, 1]} : vector<1792x64xf32> to vector<128x64xf32>
    %reduce_sum3A_490 = arith.constant dense<0.000000e+00> : vector<64xf32>
    %reduce_sum3A_491 = vector.multi_reduction <add>, %slice3A_489, %reduce_sum3A_490 [0] : vector<128x64xf32> to vector<64xf32>
    %broadcast_in_dim3A_492 = vector.shape_cast %reduce_sum3A_491 : vector<64xf32> to vector<1x64xf32>
    %add3A_493 = arith.addf %add3A_483, %broadcast_in_dim3A_492 : vector<1x64xf32>
    %slice3A_494 = vector.extract_strided_slice %convert_element_type3A_441 {offsets = [640, 0], sizes = [128, 64], strides = [1, 1]} : vector<1792x64xbf16> to vector<128x64xbf16>
    %dot_general3A_495 = arith.constant dense<0.000000e+00> : vector<128x64xf32>
    %dot_general3A_496 = tpu.matmul %convert_element_type3A_436, %slice3A_494, %dot_general3A_495 {dimension_numbers = #tpu.dot_dimension_numbers<[1], [0], [0], [1], [0, 0, 1, 1], [], []>, transpose_lhs_hint = false} : vector<128x128xbf16>, vector<128x64xbf16>, vector<128x64xf32> -> vector<128x64xf32>
    %add3A_497 = vector.broadcast %add3A_493 : vector<1x64xf32> to vector<128x64xf32>
    %add3A_498 = arith.addf %dot_general3A_496, %add3A_497 : vector<128x64xf32>
    %slice3A_499 = vector.extract_strided_slice %convert_element_type3A_438 {offsets = [640, 0], sizes = [128, 64], strides = [1, 1]} : vector<1792x64xf32> to vector<128x64xf32>
    %reduce_sum3A_500 = arith.constant dense<0.000000e+00> : vector<64xf32>
    %reduce_sum3A_501 = vector.multi_reduction <add>, %slice3A_499, %reduce_sum3A_500 [0] : vector<128x64xf32> to vector<64xf32>
    %broadcast_in_dim3A_502 = vector.shape_cast %reduce_sum3A_501 : vector<64xf32> to vector<1x64xf32>
    %add3A_503 = arith.addf %add3A_493, %broadcast_in_dim3A_502 : vector<1x64xf32>
    %slice3A_504 = vector.extract_strided_slice %convert_element_type3A_441 {offsets = [768, 0], sizes = [128, 64], strides = [1, 1]} : vector<1792x64xbf16> to vector<128x64xbf16>
    %dot_general3A_505 = arith.constant dense<0.000000e+00> : vector<128x64xf32>
    %dot_general3A_506 = tpu.matmul %convert_element_type3A_436, %slice3A_504, %dot_general3A_505 {dimension_numbers = #tpu.dot_dimension_numbers<[1], [0], [0], [1], [0, 0, 1, 1], [], []>, transpose_lhs_hint = false} : vector<128x128xbf16>, vector<128x64xbf16>, vector<128x64xf32> -> vector<128x64xf32>
    %add3A_507 = vector.broadcast %add3A_503 : vector<1x64xf32> to vector<128x64xf32>
    %add3A_508 = arith.addf %dot_general3A_506, %add3A_507 : vector<128x64xf32>
    %slice3A_509 = vector.extract_strided_slice %convert_element_type3A_438 {offsets = [768, 0], sizes = [128, 64], strides = [1, 1]} : vector<1792x64xf32> to vector<128x64xf32>
    %reduce_sum3A_510 = arith.constant dense<0.000000e+00> : vector<64xf32>
    %reduce_sum3A_511 = vector.multi_reduction <add>, %slice3A_509, %reduce_sum3A_510 [0] : vector<128x64xf32> to vector<64xf32>
    %broadcast_in_dim3A_512 = vector.shape_cast %reduce_sum3A_511 : vector<64xf32> to vector<1x64xf32>
    %add3A_513 = arith.addf %add3A_503, %broadcast_in_dim3A_512 : vector<1x64xf32>
    %slice3A_514 = vector.extract_strided_slice %convert_element_type3A_441 {offsets = [896, 0], sizes = [128, 64], strides = [1, 1]} : vector<1792x64xbf16> to vector<128x64xbf16>
    %dot_general3A_515 = arith.constant dense<0.000000e+00> : vector<128x64xf32>
    %dot_general3A_516 = tpu.matmul %convert_element_type3A_436, %slice3A_514, %dot_general3A_515 {dimension_numbers = #tpu.dot_dimension_numbers<[1], [0], [0], [1], [0, 0, 1, 1], [], []>, transpose_lhs_hint = false} : vector<128x128xbf16>, vector<128x64xbf16>, vector<128x64xf32> -> vector<128x64xf32>
    %add3A_517 = vector.broadcast %add3A_513 : vector<1x64xf32> to vector<128x64xf32>
    %add3A_518 = arith.addf %dot_general3A_516, %add3A_517 : vector<128x64xf32>
    %slice3A_519 = vector.extract_strided_slice %convert_element_type3A_438 {offsets = [896, 0], sizes = [128, 64], strides = [1, 1]} : vector<1792x64xf32> to vector<128x64xf32>
    %reduce_sum3A_520 = arith.constant dense<0.000000e+00> : vector<64xf32>
    %reduce_sum3A_521 = vector.multi_reduction <add>, %slice3A_519, %reduce_sum3A_520 [0] : vector<128x64xf32> to vector<64xf32>
    %broadcast_in_dim3A_522 = vector.shape_cast %reduce_sum3A_521 : vector<64xf32> to vector<1x64xf32>
    %add3A_523 = arith.addf %add3A_513, %broadcast_in_dim3A_522 : vector<1x64xf32>
    %slice3A_524 = vector.extract_strided_slice %convert_element_type3A_441 {offsets = [1024, 0], sizes = [128, 64], strides = [1, 1]} : vector<1792x64xbf16> to vector<128x64xbf16>
    %dot_general3A_525 = arith.constant dense<0.000000e+00> : vector<128x64xf32>
    %dot_general3A_526 = tpu.matmul %convert_element_type3A_436, %slice3A_524, %dot_general3A_525 {dimension_numbers = #tpu.dot_dimension_numbers<[1], [0], [0], [1], [0, 0, 1, 1], [], []>, transpose_lhs_hint = false} : vector<128x128xbf16>, vector<128x64xbf16>, vector<128x64xf32> -> vector<128x64xf32>
    %add3A_527 = vector.broadcast %add3A_523 : vector<1x64xf32> to vector<128x64xf32>
    %add3A_528 = arith.addf %dot_general3A_526, %add3A_527 : vector<128x64xf32>
    %slice3A_529 = vector.extract_strided_slice %convert_element_type3A_438 {offsets = [1024, 0], sizes = [128, 64], strides = [1, 1]} : vector<1792x64xf32> to vector<128x64xf32>
    %reduce_sum3A_530 = arith.constant dense<0.000000e+00> : vector<64xf32>
    %reduce_sum3A_531 = vector.multi_reduction <add>, %slice3A_529, %reduce_sum3A_530 [0] : vector<128x64xf32> to vector<64xf32>
    %broadcast_in_dim3A_532 = vector.shape_cast %reduce_sum3A_531 : vector<64xf32> to vector<1x64xf32>
    %add3A_533 = arith.addf %add3A_523, %broadcast_in_dim3A_532 : vector<1x64xf32>
    %slice3A_534 = vector.extract_strided_slice %convert_element_type3A_441 {offsets = [1152, 0], sizes = [128, 64], strides = [1, 1]} : vector<1792x64xbf16> to vector<128x64xbf16>
    %dot_general3A_535 = arith.constant dense<0.000000e+00> : vector<128x64xf32>
    %dot_general3A_536 = tpu.matmul %convert_element_type3A_436, %slice3A_534, %dot_general3A_535 {dimension_numbers = #tpu.dot_dimension_numbers<[1], [0], [0], [1], [0, 0, 1, 1], [], []>, transpose_lhs_hint = false} : vector<128x128xbf16>, vector<128x64xbf16>, vector<128x64xf32> -> vector<128x64xf32>
    %add3A_537 = vector.broadcast %add3A_533 : vector<1x64xf32> to vector<128x64xf32>
    %add3A_538 = arith.addf %dot_general3A_536, %add3A_537 : vector<128x64xf32>
    %slice3A_539 = vector.extract_strided_slice %convert_element_type3A_438 {offsets = [1152, 0], sizes = [128, 64], strides = [1, 1]} : vector<1792x64xf32> to vector<128x64xf32>
    %reduce_sum3A_540 = arith.constant dense<0.000000e+00> : vector<64xf32>
    %reduce_sum3A_541 = vector.multi_reduction <add>, %slice3A_539, %reduce_sum3A_540 [0] : vector<128x64xf32> to vector<64xf32>
    %broadcast_in_dim3A_542 = vector.shape_cast %reduce_sum3A_541 : vector<64xf32> to vector<1x64xf32>
    %add3A_543 = arith.addf %add3A_533, %broadcast_in_dim3A_542 : vector<1x64xf32>
    %slice3A_544 = vector.extract_strided_slice %convert_element_type3A_441 {offsets = [1280, 0], sizes = [128, 64], strides = [1, 1]} : vector<1792x64xbf16> to vector<128x64xbf16>
    %dot_general3A_545 = arith.constant dense<0.000000e+00> : vector<128x64xf32>
    %dot_general3A_546 = tpu.matmul %convert_element_type3A_436, %slice3A_544, %dot_general3A_545 {dimension_numbers = #tpu.dot_dimension_numbers<[1], [0], [0], [1], [0, 0, 1, 1], [], []>, transpose_lhs_hint = false} : vector<128x128xbf16>, vector<128x64xbf16>, vector<128x64xf32> -> vector<128x64xf32>
    %add3A_547 = vector.broadcast %add3A_543 : vector<1x64xf32> to vector<128x64xf32>
    %add3A_548 = arith.addf %dot_general3A_546, %add3A_547 : vector<128x64xf32>
    %slice3A_549 = vector.extract_strided_slice %convert_element_type3A_438 {offsets = [1280, 0], sizes = [128, 64], strides = [1, 1]} : vector<1792x64xf32> to vector<128x64xf32>
    %reduce_sum3A_550 = arith.constant dense<0.000000e+00> : vector<64xf32>
    %reduce_sum3A_551 = vector.multi_reduction <add>, %slice3A_549, %reduce_sum3A_550 [0] : vector<128x64xf32> to vector<64xf32>
    %broadcast_in_dim3A_552 = vector.shape_cast %reduce_sum3A_551 : vector<64xf32> to vector<1x64xf32>
    %add3A_553 = arith.addf %add3A_543, %broadcast_in_dim3A_552 : vector<1x64xf32>
    %slice3A_554 = vector.extract_strided_slice %convert_element_type3A_441 {offsets = [1408, 0], sizes = [128, 64], strides = [1, 1]} : vector<1792x64xbf16> to vector<128x64xbf16>
    %dot_general3A_555 = arith.constant dense<0.000000e+00> : vector<128x64xf32>
    %dot_general3A_556 = tpu.matmul %convert_element_type3A_436, %slice3A_554, %dot_general3A_555 {dimension_numbers = #tpu.dot_dimension_numbers<[1], [0], [0], [1], [0, 0, 1, 1], [], []>, transpose_lhs_hint = false} : vector<128x128xbf16>, vector<128x64xbf16>, vector<128x64xf32> -> vector<128x64xf32>
    %add3A_557 = vector.broadcast %add3A_553 : vector<1x64xf32> to vector<128x64xf32>
    %add3A_558 = arith.addf %dot_general3A_556, %add3A_557 : vector<128x64xf32>
    %slice3A_559 = vector.extract_strided_slice %convert_element_type3A_438 {offsets = [1408, 0], sizes = [128, 64], strides = [1, 1]} : vector<1792x64xf32> to vector<128x64xf32>
    %reduce_sum3A_560 = arith.constant dense<0.000000e+00> : vector<64xf32>
    %reduce_sum3A_561 = vector.multi_reduction <add>, %slice3A_559, %reduce_sum3A_560 [0] : vector<128x64xf32> to vector<64xf32>
    %broadcast_in_dim3A_562 = vector.shape_cast %reduce_sum3A_561 : vector<64xf32> to vector<1x64xf32>
    %add3A_563 = arith.addf %add3A_553, %broadcast_in_dim3A_562 : vector<1x64xf32>
    %slice3A_564 = vector.extract_strided_slice %convert_element_type3A_441 {offsets = [1536, 0], sizes = [128, 64], strides = [1, 1]} : vector<1792x64xbf16> to vector<128x64xbf16>
    %dot_general3A_565 = arith.constant dense<0.000000e+00> : vector<128x64xf32>
    %dot_general3A_566 = tpu.matmul %convert_element_type3A_436, %slice3A_564, %dot_general3A_565 {dimension_numbers = #tpu.dot_dimension_numbers<[1], [0], [0], [1], [0, 0, 1, 1], [], []>, transpose_lhs_hint = false} : vector<128x128xbf16>, vector<128x64xbf16>, vector<128x64xf32> -> vector<128x64xf32>
    %add3A_567 = vector.broadcast %add3A_563 : vector<1x64xf32> to vector<128x64xf32>
    %add3A_568 = arith.addf %dot_general3A_566, %add3A_567 : vector<128x64xf32>
    %slice3A_569 = vector.extract_strided_slice %convert_element_type3A_438 {offsets = [1536, 0], sizes = [128, 64], strides = [1, 1]} : vector<1792x64xf32> to vector<128x64xf32>
    %reduce_sum3A_570 = arith.constant dense<0.000000e+00> : vector<64xf32>
    %reduce_sum3A_571 = vector.multi_reduction <add>, %slice3A_569, %reduce_sum3A_570 [0] : vector<128x64xf32> to vector<64xf32>
    %broadcast_in_dim3A_572 = vector.shape_cast %reduce_sum3A_571 : vector<64xf32> to vector<1x64xf32>
    %add3A_573 = arith.addf %add3A_563, %broadcast_in_dim3A_572 : vector<1x64xf32>
    %slice3A_574 = vector.extract_strided_slice %convert_element_type3A_441 {offsets = [1664, 0], sizes = [128, 64], strides = [1, 1]} : vector<1792x64xbf16> to vector<128x64xbf16>
    %dot_general3A_575 = arith.constant dense<0.000000e+00> : vector<128x64xf32>
    %dot_general3A_576 = tpu.matmul %convert_element_type3A_436, %slice3A_574, %dot_general3A_575 {dimension_numbers = #tpu.dot_dimension_numbers<[1], [0], [0], [1], [0, 0, 1, 1], [], []>, transpose_lhs_hint = false} : vector<128x128xbf16>, vector<128x64xbf16>, vector<128x64xf32> -> vector<128x64xf32>
    %add3A_577 = vector.broadcast %add3A_573 : vector<1x64xf32> to vector<128x64xf32>
    %add3A_578 = arith.addf %dot_general3A_576, %add3A_577 : vector<128x64xf32>
    %slice3A_579 = vector.extract_strided_slice %convert_element_type3A_438 {offsets = [1664, 0], sizes = [128, 64], strides = [1, 1]} : vector<1792x64xf32> to vector<128x64xf32>
    %reduce_sum3A_580 = arith.constant dense<0.000000e+00> : vector<64xf32>
    %reduce_sum3A_581 = vector.multi_reduction <add>, %slice3A_579, %reduce_sum3A_580 [0] : vector<128x64xf32> to vector<64xf32>
    %broadcast_in_dim3A_582 = vector.shape_cast %reduce_sum3A_581 : vector<64xf32> to vector<1x64xf32>
    %add3A_583 = arith.addf %add3A_573, %broadcast_in_dim3A_582 : vector<1x64xf32>
    %concatenate3A_584 = tpu.concatenate %add3A_448, %add3A_458, %add3A_468, %add3A_478, %add3A_488, %add3A_498, %add3A_508, %add3A_518, %add3A_528, %add3A_538, %add3A_548, %add3A_558, %add3A_568, %add3A_578 in 0 : vector<128x64xf32>, vector<128x64xf32>, vector<128x64xf32>, vector<128x64xf32>, vector<128x64xf32>, vector<128x64xf32>, vector<128x64xf32>, vector<128x64xf32>, vector<128x64xf32>, vector<128x64xf32>, vector<128x64xf32>, vector<128x64xf32>, vector<128x64xf32>, vector<128x64xf32> -> vector<1792x64xf32>
    %mul3A_585 = arith.mulf %concatenate3A_584, %convert_element_type3A_438 : vector<1792x64xf32>
    %reduce_sum3A_586 = arith.constant dense<0.000000e+00> : vector<1792xf32>
    %reduce_sum3A_587 = vector.multi_reduction <add>, %mul3A_585, %reduce_sum3A_586 [1] : vector<1792x64xf32> to vector<1792xf32>
    %broadcast_in_dim3A_588 = vector.shape_cast %reduce_sum3A_587 : vector<1792xf32> to vector<1792x1xf32>
    %convert_element_type3A_589 = arith.extui %eq3A_416 : vector<1792x64xi1> to vector<1792x64xi32>
    %convert_element_type3A_590 = arith.sitofp %convert_element_type3A_589 : vector<1792x64xi32> to vector<1792x64xf32>
    %convert_element_type3A_591 = arith.extui %eq3A_416 : vector<1792x64xi1> to vector<1792x64xi32>
    %convert_element_type3A_592 = arith.sitofp %convert_element_type3A_591 : vector<1792x64xi32> to vector<1792x64xf32>
    %convert_element_type3A_593 = arith.truncf %convert_element_type3A_592 : vector<1792x64xf32> to vector<1792x64xbf16>
    %broadcast_in_dim3A_594 = arith.constant 0.000000e+00 : f32
    %broadcast_in_dim3A_595 = vector.broadcast %broadcast_in_dim3A_594 : f32 to vector<1x64xf32>
    %slice3A_596 = vector.extract_strided_slice %convert_element_type3A_593 {offsets = [0, 0], sizes = [128, 64], strides = [1, 1]} : vector<1792x64xbf16> to vector<128x64xbf16>
    %dot_general3A_597 = arith.constant dense<0.000000e+00> : vector<128x64xf32>
    %dot_general3A_598 = tpu.matmul %convert_element_type3A_436, %slice3A_596, %dot_general3A_597 {dimension_numbers = #tpu.dot_dimension_numbers<[1], [0], [0], [1], [0, 0, 1, 1], [], []>, transpose_lhs_hint = false} : vector<128x128xbf16>, vector<128x64xbf16>, vector<128x64xf32> -> vector<128x64xf32>
    %add3A_599 = vector.broadcast %broadcast_in_dim3A_595 : vector<1x64xf32> to vector<128x64xf32>
    %add3A_600 = arith.addf %dot_general3A_598, %add3A_599 : vector<128x64xf32>
    %slice3A_601 = vector.extract_strided_slice %convert_element_type3A_590 {offsets = [0, 0], sizes = [128, 64], strides = [1, 1]} : vector<1792x64xf32> to vector<128x64xf32>
    %reduce_sum3A_602 = arith.constant dense<0.000000e+00> : vector<64xf32>
    %reduce_sum3A_603 = vector.multi_reduction <add>, %slice3A_601, %reduce_sum3A_602 [0] : vector<128x64xf32> to vector<64xf32>
    %broadcast_in_dim3A_604 = vector.shape_cast %reduce_sum3A_603 : vector<64xf32> to vector<1x64xf32>
    %add3A_605 = arith.addf %broadcast_in_dim3A_595, %broadcast_in_dim3A_604 : vector<1x64xf32>
    %slice3A_606 = vector.extract_strided_slice %convert_element_type3A_593 {offsets = [128, 0], sizes = [128, 64], strides = [1, 1]} : vector<1792x64xbf16> to vector<128x64xbf16>
    %dot_general3A_607 = arith.constant dense<0.000000e+00> : vector<128x64xf32>
    %dot_general3A_608 = tpu.matmul %convert_element_type3A_436, %slice3A_606, %dot_general3A_607 {dimension_numbers = #tpu.dot_dimension_numbers<[1], [0], [0], [1], [0, 0, 1, 1], [], []>, transpose_lhs_hint = false} : vector<128x128xbf16>, vector<128x64xbf16>, vector<128x64xf32> -> vector<128x64xf32>
    %add3A_609 = vector.broadcast %add3A_605 : vector<1x64xf32> to vector<128x64xf32>
    %add3A_610 = arith.addf %dot_general3A_608, %add3A_609 : vector<128x64xf32>
    %slice3A_611 = vector.extract_strided_slice %convert_element_type3A_590 {offsets = [128, 0], sizes = [128, 64], strides = [1, 1]} : vector<1792x64xf32> to vector<128x64xf32>
    %reduce_sum3A_612 = arith.constant dense<0.000000e+00> : vector<64xf32>
    %reduce_sum3A_613 = vector.multi_reduction <add>, %slice3A_611, %reduce_sum3A_612 [0] : vector<128x64xf32> to vector<64xf32>
    %broadcast_in_dim3A_614 = vector.shape_cast %reduce_sum3A_613 : vector<64xf32> to vector<1x64xf32>
    %add3A_615 = arith.addf %add3A_605, %broadcast_in_dim3A_614 : vector<1x64xf32>
    %slice3A_616 = vector.extract_strided_slice %convert_element_type3A_593 {offsets = [256, 0], sizes = [128, 64], strides = [1, 1]} : vector<1792x64xbf16> to vector<128x64xbf16>
    %dot_general3A_617 = arith.constant dense<0.000000e+00> : vector<128x64xf32>
    %dot_general3A_618 = tpu.matmul %convert_element_type3A_436, %slice3A_616, %dot_general3A_617 {dimension_numbers = #tpu.dot_dimension_numbers<[1], [0], [0], [1], [0, 0, 1, 1], [], []>, transpose_lhs_hint = false} : vector<128x128xbf16>, vector<128x64xbf16>, vector<128x64xf32> -> vector<128x64xf32>
    %add3A_619 = vector.broadcast %add3A_615 : vector<1x64xf32> to vector<128x64xf32>
    %add3A_620 = arith.addf %dot_general3A_618, %add3A_619 : vector<128x64xf32>
    %slice3A_621 = vector.extract_strided_slice %convert_element_type3A_590 {offsets = [256, 0], sizes = [128, 64], strides = [1, 1]} : vector<1792x64xf32> to vector<128x64xf32>
    %reduce_sum3A_622 = arith.constant dense<0.000000e+00> : vector<64xf32>
    %reduce_sum3A_623 = vector.multi_reduction <add>, %slice3A_621, %reduce_sum3A_622 [0] : vector<128x64xf32> to vector<64xf32>
    %broadcast_in_dim3A_624 = vector.shape_cast %reduce_sum3A_623 : vector<64xf32> to vector<1x64xf32>
    %add3A_625 = arith.addf %add3A_615, %broadcast_in_dim3A_624 : vector<1x64xf32>
    %slice3A_626 = vector.extract_strided_slice %convert_element_type3A_593 {offsets = [384, 0], sizes = [128, 64], strides = [1, 1]} : vector<1792x64xbf16> to vector<128x64xbf16>
    %dot_general3A_627 = arith.constant dense<0.000000e+00> : vector<128x64xf32>
    %dot_general3A_628 = tpu.matmul %convert_element_type3A_436, %slice3A_626, %dot_general3A_627 {dimension_numbers = #tpu.dot_dimension_numbers<[1], [0], [0], [1], [0, 0, 1, 1], [], []>, transpose_lhs_hint = false} : vector<128x128xbf16>, vector<128x64xbf16>, vector<128x64xf32> -> vector<128x64xf32>
    %add3A_629 = vector.broadcast %add3A_625 : vector<1x64xf32> to vector<128x64xf32>
    %add3A_630 = arith.addf %dot_general3A_628, %add3A_629 : vector<128x64xf32>
    %slice3A_631 = vector.extract_strided_slice %convert_element_type3A_590 {offsets = [384, 0], sizes = [128, 64], strides = [1, 1]} : vector<1792x64xf32> to vector<128x64xf32>
    %reduce_sum3A_632 = arith.constant dense<0.000000e+00> : vector<64xf32>
    %reduce_sum3A_633 = vector.multi_reduction <add>, %slice3A_631, %reduce_sum3A_632 [0] : vector<128x64xf32> to vector<64xf32>
    %broadcast_in_dim3A_634 = vector.shape_cast %reduce_sum3A_633 : vector<64xf32> to vector<1x64xf32>
    %add3A_635 = arith.addf %add3A_625, %broadcast_in_dim3A_634 : vector<1x64xf32>
    %slice3A_636 = vector.extract_strided_slice %convert_element_type3A_593 {offsets = [512, 0], sizes = [128, 64], strides = [1, 1]} : vector<1792x64xbf16> to vector<128x64xbf16>
    %dot_general3A_637 = arith.constant dense<0.000000e+00> : vector<128x64xf32>
    %dot_general3A_638 = tpu.matmul %convert_element_type3A_436, %slice3A_636, %dot_general3A_637 {dimension_numbers = #tpu.dot_dimension_numbers<[1], [0], [0], [1], [0, 0, 1, 1], [], []>, transpose_lhs_hint = false} : vector<128x128xbf16>, vector<128x64xbf16>, vector<128x64xf32> -> vector<128x64xf32>
    %add3A_639 = vector.broadcast %add3A_635 : vector<1x64xf32> to vector<128x64xf32>
    %add3A_640 = arith.addf %dot_general3A_638, %add3A_639 : vector<128x64xf32>
    %slice3A_641 = vector.extract_strided_slice %convert_element_type3A_590 {offsets = [512, 0], sizes = [128, 64], strides = [1, 1]} : vector<1792x64xf32> to vector<128x64xf32>
    %reduce_sum3A_642 = arith.constant dense<0.000000e+00> : vector<64xf32>
    %reduce_sum3A_643 = vector.multi_reduction <add>, %slice3A_641, %reduce_sum3A_642 [0] : vector<128x64xf32> to vector<64xf32>
    %broadcast_in_dim3A_644 = vector.shape_cast %reduce_sum3A_643 : vector<64xf32> to vector<1x64xf32>
    %add3A_645 = arith.addf %add3A_635, %broadcast_in_dim3A_644 : vector<1x64xf32>
    %slice3A_646 = vector.extract_strided_slice %convert_element_type3A_593 {offsets = [640, 0], sizes = [128, 64], strides = [1, 1]} : vector<1792x64xbf16> to vector<128x64xbf16>
    %dot_general3A_647 = arith.constant dense<0.000000e+00> : vector<128x64xf32>
    %dot_general3A_648 = tpu.matmul %convert_element_type3A_436, %slice3A_646, %dot_general3A_647 {dimension_numbers = #tpu.dot_dimension_numbers<[1], [0], [0], [1], [0, 0, 1, 1], [], []>, transpose_lhs_hint = false} : vector<128x128xbf16>, vector<128x64xbf16>, vector<128x64xf32> -> vector<128x64xf32>
    %add3A_649 = vector.broadcast %add3A_645 : vector<1x64xf32> to vector<128x64xf32>
    %add3A_650 = arith.addf %dot_general3A_648, %add3A_649 : vector<128x64xf32>
    %slice3A_651 = vector.extract_strided_slice %convert_element_type3A_590 {offsets = [640, 0], sizes = [128, 64], strides = [1, 1]} : vector<1792x64xf32> to vector<128x64xf32>
    %reduce_sum3A_652 = arith.constant dense<0.000000e+00> : vector<64xf32>
    %reduce_sum3A_653 = vector.multi_reduction <add>, %slice3A_651, %reduce_sum3A_652 [0] : vector<128x64xf32> to vector<64xf32>
    %broadcast_in_dim3A_654 = vector.shape_cast %reduce_sum3A_653 : vector<64xf32> to vector<1x64xf32>
    %add3A_655 = arith.addf %add3A_645, %broadcast_in_dim3A_654 : vector<1x64xf32>
    %slice3A_656 = vector.extract_strided_slice %convert_element_type3A_593 {offsets = [768, 0], sizes = [128, 64], strides = [1, 1]} : vector<1792x64xbf16> to vector<128x64xbf16>
    %dot_general3A_657 = arith.constant dense<0.000000e+00> : vector<128x64xf32>
    %dot_general3A_658 = tpu.matmul %convert_element_type3A_436, %slice3A_656, %dot_general3A_657 {dimension_numbers = #tpu.dot_dimension_numbers<[1], [0], [0], [1], [0, 0, 1, 1], [], []>, transpose_lhs_hint = false} : vector<128x128xbf16>, vector<128x64xbf16>, vector<128x64xf32> -> vector<128x64xf32>
    %add3A_659 = vector.broadcast %add3A_655 : vector<1x64xf32> to vector<128x64xf32>
    %add3A_660 = arith.addf %dot_general3A_658, %add3A_659 : vector<128x64xf32>
    %slice3A_661 = vector.extract_strided_slice %convert_element_type3A_590 {offsets = [768, 0], sizes = [128, 64], strides = [1, 1]} : vector<1792x64xf32> to vector<128x64xf32>
    %reduce_sum3A_662 = arith.constant dense<0.000000e+00> : vector<64xf32>
    %reduce_sum3A_663 = vector.multi_reduction <add>, %slice3A_661, %reduce_sum3A_662 [0] : vector<128x64xf32> to vector<64xf32>
    %broadcast_in_dim3A_664 = vector.shape_cast %reduce_sum3A_663 : vector<64xf32> to vector<1x64xf32>
    %add3A_665 = arith.addf %add3A_655, %broadcast_in_dim3A_664 : vector<1x64xf32>
    %slice3A_666 = vector.extract_strided_slice %convert_element_type3A_593 {offsets = [896, 0], sizes = [128, 64], strides = [1, 1]} : vector<1792x64xbf16> to vector<128x64xbf16>
    %dot_general3A_667 = arith.constant dense<0.000000e+00> : vector<128x64xf32>
    %dot_general3A_668 = tpu.matmul %convert_element_type3A_436, %slice3A_666, %dot_general3A_667 {dimension_numbers = #tpu.dot_dimension_numbers<[1], [0], [0], [1], [0, 0, 1, 1], [], []>, transpose_lhs_hint = false} : vector<128x128xbf16>, vector<128x64xbf16>, vector<128x64xf32> -> vector<128x64xf32>
    %add3A_669 = vector.broadcast %add3A_665 : vector<1x64xf32> to vector<128x64xf32>
    %add3A_670 = arith.addf %dot_general3A_668, %add3A_669 : vector<128x64xf32>
    %slice3A_671 = vector.extract_strided_slice %convert_element_type3A_590 {offsets = [896, 0], sizes = [128, 64], strides = [1, 1]} : vector<1792x64xf32> to vector<128x64xf32>
    %reduce_sum3A_672 = arith.constant dense<0.000000e+00> : vector<64xf32>
    %reduce_sum3A_673 = vector.multi_reduction <add>, %slice3A_671, %reduce_sum3A_672 [0] : vector<128x64xf32> to vector<64xf32>
    %broadcast_in_dim3A_674 = vector.shape_cast %reduce_sum3A_673 : vector<64xf32> to vector<1x64xf32>
    %add3A_675 = arith.addf %add3A_665, %broadcast_in_dim3A_674 : vector<1x64xf32>
    %slice3A_676 = vector.extract_strided_slice %convert_element_type3A_593 {offsets = [1024, 0], sizes = [128, 64], strides = [1, 1]} : vector<1792x64xbf16> to vector<128x64xbf16>
    %dot_general3A_677 = arith.constant dense<0.000000e+00> : vector<128x64xf32>
    %dot_general3A_678 = tpu.matmul %convert_element_type3A_436, %slice3A_676, %dot_general3A_677 {dimension_numbers = #tpu.dot_dimension_numbers<[1], [0], [0], [1], [0, 0, 1, 1], [], []>, transpose_lhs_hint = false} : vector<128x128xbf16>, vector<128x64xbf16>, vector<128x64xf32> -> vector<128x64xf32>
    %add3A_679 = vector.broadcast %add3A_675 : vector<1x64xf32> to vector<128x64xf32>
    %add3A_680 = arith.addf %dot_general3A_678, %add3A_679 : vector<128x64xf32>
    %slice3A_681 = vector.extract_strided_slice %convert_element_type3A_590 {offsets = [1024, 0], sizes = [128, 64], strides = [1, 1]} : vector<1792x64xf32> to vector<128x64xf32>
    %reduce_sum3A_682 = arith.constant dense<0.000000e+00> : vector<64xf32>
    %reduce_sum3A_683 = vector.multi_reduction <add>, %slice3A_681, %reduce_sum3A_682 [0] : vector<128x64xf32> to vector<64xf32>
    %broadcast_in_dim3A_684 = vector.shape_cast %reduce_sum3A_683 : vector<64xf32> to vector<1x64xf32>
    %add3A_685 = arith.addf %add3A_675, %broadcast_in_dim3A_684 : vector<1x64xf32>
    %slice3A_686 = vector.extract_strided_slice %convert_element_type3A_593 {offsets = [1152, 0], sizes = [128, 64], strides = [1, 1]} : vector<1792x64xbf16> to vector<128x64xbf16>
    %dot_general3A_687 = arith.constant dense<0.000000e+00> : vector<128x64xf32>
    %dot_general3A_688 = tpu.matmul %convert_element_type3A_436, %slice3A_686, %dot_general3A_687 {dimension_numbers = #tpu.dot_dimension_numbers<[1], [0], [0], [1], [0, 0, 1, 1], [], []>, transpose_lhs_hint = false} : vector<128x128xbf16>, vector<128x64xbf16>, vector<128x64xf32> -> vector<128x64xf32>
    %add3A_689 = vector.broadcast %add3A_685 : vector<1x64xf32> to vector<128x64xf32>
    %add3A_690 = arith.addf %dot_general3A_688, %add3A_689 : vector<128x64xf32>
    %slice3A_691 = vector.extract_strided_slice %convert_element_type3A_590 {offsets = [1152, 0], sizes = [128, 64], strides = [1, 1]} : vector<1792x64xf32> to vector<128x64xf32>
    %reduce_sum3A_692 = arith.constant dense<0.000000e+00> : vector<64xf32>
    %reduce_sum3A_693 = vector.multi_reduction <add>, %slice3A_691, %reduce_sum3A_692 [0] : vector<128x64xf32> to vector<64xf32>
    %broadcast_in_dim3A_694 = vector.shape_cast %reduce_sum3A_693 : vector<64xf32> to vector<1x64xf32>
    %add3A_695 = arith.addf %add3A_685, %broadcast_in_dim3A_694 : vector<1x64xf32>
    %slice3A_696 = vector.extract_strided_slice %convert_element_type3A_593 {offsets = [1280, 0], sizes = [128, 64], strides = [1, 1]} : vector<1792x64xbf16> to vector<128x64xbf16>
    %dot_general3A_697 = arith.constant dense<0.000000e+00> : vector<128x64xf32>
    %dot_general3A_698 = tpu.matmul %convert_element_type3A_436, %slice3A_696, %dot_general3A_697 {dimension_numbers = #tpu.dot_dimension_numbers<[1], [0], [0], [1], [0, 0, 1, 1], [], []>, transpose_lhs_hint = false} : vector<128x128xbf16>, vector<128x64xbf16>, vector<128x64xf32> -> vector<128x64xf32>
    %add3A_699 = vector.broadcast %add3A_695 : vector<1x64xf32> to vector<128x64xf32>
    %add3A_700 = arith.addf %dot_general3A_698, %add3A_699 : vector<128x64xf32>
    %slice3A_701 = vector.extract_strided_slice %convert_element_type3A_590 {offsets = [1280, 0], sizes = [128, 64], strides = [1, 1]} : vector<1792x64xf32> to vector<128x64xf32>
    %reduce_sum3A_702 = arith.constant dense<0.000000e+00> : vector<64xf32>
    %reduce_sum3A_703 = vector.multi_reduction <add>, %slice3A_701, %reduce_sum3A_702 [0] : vector<128x64xf32> to vector<64xf32>
    %broadcast_in_dim3A_704 = vector.shape_cast %reduce_sum3A_703 : vector<64xf32> to vector<1x64xf32>
    %add3A_705 = arith.addf %add3A_695, %broadcast_in_dim3A_704 : vector<1x64xf32>
    %slice3A_706 = vector.extract_strided_slice %convert_element_type3A_593 {offsets = [1408, 0], sizes = [128, 64], strides = [1, 1]} : vector<1792x64xbf16> to vector<128x64xbf16>
    %dot_general3A_707 = arith.constant dense<0.000000e+00> : vector<128x64xf32>
    %dot_general3A_708 = tpu.matmul %convert_element_type3A_436, %slice3A_706, %dot_general3A_707 {dimension_numbers = #tpu.dot_dimension_numbers<[1], [0], [0], [1], [0, 0, 1, 1], [], []>, transpose_lhs_hint = false} : vector<128x128xbf16>, vector<128x64xbf16>, vector<128x64xf32> -> vector<128x64xf32>
    %add3A_709 = vector.broadcast %add3A_705 : vector<1x64xf32> to vector<128x64xf32>
    %add3A_710 = arith.addf %dot_general3A_708, %add3A_709 : vector<128x64xf32>
    %slice3A_711 = vector.extract_strided_slice %convert_element_type3A_590 {offsets = [1408, 0], sizes = [128, 64], strides = [1, 1]} : vector<1792x64xf32> to vector<128x64xf32>
    %reduce_sum3A_712 = arith.constant dense<0.000000e+00> : vector<64xf32>
    %reduce_sum3A_713 = vector.multi_reduction <add>, %slice3A_711, %reduce_sum3A_712 [0] : vector<128x64xf32> to vector<64xf32>
    %broadcast_in_dim3A_714 = vector.shape_cast %reduce_sum3A_713 : vector<64xf32> to vector<1x64xf32>
    %add3A_715 = arith.addf %add3A_705, %broadcast_in_dim3A_714 : vector<1x64xf32>
    %slice3A_716 = vector.extract_strided_slice %convert_element_type3A_593 {offsets = [1536, 0], sizes = [128, 64], strides = [1, 1]} : vector<1792x64xbf16> to vector<128x64xbf16>
    %dot_general3A_717 = arith.constant dense<0.000000e+00> : vector<128x64xf32>
    %dot_general3A_718 = tpu.matmul %convert_element_type3A_436, %slice3A_716, %dot_general3A_717 {dimension_numbers = #tpu.dot_dimension_numbers<[1], [0], [0], [1], [0, 0, 1, 1], [], []>, transpose_lhs_hint = false} : vector<128x128xbf16>, vector<128x64xbf16>, vector<128x64xf32> -> vector<128x64xf32>
    %add3A_719 = vector.broadcast %add3A_715 : vector<1x64xf32> to vector<128x64xf32>
    %add3A_720 = arith.addf %dot_general3A_718, %add3A_719 : vector<128x64xf32>
    %slice3A_721 = vector.extract_strided_slice %convert_element_type3A_590 {offsets = [1536, 0], sizes = [128, 64], strides = [1, 1]} : vector<1792x64xf32> to vector<128x64xf32>
    %reduce_sum3A_722 = arith.constant dense<0.000000e+00> : vector<64xf32>
    %reduce_sum3A_723 = vector.multi_reduction <add>, %slice3A_721, %reduce_sum3A_722 [0] : vector<128x64xf32> to vector<64xf32>
    %broadcast_in_dim3A_724 = vector.shape_cast %reduce_sum3A_723 : vector<64xf32> to vector<1x64xf32>
    %add3A_725 = arith.addf %add3A_715, %broadcast_in_dim3A_724 : vector<1x64xf32>
    %slice3A_726 = vector.extract_strided_slice %convert_element_type3A_593 {offsets = [1664, 0], sizes = [128, 64], strides = [1, 1]} : vector<1792x64xbf16> to vector<128x64xbf16>
    %dot_general3A_727 = arith.constant dense<0.000000e+00> : vector<128x64xf32>
    %dot_general3A_728 = tpu.matmul %convert_element_type3A_436, %slice3A_726, %dot_general3A_727 {dimension_numbers = #tpu.dot_dimension_numbers<[1], [0], [0], [1], [0, 0, 1, 1], [], []>, transpose_lhs_hint = false} : vector<128x128xbf16>, vector<128x64xbf16>, vector<128x64xf32> -> vector<128x64xf32>
    %add3A_729 = vector.broadcast %add3A_725 : vector<1x64xf32> to vector<128x64xf32>
    %add3A_730 = arith.addf %dot_general3A_728, %add3A_729 : vector<128x64xf32>
    %slice3A_731 = vector.extract_strided_slice %convert_element_type3A_590 {offsets = [1664, 0], sizes = [128, 64], strides = [1, 1]} : vector<1792x64xf32> to vector<128x64xf32>
    %reduce_sum3A_732 = arith.constant dense<0.000000e+00> : vector<64xf32>
    %reduce_sum3A_733 = vector.multi_reduction <add>, %slice3A_731, %reduce_sum3A_732 [0] : vector<128x64xf32> to vector<64xf32>
    %broadcast_in_dim3A_734 = vector.shape_cast %reduce_sum3A_733 : vector<64xf32> to vector<1x64xf32>
    %add3A_735 = arith.addf %add3A_725, %broadcast_in_dim3A_734 : vector<1x64xf32>
    %concatenate3A_736 = tpu.concatenate %add3A_600, %add3A_610, %add3A_620, %add3A_630, %add3A_640, %add3A_650, %add3A_660, %add3A_670, %add3A_680, %add3A_690, %add3A_700, %add3A_710, %add3A_720, %add3A_730 in 0 : vector<128x64xf32>, vector<128x64xf32>, vector<128x64xf32>, vector<128x64xf32>, vector<128x64xf32>, vector<128x64xf32>, vector<128x64xf32>, vector<128x64xf32>, vector<128x64xf32>, vector<128x64xf32>, vector<128x64xf32>, vector<128x64xf32>, vector<128x64xf32>, vector<128x64xf32> -> vector<1792x64xf32>
    %mul3A_737 = arith.mulf %concatenate3A_736, %convert_element_type3A_590 : vector<1792x64xf32>
    %reduce_sum3A_738 = arith.constant dense<0.000000e+00> : vector<1792xf32>
    %reduce_sum3A_739 = vector.multi_reduction <add>, %mul3A_737, %reduce_sum3A_738 [1] : vector<1792x64xf32> to vector<1792xf32>
    %broadcast_in_dim3A_740 = vector.shape_cast %reduce_sum3A_739 : vector<1792xf32> to vector<1792x1xf32>
    %concatenate3A_741 = tpu.concatenate %broadcast_in_dim3A_588, %broadcast_in_dim3A_740 in 1 : vector<1792x1xf32>, vector<1792x1xf32> -> vector<1792x2xf32>
    %convert_element_type3A_742 = arith.fptosi %concatenate3A_741 : vector<1792x2xf32> to vector<1792x2xi32>
    %swap3A_743 = arith.constant 0 : index
    %swap3A_744 = arith.constant 0 : index
    %swap3A_745 = vector.load %arg9[%swap3A_743, %swap3A_744] : memref<1792x2xi32, #tpu.memory_space<vmem>>, vector<1792x2xi32>
    tpu.vector_store %arg9[%swap3A_743, %swap3A_744], %convert_element_type3A_742 {strides = array<i32>} : memref<1792x2xi32, #tpu.memory_space<vmem>>, vector<1792x2xi32>,
    %concatenate3A_746 = tpu.concatenate %add3A_583, %add3A_735 in 0 : vector<1x64xf32>, vector<1x64xf32> -> vector<2x64xf32>
    %broadcast_in_dim3A_747 = vector.shape_cast %concatenate3A_746 : vector<2x64xf32> to vector<1x2x64xf32>
    %swap3A_748 = arith.constant 0 : index
    %swap3A_749 = arith.constant 0 : index
    %swap3A_750 = arith.constant 0 : index
    %swap3A_751 = vector.load %arg10[%swap3A_748, %swap3A_749, %swap3A_750] : memref<1x2x64xf32, #tpu.memory_space<vmem>>, vector<1x2x64xf32>
    tpu.vector_store %arg10[%swap3A_748, %swap3A_749, %swap3A_750], %broadcast_in_dim3A_747 {strides = array<i32>} : memref<1x2x64xf32, #tpu.memory_space<vmem>>, vector<1x2x64xf32>,
    return
  }
  func.func @transform_0(%arg0: i32) -> (i32, i32) {
    %sub3A = arith.constant 1 : i32
    %sub3A_0 = arith.subi %arg0, %sub3A : i32
    %max3A = arith.constant 0 : i32
    %max3A_1 = arith.maxsi %sub3A_0, %max3A : i32
    %c0_i32 = arith.constant 0 : i32
    %c0_i32_2 = arith.constant 0 : i32
    return %max3A_1, %c0_i32 : i32, i32
  }
  func.func @transform_1(%arg0: i32) -> (i32, i32) {
    %c0_i32 = arith.constant 0 : i32
    %c0_i32_0 = arith.constant 0 : i32
    return %arg0, %c0_i32 : i32, i32
  }
  func.func @transform_2(%arg0: i32) -> (i32, i32) {
    %add3A = arith.constant 1 : i32
    %add3A_0 = arith.addi %arg0, %add3A : i32
    %min3A = arith.constant 55 : i32
    %min3A_1 = arith.minsi %add3A_0, %min3A : i32
    %c0_i32 = arith.constant 0 : i32
    %c0_i32_2 = arith.constant 0 : i32
    return %min3A_1, %c0_i32 : i32, i32
  }
  func.func @transform_3(%arg0: i32) -> (i32, i32) {
    %c0_i32 = arith.constant 0 : i32
    %c0_i32_0 = arith.constant 0 : i32
    %c0_i32_1 = arith.constant 0 : i32
    return %c0_i32, %c0_i32_0 : i32, i32
  }
  func.func @transform_4(%arg0: i32) -> (i32, i32) {
    %c0_i32 = arith.constant 0 : i32
    %c0_i32_0 = arith.constant 0 : i32
    %c0_i32_1 = arith.constant 0 : i32
    return %c0_i32, %c0_i32_0 : i32, i32
  }
  func.func @transform_5(%arg0: i32) -> (i32, i32) {
    %c0_i32 = arith.constant 0 : i32
    %c0_i32_0 = arith.constant 0 : i32
    return %arg0, %c0_i32 : i32, i32
  }
  func.func @transform_6(%arg0: i32) -> (i32, i32) {
    %c0_i32 = arith.constant 0 : i32
    %c0_i32_0 = arith.constant 0 : i32
    return %arg0, %c0_i32 : i32, i32
  }
  func.func @transform_7(%arg0: i32) -> (i32, i32) {
    %c0_i32 = arith.constant 0 : i32
    %c0_i32_0 = arith.constant 0 : i32
    return %arg0, %c0_i32 : i32, i32
  }
  func.func @transform_8(%arg0: i32) -> (i32, i32) {
    %c0_i32 = arith.constant 0 : i32
    %c0_i32_0 = arith.constant 0 : i32
    return %arg0, %c0_i32 : i32, i32
  }
  func.func @transform_9(%arg0: i32) -> (i32, i32, i32) {
    %c0_i32 = arith.constant 0 : i32
    %c0_i32_0 = arith.constant 0 : i32
    %c0_i32_1 = arith.constant 0 : i32
    return %arg0, %c0_i32, %c0_i32_0 : i32, i32, i32
  }
}

module attributes {stable_mosaic.version = 14 : i64} {
  func.func @_stageB_body(%arg0: i32, %arg1: memref<56x2x64xf32, #tpu.memory_space<vmem>>, %arg2: memref<1792x2xi32, #tpu.memory_space<vmem>>, %arg3: memref<1792x2xi32, #tpu.memory_space<vmem>>, %arg4: memref<1792x2xf32, #tpu.memory_space<vmem>>, %arg5: memref<1792x2xi32, #tpu.memory_space<vmem>>, %arg6: memref<1792x2xf32, #tpu.memory_space<vmem>>) attributes {dimension_semantics = [#tpu.dimension_semantics<arbitrary>], iteration_bounds = array<i64: 56>, scalar_prefetch = 0 : i64, scratch_operands = 0 : i64, tpu.core_type = #tpu.core_type<tc>, window_params = [{pipeline_mode = #tpu.pipeline_mode<synchronous>, transform_indices = @transform_0, window_bounds = array<i64: 56, 2, 64>}, {transform_indices = @transform_1, window_bounds = array<i64: 1792, 2>}, {transform_indices = @transform_2, window_bounds = array<i64: 1792, 2>}, {transform_indices = @transform_3, window_bounds = array<i64: 1792, 2>}, {transform_indices = @transform_4, window_bounds = array<i64: 1792, 2>}, {transform_indices = @transform_5, window_bounds = array<i64: 1792, 2>}]} {
    %get3A = arith.constant 0 : index
    %get3A_0 = arith.constant 0 : index
    %get3A_1 = arith.constant 0 : index
    %get3A_2 = vector.load %arg1[%get3A, %get3A_0, %get3A_1] : memref<56x2x64xf32, #tpu.memory_space<vmem>>, vector<56x1x64xf32>
    %get3A_3 = vector.shape_cast %get3A_2 : vector<56x1x64xf32> to vector<56x64xf32>
    %get3A_4 = arith.constant 0 : index
    %get3A_5 = arith.constant 1 : index
    %get3A_6 = arith.constant 0 : index
    %get3A_7 = vector.load %arg1[%get3A_4, %get3A_5, %get3A_6] : memref<56x2x64xf32, #tpu.memory_space<vmem>>, vector<56x1x64xf32>
    %get3A_8 = vector.shape_cast %get3A_7 : vector<56x1x64xf32> to vector<56x64xf32>
    %iota3A = tpu.iota {dimensions = array<i32: 0>} : vector<56x1xi32>
    %lt3A = vector.broadcast %arg0 : i32 to vector<56x1xi32>
    %lt3A_9 = arith.cmpi slt, %iota3A, %lt3A : vector<56x1xi32>
    %convert_element_type3A = arith.extui %lt3A_9 : vector<56x1xi1> to vector<56x1xi32>
    %convert_element_type3A_10 = arith.sitofp %convert_element_type3A : vector<56x1xi32> to vector<56x1xf32>
    %mul3A = vector.broadcast %convert_element_type3A_10 : vector<56x1xf32> to vector<56x64xf32>
    %mul3A_11 = arith.mulf %get3A_3, %mul3A : vector<56x64xf32>
    %reduce_sum3A = arith.constant dense<0.000000e+00> : vector<64xf32>
    %reduce_sum3A_12 = vector.multi_reduction <add>, %mul3A_11, %reduce_sum3A [0] : vector<56x64xf32> to vector<64xf32>
    %broadcast_in_dim3A = vector.shape_cast %reduce_sum3A_12 : vector<64xf32> to vector<1x64xf32>
    %reduce_sum3A_13 = arith.constant dense<0.000000e+00> : vector<64xf32>
    %reduce_sum3A_14 = vector.multi_reduction <add>, %get3A_3, %reduce_sum3A_13 [0] : vector<56x64xf32> to vector<64xf32>
    %broadcast_in_dim3A_15 = vector.shape_cast %reduce_sum3A_14 : vector<64xf32> to vector<1x64xf32>
    %mul3A_16 = vector.broadcast %convert_element_type3A_10 : vector<56x1xf32> to vector<56x64xf32>
    %mul3A_17 = arith.mulf %get3A_8, %mul3A_16 : vector<56x64xf32>
    %reduce_sum3A_18 = arith.constant dense<0.000000e+00> : vector<64xf32>
    %reduce_sum3A_19 = vector.multi_reduction <add>, %mul3A_17, %reduce_sum3A_18 [0] : vector<56x64xf32> to vector<64xf32>
    %broadcast_in_dim3A_20 = vector.shape_cast %reduce_sum3A_19 : vector<64xf32> to vector<1x64xf32>
    %add3A = arith.addf %broadcast_in_dim3A_15, %broadcast_in_dim3A_20 : vector<1x64xf32>
    %get3A_21 = arith.constant 0 : index
    %get3A_22 = arith.constant 0 : index
    %get3A_23 = vector.load %arg2[%get3A_21, %get3A_22] : memref<1792x2xi32, #tpu.memory_space<vmem>>, vector<1792x2xi32>
    %iota3A_24 = tpu.iota {dimensions = array<i32: 1>} : vector<1792x64xi32>
    %slice3A = vector.extract_strided_slice %get3A_23 {offsets = [0, 0], sizes = [1792, 1], strides = [1, 1]} : vector<1792x2xi32> to vector<1792x1xi32>
    %eq3A = vector.broadcast %slice3A : vector<1792x1xi32> to vector<1792x64xi32>
    %eq3A_25 = arith.cmpi eq, %iota3A_24, %eq3A : vector<1792x64xi32>
    %convert_element_type3A_26 = arith.extui %eq3A_25 : vector<1792x64xi1> to vector<1792x64xi32>
    %convert_element_type3A_27 = arith.sitofp %convert_element_type3A_26 : vector<1792x64xi32> to vector<1792x64xf32>
    %slice3A_28 = vector.extract_strided_slice %get3A_23 {offsets = [0, 1], sizes = [1792, 1], strides = [1, 1]} : vector<1792x2xi32> to vector<1792x1xi32>
    %eq3A_29 = vector.broadcast %slice3A_28 : vector<1792x1xi32> to vector<1792x64xi32>
    %eq3A_30 = arith.cmpi eq, %iota3A_24, %eq3A_29 : vector<1792x64xi32>
    %convert_element_type3A_31 = arith.extui %eq3A_30 : vector<1792x64xi1> to vector<1792x64xi32>
    %convert_element_type3A_32 = arith.sitofp %convert_element_type3A_31 : vector<1792x64xi32> to vector<1792x64xf32>
    %mul3A_33 = vector.broadcast %broadcast_in_dim3A : vector<1x64xf32> to vector<1792x64xf32>
    %mul3A_34 = arith.mulf %convert_element_type3A_27, %mul3A_33 : vector<1792x64xf32>
    %reduce_sum3A_35 = arith.constant dense<0.000000e+00> : vector<1792xf32>
    %reduce_sum3A_36 = vector.multi_reduction <add>, %mul3A_34, %reduce_sum3A_35 [1] : vector<1792x64xf32> to vector<1792xf32>
    %broadcast_in_dim3A_37 = vector.shape_cast %reduce_sum3A_36 : vector<1792xf32> to vector<1792x1xf32>
    %mul3A_38 = vector.broadcast %add3A : vector<1x64xf32> to vector<1792x64xf32>
    %mul3A_39 = arith.mulf %convert_element_type3A_32, %mul3A_38 : vector<1792x64xf32>
    %reduce_sum3A_40 = arith.constant dense<0.000000e+00> : vector<1792xf32>
    %reduce_sum3A_41 = vector.multi_reduction <add>, %mul3A_39, %reduce_sum3A_40 [1] : vector<1792x64xf32> to vector<1792xf32>
    %broadcast_in_dim3A_42 = vector.shape_cast %reduce_sum3A_41 : vector<1792xf32> to vector<1792x1xf32>
    %get3A_43 = arith.constant 0 : index
    %get3A_44 = arith.constant 0 : index
    %get3A_45 = vector.load %arg3[%get3A_43, %get3A_44] : memref<1792x2xi32, #tpu.memory_space<vmem>>, vector<1792x2xi32>
    %slice3A_46 = vector.extract_strided_slice %get3A_45 {offsets = [0, 0], sizes = [1792, 1], strides = [1, 1]} : vector<1792x2xi32> to vector<1792x1xi32>
    %convert_element_type3A_47 = arith.sitofp %slice3A_46 : vector<1792x1xi32> to vector<1792x1xf32>
    %add3A_48 = arith.addf %convert_element_type3A_47, %broadcast_in_dim3A_37 : vector<1792x1xf32>
    %slice3A_49 = vector.extract_strided_slice %get3A_45 {offsets = [0, 1], sizes = [1792, 1], strides = [1, 1]} : vector<1792x2xi32> to vector<1792x1xi32>
    %convert_element_type3A_50 = arith.sitofp %slice3A_49 : vector<1792x1xi32> to vector<1792x1xf32>
    %add3A_51 = arith.addf %convert_element_type3A_50, %broadcast_in_dim3A_42 : vector<1792x1xf32>
    %lt3A_52 = arith.constant 3.920000e+03 : f32
    %lt3A_53 = vector.broadcast %lt3A_52 : f32 to vector<1792x1xf32>
    %lt3A_54 = arith.cmpf olt, %add3A_48, %lt3A_53 : vector<1792x1xf32>
    %convert_element_type3A_55 = arith.extui %lt3A_54 : vector<1792x1xi1> to vector<1792x1xi32>
    %convert_element_type3A_56 = arith.sitofp %convert_element_type3A_55 : vector<1792x1xi32> to vector<1792x1xf32>
    %lt3A_57 = arith.constant 3.920000e+03 : f32
    %lt3A_58 = vector.broadcast %lt3A_57 : f32 to vector<1792x1xf32>
    %lt3A_59 = arith.cmpf olt, %add3A_51, %lt3A_58 : vector<1792x1xf32>
    %convert_element_type3A_60 = arith.extui %lt3A_59 : vector<1792x1xi1> to vector<1792x1xi32>
    %convert_element_type3A_61 = arith.sitofp %convert_element_type3A_60 : vector<1792x1xi32> to vector<1792x1xf32>
    %min3A = arith.constant 3.920000e+03 : f32
    %min3A_62 = vector.broadcast %min3A : f32 to vector<1792x1xf32>
    %min3A_63 = arith.minimumf %add3A_48, %min3A_62 : vector<1792x1xf32>
    %convert_element_type3A_64 = arith.fptosi %min3A_63 : vector<1792x1xf32> to vector<1792x1xi32>
    %min3A_65 = arith.constant 3.920000e+03 : f32
    %min3A_66 = vector.broadcast %min3A_65 : f32 to vector<1792x1xf32>
    %min3A_67 = arith.minimumf %add3A_51, %min3A_66 : vector<1792x1xf32>
    %convert_element_type3A_68 = arith.fptosi %min3A_67 : vector<1792x1xf32> to vector<1792x1xi32>
    %get3A_69 = arith.constant 0 : index
    %get3A_70 = arith.constant 0 : index
    %get3A_71 = vector.load %arg4[%get3A_69, %get3A_70] : memref<1792x2xf32, #tpu.memory_space<vmem>>, vector<1792x2xf32>
    %concatenate3A = tpu.concatenate %convert_element_type3A_64, %convert_element_type3A_68 in 1 : vector<1792x1xi32>, vector<1792x1xi32> -> vector<1792x2xi32>
    %swap3A = arith.constant 0 : index
    %swap3A_72 = arith.constant 0 : index
    %swap3A_73 = vector.load %arg5[%swap3A, %swap3A_72] : memref<1792x2xi32, #tpu.memory_space<vmem>>, vector<1792x2xi32>
    tpu.vector_store %arg5[%swap3A, %swap3A_72], %concatenate3A {strides = array<i32>} : memref<1792x2xi32, #tpu.memory_space<vmem>>, vector<1792x2xi32>,
    %slice3A_74 = vector.extract_strided_slice %get3A_71 {offsets = [0, 0], sizes = [1792, 1], strides = [1, 1]} : vector<1792x2xf32> to vector<1792x1xf32>
    %mul3A_75 = arith.mulf %slice3A_74, %convert_element_type3A_56 : vector<1792x1xf32>
    %slice3A_76 = vector.extract_strided_slice %get3A_71 {offsets = [0, 1], sizes = [1792, 1], strides = [1, 1]} : vector<1792x2xf32> to vector<1792x1xf32>
    %mul3A_77 = arith.mulf %slice3A_76, %convert_element_type3A_61 : vector<1792x1xf32>
    %concatenate3A_78 = tpu.concatenate %mul3A_75, %mul3A_77 in 1 : vector<1792x1xf32>, vector<1792x1xf32> -> vector<1792x2xf32>
    %swap3A_79 = arith.constant 0 : index
    %swap3A_80 = arith.constant 0 : index
    %swap3A_81 = vector.load %arg6[%swap3A_79, %swap3A_80] : memref<1792x2xf32, #tpu.memory_space<vmem>>, vector<1792x2xf32>
    tpu.vector_store %arg6[%swap3A_79, %swap3A_80], %concatenate3A_78 {strides = array<i32>} : memref<1792x2xf32, #tpu.memory_space<vmem>>, vector<1792x2xf32>,
    return
  }
  func.func @transform_0(%arg0: i32) -> (i32, i32, i32) {
    %c0_i32 = arith.constant 0 : i32
    %c0_i32_0 = arith.constant 0 : i32
    %c0_i32_1 = arith.constant 0 : i32
    %c0_i32_2 = arith.constant 0 : i32
    return %c0_i32, %c0_i32_0, %c0_i32_1 : i32, i32, i32
  }
  func.func @transform_1(%arg0: i32) -> (i32, i32) {
    %c0_i32 = arith.constant 0 : i32
    %c0_i32_0 = arith.constant 0 : i32
    return %arg0, %c0_i32 : i32, i32
  }
  func.func @transform_2(%arg0: i32) -> (i32, i32) {
    %c0_i32 = arith.constant 0 : i32
    %c0_i32_0 = arith.constant 0 : i32
    return %arg0, %c0_i32 : i32, i32
  }
  func.func @transform_3(%arg0: i32) -> (i32, i32) {
    %c0_i32 = arith.constant 0 : i32
    %c0_i32_0 = arith.constant 0 : i32
    return %arg0, %c0_i32 : i32, i32
  }
  func.func @transform_4(%arg0: i32) -> (i32, i32) {
    %c0_i32 = arith.constant 0 : i32
    %c0_i32_0 = arith.constant 0 : i32
    return %arg0, %c0_i32 : i32, i32
  }
  func.func @transform_5(%arg0: i32) -> (i32, i32) {
    %c0_i32 = arith.constant 0 : i32
    %c0_i32_0 = arith.constant 0 : i32
    return %arg0, %c0_i32 : i32, i32
  }
}

module attributes {stable_mosaic.version = 14 : i64} {
  func.func @_stageE_body(%arg0: i32, %arg1: i32, %arg2: memref<496x288xf32, #tpu.memory_space<vmem>>, %arg3: memref<1x288x96xf32, #tpu.memory_space<vmem>>, %arg4: memref<1x1x96xf32, #tpu.memory_space<vmem>>, %arg5: memref<496x96xf32, #tpu.memory_space<vmem>>) attributes {dimension_semantics = [#tpu.dimension_semantics<arbitrary>, #tpu.dimension_semantics<arbitrary>], iteration_bounds = array<i64: 64, 8>, scalar_prefetch = 0 : i64, scratch_operands = 0 : i64, tpu.core_type = #tpu.core_type<tc>, window_params = [{transform_indices = @transform_0, window_bounds = array<i64: 496, 288>}, {transform_indices = @transform_1, window_bounds = array<i64: 1, 288, 96>}, {transform_indices = @transform_2, window_bounds = array<i64: 1, 1, 96>}, {transform_indices = @transform_3, window_bounds = array<i64: 496, 96>}]} {
    %get3A = arith.constant 0 : index
    %get3A_0 = arith.constant 0 : index
    %get3A_1 = vector.load %arg2[%get3A, %get3A_0] : memref<496x288xf32, #tpu.memory_space<vmem>>, vector<496x288xf32>
    %get3A_2 = arith.constant 0 : index
    %get3A_3 = arith.constant 0 : index
    %get3A_4 = arith.constant 0 : index
    %get3A_5 = vector.load %arg3[%get3A_2, %get3A_3, %get3A_4] : memref<1x288x96xf32, #tpu.memory_space<vmem>>, vector<1x288x96xf32>
    %get3A_6 = vector.shape_cast %get3A_5 : vector<1x288x96xf32> to vector<288x96xf32>
    %dot_general3A = arith.constant dense<0.000000e+00> : vector<496x96xf32>
    %dot_general3A_7 = tpu.matmul %get3A_1, %get3A_6, %dot_general3A {dimension_numbers = #tpu.dot_dimension_numbers<[1], [0], [0], [1], [0, 0, 1, 1], [], []>, transpose_lhs_hint = false} : vector<496x288xf32>, vector<288x96xf32>, vector<496x96xf32> -> vector<496x96xf32>
    %get3A_8 = arith.constant 0 : index
    %get3A_9 = arith.constant 0 : index
    %get3A_10 = arith.constant 0 : index
    %get3A_11 = vector.load %arg4[%get3A_8, %get3A_9, %get3A_10] : memref<1x1x96xf32, #tpu.memory_space<vmem>>, vector<1x1x96xf32>
    %get3A_12 = vector.shape_cast %get3A_11 : vector<1x1x96xf32> to vector<1x96xf32>
    %add3A = vector.broadcast %get3A_12 : vector<1x96xf32> to vector<496x96xf32>
    %add3A_13 = arith.addf %dot_general3A_7, %add3A : vector<496x96xf32>
    %swap3A = arith.constant 0 : index
    %swap3A_14 = arith.constant 0 : index
    %swap3A_15 = vector.load %arg5[%swap3A, %swap3A_14] : memref<496x96xf32, #tpu.memory_space<vmem>>, vector<496x96xf32>
    tpu.vector_store %arg5[%swap3A, %swap3A_14], %add3A_13 {strides = array<i32>} : memref<496x96xf32, #tpu.memory_space<vmem>>, vector<496x96xf32>,
    return
  }
  func.func @transform_0(%arg0: i32, %arg1: i32) -> (i32, i32) {
    %mul3A = arith.constant 8 : i32
    %mul3A_0 = arith.muli %arg0, %mul3A : i32
    %add3A = arith.addi %mul3A_0, %arg1 : i32
    %c0_i32 = arith.constant 0 : i32
    %c0_i32_1 = arith.constant 0 : i32
    return %add3A, %c0_i32 : i32, i32
  }
  func.func @transform_1(%arg0: i32, %arg1: i32) -> (i32, i32, i32) {
    %c0_i32 = arith.constant 0 : i32
    %c0_i32_0 = arith.constant 0 : i32
    %c0_i32_1 = arith.constant 0 : i32
    return %arg0, %c0_i32, %c0_i32_0 : i32, i32, i32
  }
  func.func @transform_2(%arg0: i32, %arg1: i32) -> (i32, i32, i32) {
    %c0_i32 = arith.constant 0 : i32
    %c0_i32_0 = arith.constant 0 : i32
    %c0_i32_1 = arith.constant 0 : i32
    return %arg0, %c0_i32, %c0_i32_0 : i32, i32, i32
  }
  func.func @transform_3(%arg0: i32, %arg1: i32) -> (i32, i32) {
    %mul3A = arith.constant 8 : i32
    %mul3A_0 = arith.muli %arg0, %mul3A : i32
    %add3A = arith.addi %mul3A_0, %arg1 : i32
    %c0_i32 = arith.constant 0 : i32
    %c0_i32_1 = arith.constant 0 : i32
    return %add3A, %c0_i32 : i32, i32
  }
}

module attributes {stable_mosaic.version = 14 : i64} {
  func.func @_stageF_body(%arg0: i32, %arg1: memref<1792x288xf32, #tpu.memory_space<vmem>>, %arg2: memref<1792x2xf32, #tpu.memory_space<vmem>>, %arg3: memref<1792x96xf32, #tpu.memory_space<vmem>>, %arg4: memref<1792x96xf32, #tpu.memory_space<vmem>>, %arg5: memref<288x96xf32, #tpu.memory_space<vmem>>, %arg6: memref<1x96xf32, #tpu.memory_space<vmem>>, %arg7: memref<1792x96xf32, #tpu.memory_space<vmem>>) attributes {dimension_semantics = [#tpu.dimension_semantics<arbitrary>], iteration_bounds = array<i64: 56>, scalar_prefetch = 0 : i64, scratch_operands = 0 : i64, tpu.core_type = #tpu.core_type<tc>, window_params = [{transform_indices = @transform_0, window_bounds = array<i64: 1792, 288>}, {transform_indices = @transform_1, window_bounds = array<i64: 1792, 2>}, {transform_indices = @transform_2, window_bounds = array<i64: 1792, 96>}, {transform_indices = @transform_3, window_bounds = array<i64: 1792, 96>}, {pipeline_mode = #tpu.pipeline_mode<synchronous>, transform_indices = @transform_4, window_bounds = array<i64: 288, 96>}, {pipeline_mode = #tpu.pipeline_mode<synchronous>, transform_indices = @transform_5, window_bounds = array<i64: 1, 96>}, {transform_indices = @transform_6, window_bounds = array<i64: 1792, 96>}]} {
    %get3A = arith.constant 0 : index
    %get3A_0 = arith.constant 0 : index
    %get3A_1 = vector.load %arg1[%get3A, %get3A_0] : memref<1792x288xf32, #tpu.memory_space<vmem>>, vector<1792x288xf32>
    %get3A_2 = arith.constant 0 : index
    %get3A_3 = arith.constant 0 : index
    %get3A_4 = vector.load %arg5[%get3A_2, %get3A_3] : memref<288x96xf32, #tpu.memory_space<vmem>>, vector<288x96xf32>
    %dot_general3A = arith.constant dense<0.000000e+00> : vector<1792x96xf32>
    %dot_general3A_5 = tpu.matmul %get3A_1, %get3A_4, %dot_general3A {dimension_numbers = #tpu.dot_dimension_numbers<[1], [0], [0], [1], [0, 0, 1, 1], [], []>, transpose_lhs_hint = false} : vector<1792x288xf32>, vector<288x96xf32>, vector<1792x96xf32> -> vector<1792x96xf32>
    %get3A_6 = arith.constant 0 : index
    %get3A_7 = arith.constant 0 : index
    %get3A_8 = vector.load %arg2[%get3A_6, %get3A_7] : memref<1792x2xf32, #tpu.memory_space<vmem>>, vector<1792x2xf32>
    %get3A_9 = arith.constant 0 : index
    %get3A_10 = arith.constant 0 : index
    %get3A_11 = vector.load %arg6[%get3A_9, %get3A_10] : memref<1x96xf32, #tpu.memory_space<vmem>>, vector<1x96xf32>
    %add3A = vector.broadcast %get3A_11 : vector<1x96xf32> to vector<1792x96xf32>
    %add3A_12 = arith.addf %dot_general3A_5, %add3A : vector<1792x96xf32>
    %slice3A = vector.extract_strided_slice %get3A_8 {offsets = [0, 0], sizes = [1792, 1], strides = [1, 1]} : vector<1792x2xf32> to vector<1792x1xf32>
    %get3A_13 = arith.constant 0 : index
    %get3A_14 = arith.constant 0 : index
    %get3A_15 = vector.load %arg3[%get3A_13, %get3A_14] : memref<1792x96xf32, #tpu.memory_space<vmem>>, vector<1792x96xf32>
    %mul3A = vector.broadcast %slice3A : vector<1792x1xf32> to vector<1792x96xf32>
    %mul3A_16 = arith.mulf %mul3A, %get3A_15 : vector<1792x96xf32>
    %add3A_17 = arith.addf %add3A_12, %mul3A_16 : vector<1792x96xf32>
    %slice3A_18 = vector.extract_strided_slice %get3A_8 {offsets = [0, 1], sizes = [1792, 1], strides = [1, 1]} : vector<1792x2xf32> to vector<1792x1xf32>
    %get3A_19 = arith.constant 0 : index
    %get3A_20 = arith.constant 0 : index
    %get3A_21 = vector.load %arg4[%get3A_19, %get3A_20] : memref<1792x96xf32, #tpu.memory_space<vmem>>, vector<1792x96xf32>
    %mul3A_22 = vector.broadcast %slice3A_18 : vector<1792x1xf32> to vector<1792x96xf32>
    %mul3A_23 = arith.mulf %mul3A_22, %get3A_21 : vector<1792x96xf32>
    %add3A_24 = arith.addf %add3A_17, %mul3A_23 : vector<1792x96xf32>
    %swap3A = arith.constant 0 : index
    %swap3A_25 = arith.constant 0 : index
    %swap3A_26 = vector.load %arg7[%swap3A, %swap3A_25] : memref<1792x96xf32, #tpu.memory_space<vmem>>, vector<1792x96xf32>
    tpu.vector_store %arg7[%swap3A, %swap3A_25], %add3A_24 {strides = array<i32>} : memref<1792x96xf32, #tpu.memory_space<vmem>>, vector<1792x96xf32>,
    return
  }
  func.func @transform_0(%arg0: i32) -> (i32, i32) {
    %c0_i32 = arith.constant 0 : i32
    %c0_i32_0 = arith.constant 0 : i32
    return %arg0, %c0_i32 : i32, i32
  }
  func.func @transform_1(%arg0: i32) -> (i32, i32) {
    %c0_i32 = arith.constant 0 : i32
    %c0_i32_0 = arith.constant 0 : i32
    return %arg0, %c0_i32 : i32, i32
  }
  func.func @transform_2(%arg0: i32) -> (i32, i32) {
    %c0_i32 = arith.constant 0 : i32
    %c0_i32_0 = arith.constant 0 : i32
    return %arg0, %c0_i32 : i32, i32
  }
  func.func @transform_3(%arg0: i32) -> (i32, i32) {
    %add3A = arith.constant 56 : i32
    %add3A_0 = arith.addi %add3A, %arg0 : i32
    %c0_i32 = arith.constant 0 : i32
    %c0_i32_1 = arith.constant 0 : i32
    return %add3A_0, %c0_i32 : i32, i32
  }
  func.func @transform_4(%arg0: i32) -> (i32, i32) {
    %c0_i32 = arith.constant 0 : i32
    %c0_i32_0 = arith.constant 0 : i32
    %c0_i32_1 = arith.constant 0 : i32
    return %c0_i32, %c0_i32_0 : i32, i32
  }
  func.func @transform_5(%arg0: i32) -> (i32, i32) {
    %c0_i32 = arith.constant 0 : i32
    %c0_i32_0 = arith.constant 0 : i32
    %c0_i32_1 = arith.constant 0 : i32
    return %c0_i32, %c0_i32_0 : i32, i32
  }
  func.func @transform_6(%arg0: i32) -> (i32, i32) {
    %c0_i32 = arith.constant 0 : i32
    %c0_i32_0 = arith.constant 0 : i32
    return %arg0, %c0_i32 : i32, i32
  }
}

</mosaic_0001>

<sc_bundles>
// kernel: kernel.12.cloned.1.call-start
scs
__scs_entry_jumppad:
0x0: {  	(pc) =	sbr.rel $0x88, $3  }
0x1: {  	(tag) =	ssettag $0x0;
	lr =	simm.s32 $0x1  }
0x2: {  	[smem:$0x3F9A] =	sst lr;
	_ =	strace $0xD0000000  }
0x3: {  	_ = 	snop  }
0x4: {  	_ = 	snop  }
0x5: {  	_ = 	snop  }
0x6: {  	_ = 	snop  }
0x7: {  	_ = 	snop  }
__scs_overlays_trampoline_lowered:
0x8: {  	[smem:$0x3FA9] =	sst s0  }
0x9: {  	[smem:$0x3FAA] =	sst s1  }
0xa: {  	[smem:$0x3FAB] =	sst s2  }
0xb: {  	[smem:$0x3FAC] =	sst s3  }
0xc: {  	[smem:$0x3FAD] =	sst s4  }
0xd: {  	[smem:$0x3FAE] =	sst s5  }
0xe: {  	[smem:$0x3FAF] =	sst s6  }
0xf: {  	[smem:$0x3FB0] =	sst s7  }
0x10: {  	[smem:$0x3FB1] =	sst s8  }
0x11: {  	[smem:$0x3FB2] =	sst s9;
	s0 =	simm.s32 @!p0 $0x0  }
0x12: {  	s1 =	sld [smem:$0x3F98];
	s0 =	simm.s32 @p0 $0x1  }
0x13: {  	[smem:$0x3FB3] =	sst s0;
	s0 =	simm.s32 @!p1 $0x0  }
0x14: {  	s2 =	sld [smem:$0x3F97];
	s0 =	simm.s32 @p1 $0x1  }
0x15: {  	[smem:$0x3FB4] =	sst s0;
	s0 =	simm.s32 @!p2 $0x0  }
0x16: {  	s3 =	sld [smem:$0x3FDB];
	s0 =	simm.s32 @p2 $0x1  }
0x17: {  	s4 =	simm.s32 $0x1BF5;
	[smem:$0x3FB6] =	sst s0  }
0x18: {  	s0 =	sld [smem:$0x3F99];
	_ =	swait.ge [sflag:s4], $0x0  }
0x19: {  	s7 =	sld [smem:$0x3F9A]  }
0x1a: {  	s8 =	sadd.s32 $0xFFFFE003, lr  }
0x1b: {  	s9 =	sadd.s32 $0xFFFFFEF7, lr;
	s5 =	simm.s32 $0xFFFFFFFF;
	p2 =	slt.u32 s8, $0xFFFFF086  }
0x1c: {  	p1 =	slt.u32 s9, $0xF7A;
	s5 =	simm.s32 @!p2 $0x0  }
0x1d: {  	s5 =	simm.s32 @p1 $0x1;
	p0 =	seq.s32 s7, s2  }
0x1e: {  	s7 =	smul.u32 @!p0 $0xF7A, s2;
	p2 =	seq.s32 @!p0 s5, $0x0  }
0x1f: {  	s9 =	smul.u32 $0xF7A, s1;
	s8 =	simm.s32 @!p0 $0x1BF5;
	p2 =	por !p2, p0  }
0x20: {  	[sflag:s8] =	ssyncset.s32 @!p0 $0xFFFFF086;
	s6 =	sadd.s32 @!p0 s3, s7;
	s7 =	simm.s32 @!p0 $0x108  }
0x21: {  	s3 =	sadd.s32 s3, s9;
	s6 =	sadd.s32 @!p0 $0x88, s6;
	s7 =	simm.s32 @p2 $0x1082  }
0x22: {  	[simem:s7], [sflag:s8] =	dma.local @!p0 [hbm:s6], $0xF7A  }
0x23: {  	s9 =	sor.u32 $0xD0000000, s2;
	s6 =	simm.s32 $0x108;
	_ =	swait.ge @!p0 [sflag:s8], $0x0  }
0x24: {  	s3 =	sadd.s32 $0x88, s3;
	s6 =	simm.s32 @!p1 $0x1082;
	[sflag:s4] =	ssyncset.s32 $0xFFFFF086  }
0x25: {  	[simem:s6], [sflag:s4] =	dma.local [hbm:s3], $0xF7A  }
0x26: {  	[smem:$0x3F9A] =	sst s1;
	(tag) =	ssettag s2;
	_ =	strace s9  }
0x27: {  	s1 =	sld [smem:$0x3FAA]  }
0x28: {  	s2 =	sld [smem:$0x3FAB]  }
0x29: {  	s4 =	sld [smem:$0x3FAD]  }
0x2a: {  	p0 =	seq.s32 s5, $0x0;
	s5 =	sld [smem:$0x3FAE]  }
0x2b: {  	s6 =	sld [smem:$0x3FAF]  }
0x2c: {  	s7 =	sld [smem:$0x3FB0]  }
0x2d: {  	s3 =	simm.s32 $0x108;
	s8 =	sld [smem:$0x3FB1]  }
0x2e: {  	s3 =	simm.s32 @!p0 $0x1082;
	s9 =	sld [smem:$0x3FB2]  }
0x2f: {  	lr =	sadd.s32 s0, s3;
	s0 =	sld [smem:$0x3FA9]  }
0x30: {  	s3 =	sld [smem:$0x3FAC]  }
0x31: {  	[smem:$0x3FB5] =	sst s10  }
0x32: {  	s10 =	sld [smem:$0x3FB3];
	_ =	sdelay $0x3  }
0x33: {  	p0 =	seq.s32 s10, $0x1;
	s10 =	sld [smem:$0x3FB5];
	_ =	sdelay $0x3  }
0x34: {  	[smem:$0x3FB5] =	sst s10  }
0x35: {  	s10 =	sld [smem:$0x3FB4];
	_ =	sdelay $0x3  }
0x36: {  	p1 =	seq.s32 s10, $0x1;
	s10 =	sld [smem:$0x3FB5];
	_ =	sdelay $0x3  }
0x37: {  	[smem:$0x3FB5] =	sst s10  }
0x38: {  	s10 =	sld [smem:$0x3FB6]  }
0x39: {  	_ = 	snop;
	(pc) =	sbr.ind lr, $3  }
0x3a: {  	_ = 	snop  }
0x3b: {  	_ = 	snop  }
0x3c: {  	p2 =	seq.s32 s10, $0x1;
	s10 =	sld [smem:$0x3FB5]  }
0x3d: {  	_ =	shalt  }
0x3e: {  	_ =	shalt  }
0x3f: {  	_ =	shalt  }
0x40: {  	_ =	shalt  }
0x41: {  	_ =	shalt  }
0x42: {  	_ =	shalt  }
0x43: {  	_ =	shalt  }
0x44: {  	_ =	shalt  }
0x45: {  	_ =	shalt  }
0x46: {  	_ =	shalt  }
0x47: {  	_ =	shalt  }
0x48: {  	_ =	shalt  }
0x49: {  	_ =	shalt  }
0x4a: {  	_ =	shalt  }
0x4b: {  	_ =	shalt  }
0x4c: {  	_ =	shalt  }
0x4d: {  	_ =	shalt  }
0x4e: {  	_ =	shalt  }
0x4f: {  	_ =	shalt  }
0x50: {  	_ =	shalt  }
0x51: {  	_ =	shalt  }
0x52: {  	_ =	shalt  }
0x53: {  	_ =	shalt  }
0x54: {  	_ =	shalt  }
0x55: {  	_ =	shalt  }
0x56: {  	_ =	shalt  }
0x57: {  	_ =	shalt  }
0x58: {  	_ =	shalt  }
0x59: {  	_ =	shalt  }
0x5a: {  	_ =	shalt  }
0x5b: {  	_ =	shalt  }
0x5c: {  	_ =	shalt  }
0x5d: {  	_ =	shalt  }
0x5e: {  	_ =	shalt  }
0x5f: {  	_ =	shalt  }
0x60: {  	_ =	shalt  }
0x61: {  	_ =	shalt  }
0x62: {  	_ =	shalt  }
0x63: {  	_ =	shalt  }
0x64: {  	_ =	shalt  }
0x65: {  	_ =	shalt  }
0x66: {  	_ =	shalt  }
0x67: {  	_ =	shalt  }
0x68: {  	_ =	shalt  }
0x69: {  	_ =	shalt  }
0x6a: {  	_ =	shalt  }
0x6b: {  	_ =	shalt  }
0x6c: {  	_ =	shalt  }
0x6d: {  	_ =	shalt  }
0x6e: {  	_ =	shalt  }
0x6f: {  	_ =	shalt  }
0x70: {  	_ =	shalt  }
0x71: {  	_ =	shalt  }
0x72: {  	_ =	shalt  }
0x73: {  	_ =	shalt  }
0x74: {  	_ =	shalt  }
0x75: {  	_ =	shalt  }
0x76: {  	_ =	shalt  }
0x77: {  	_ =	shalt  }
0x78: {  	_ =	shalt  }
0x79: {  	_ =	shalt  }
0x7a: {  	_ =	shalt  }
0x7b: {  	_ =	shalt  }
0x7c: {  	_ =	shalt  }
0x7d: {  	_ =	shalt  }
0x7e: {  	_ =	shalt  }
0x7f: {  	_ =	shalt  }
0x80: {  	_ =	shalt  }
0x81: {  	_ =	shalt  }
0x82: {  	_ =	shalt  }
0x83: {  	_ =	shalt  }
0x84: {  	_ =	shalt  }
0x85: {  	_ =	shalt  }
0x86: {  	_ =	shalt  }
0x87: {  	_ =	shalt  }
.Lfunc_end0:
.L_simem_size_0:
called_computation.3_lowered:
.L_overlay_start_0:
0x88: {  	s2 =	sld [smem:$0x3FD9]  }
0x89: {  	s3 =	sld [smem:$0x3FFE];
	_ =	sdelay $0x1  }
0x8a: {  	s1 =	srdreg.scid  }
0x8b: {  	s0 =	sand.u32 $0x1, s1  }
0x8c: {  	s16 =	sshll.u32 s0, $0xA;
	s2 =	sadd.s32 s3, s2  }
0x8d: {  	s2 =	sadd.s32 s2, s16  }
0x8e: {  	[smem:$0x3FC1] =	sst s2  }
0x8f: {  	_ = 	snop  }
0x90: {  	(tm) =	ssettm $0x1  }
0x91: {  	s17 =	sld [smem:$0x3FFB];
	_ =	sdelay $0x3  }
0x92: {  	_ =	strace s17  }
0x93: {  	s2 =	sld [smem:$0x3FFC];
	_ =	sdelay $0x3  }
0x94: {  	_ =	strace s2  }
0x95: {  	s2 =	sld [smem:$0x3FFD];
	_ =	sdelay $0x3  }
0x96: {  	_ =	strace s2  }
0x97: {  	_ =	strace $0x8FFFFFFF  }
0x98: {  	s18 =	sld [smem:$0x3FDB];
	_ =	sdelay $0x1  }
0x99: {  	s19 =	simm.s32 $_scs_section_size  }
0x9a: {  	s4 =	simm.s32 $_size__tile_overlayer_lowered;
	s5 =	simm.s32 $_tile_overlayer_lowered  }
0x9b: {  	s22 =	simm.s32 $0x1BFF;
	s21 =	sshll.u32 s5, $0x1;
	s2 =	sadd.s32 s19, s18  }
0x9c: {  	s6 =	simm.s32 $0x0;
	s20 =	sshll.u32 s4, $0x1;
	s4 =	sadd.s32 s21, s2  }
0x9d: {  	[timem:s6], [sflag:s22] =	dma.local [hbm:s4], s20  }
0x9e: {  	_ =	swait.ge [sflag:s22], s20  }
0x9f: {  	s3 =	ssub.s32 $0x0, s20;
	[sflag:s22] =	ssyncset.done $0x0  }
0xa0: {  	[sflag:s22] =	ssyncadd.s32 s3;
	_ =	sdelay $0x1  }
0xa1: {  	s23 =	simm.s32 $0x1B8B  }
0xa2: {  	_ =	swait.ge [sflag:s23], $0x1  }
0xa3: {  	[sflag:s23] =	ssyncset.done $0x0  }
0xa4: {  	s25 =	simm.s32 $0x1B8E;
	s24 =	sld [smem:$0x3FFE];
	[sflag:s23] =	ssyncadd.s32 $0xFFFFFFFF  }
0xa5: {  	s26 =	simm.s32 $execute0_lowered;
	[smem:$0x3FD2] =	sst s25  }
0xa6: {  	s4 =	sshll.u32 s26, $0x1;
	_ =	strace $0x8000004C;
	[dreg:$0x1] =	wrdreg $0xFFFFFFFF  }
0xa7: {  	s28 =	simm.s32 $_size_execute0_lowered;
	s2 =	sadd.s32 s2, s4;
	[dreg:$0x0] =	wrdreg $0x0  }
0xa8: {  	s4 =	sshll.u32 s28, $0x1;
	[dreg:$0x2] =	wrdreg s2  }
0xa9: {  	[dreg:$0x3] =	wrdreg s4  }
0xaa: {  	[dreg:$0x4] =	wrdreg $0xC0  }
0xab: {  	_ =	task [dreg:s6], $0x5FFFF  }
0xac: {  	[dreg:$0x1] =	wrdreg $0xFFFFFFFF  }
0xad: {  	[dreg:$0x0] =	wrdreg $0x60  }
0xae: {  	[dreg:$0x2] =	wrdreg s24  }
0xaf: {  	[dreg:$0x3] =	wrdreg $0x9  }
0xb0: {  	_ =	task.clear_ibuf [dreg:s6], $0x4FFFF;
	_ =	strace $0x9000004C  }
0xb1: {  	s29 =	simm.s32 $0x9;
	_ =	strace $0x8000004E  }
0xb2: {  	_ =	swait.ge [sflag:s29], $0x1  }
0xb3: {  	[sflag:s29] =	ssyncadd.s32 $0xFFFFFFFF  }
0xb4: {  	_ =	strace $0x9000004E  }
0xb5: {  	_ =	sfence  }
0xb6: {  	s30 =	sld [smem:$0x0];
	_ =	sdelay $0x2  }
0xb7: {  	s31 =	sshll.u32 s1, $0xD;
	s1 =	sshrl.u32 s1, $0x2  }
0xb8: {  	s3 =	sand.u32 $0x4000, s31;
	s1 =	sadd.s32 s1, s30  }
0xb9: {  	s0 =	sor.u32 s3, s0;
	s1 =	sshll.u32 s1, $0x11  }
0xba: {  	s0 =	sor.u32 s1, s0  }
0xbb: {  	s0 =	sadd.s32 $0x8F2B, s0  }
0xbc: {  	[sflag:s0] =	ssyncadd.remote.s32 $0x1  }
0xbd: {  	_ =	sfence.sel $0xFFFF  }
0xbe: {  	[dreg:$0x0] =	wrdreg $0xFFFFFFFF;
	(pc) =	sbr.abs _section_cstart, $3  }
0xbf: {  	[dreg:$0x1] =	wrdreg $0xFFFFFFFF  }
0xc0: {  	_ =	task.clear_ibuf [dreg:s6], $0x2FFFF;
	_ =	strace $0x9FFFFFFF  }
0xc1: {  	(tm) =	ssettm $0x7FFFFFFF  }
tec
execute0_lowered:
.L_overlay_start_1:
0x0: {  	(tag) =	ssettag $0x1  }
0x1: {  	s1 =	srdreg.scid  }
0x2: {  	s0 =	stileid.u32;
	s3 =	rddreg [dreg:$0x0]  }
0x3: {  	s2 =	simm.s32 $0x0;
	s9 =	simm.s32 $0x1F00;
	s10 =	simm.s32 $0x2000  }
0x4: {  	s11 =	simm.s32 $0x1F80;
	s12 =	simm.s32 $0xB000;
	s13 =	simm.s32 $0x1  }
0x5: {  	s14 =	simm.s32 $0x2;
	s15 =	simm.s32 $0x0;
	s4 =	sand.u32 $0x1, s1  }
0x6: {  	s5 =	sshll.u32 s0, $0x1;
	s1 =	rddreg [dreg:$0x1];
	s6 =	smul.u32 $0x8B800, s0  }
0x7: {  	s5 =	sor.u32 s4, s5;
	s7 =	ssub.s32 $0x2, s4;
	s4 =	smul.u32 $0x45C00, s4  }
0x8: {  	[smem:$0x7FF] =	sst s2;
	s5 =	smul.u32 $0x1F00, s5;
	s8 =	sshrl.u32 s7, $0x1  }
0x9: {  	_ =	strace $0x8000004D;
	s6 =	sadd.s32 s6, s3;
	s7 =	ssub.s32 s7, s8  }
0xa: {  	s6 =	sadd.s32 s4, s6;
	s8 =	simm.s32 $0x80;
	s5 =	sshrl.u32 s5, $0x3  }
0xb: {  	s6 =	sadd.s32 $0xDD1000, s6;
	s5 =	sadd.s32 s5, s3;
	s3 =	sadd.s32 $0x191000, s3  }
0xc: {  	s4 =	sadd.s32 $0x503000, s5;
	s5 =	smax.u32 s7, $0x1;
	s7 =	simm.s32 $0x3  }
.LBB2_1:
0xd: {  	[tilespmem:s2], [sflag:$0x3] =	stream.linear.gather [hbm4b:s4+s2], $0x1F00, $0x38;
	[tilespmem:$0x14000] =	vst v63  }
0xe: {  	_ =	swait.ge [sflag:s7], $0x1F00  }
0xf: {  	[sflag:s7] =	ssyncset.done $0x0  }
0x10: {  	s16 =	simm.s32 $0x0;
	s17 =	simm.s32 $0x40;
	[sflag:s7] =	ssyncadd.s32 $0xFFFFE100  }
.LBB2_2:
0x11: {  	p0 =	sne.s32 s17, $0x7BC0;
	v0 =	vld [tilespmem:s16+$0x0];
	_ =	sdelay $0x3  }
.Ltmp0:
0x12: {  	(pc) =	sbr.rel @p0 .LBB2_2-.Ltmp0, $4  }
0x13: {  	vm0 =	vgt.s32 v0, $0x0  }
0x14: {  	v0 =	vnsel vm0, $0x0, v0  }
0x15: {  	v0 =	vmin.u32 v0, $0x187FF  }
0x16: {  	[tilespmem:s16+$0x0] =	vst v0;
	s16 =	sshra.s32 s17, $0x2;
	s17 =	sadd.s32 $0x40, s17  }
0x17: {  	v0 =	vld [tilespmem:s16+$0x0];
	_ =	sdelay $0x4  }
0x18: {  	vm0 =	vgt.s32 v0, $0x0  }
0x19: {  	v0 =	vnsel vm0, $0x0, v0  }
0x1a: {  	v0 =	vmin.u32 v0, $0x187FF  }
0x1b: {  	[tilespmem:s16+$0x0] =	vst v0;
	s16 =	simm.s32 $0x80  }
0x1c: {  	v0 =	vld [tilespmem:s16+$0xFFFFFF80];
	_ =	sdelay $0x4  }
0x1d: {  	[tilespmem:$0x1F00] =	vst v0  }
0x1e: {  	v0 =	vld [tilespmem:s16+$0x0];
	_ =	sdelay $0x4  }
0x1f: {  	[tilespmem:$0x1F80] =	vst v0  }
0x20: {  	v0 =	vld [tilespmem:s16+$0xFFFFFF90];
	_ =	sdelay $0x4  }
0x21: {  	[tilespmem:$0x1F10] =	vst v0  }
0x22: {  	v0 =	vld [tilespmem:s16+$0x10];
	_ =	sdelay $0x4  }
0x23: {  	[tilespmem:$0x1F90] =	vst v0  }
0x24: {  	v0 =	vld [tilespmem:s16+$0xFFFFFFA0];
	_ =	sdelay $0x4  }
0x25: {  	[tilespmem:$0x1F20] =	vst v0  }
0x26: {  	v0 =	vld [tilespmem:s16+$0x20];
	_ =	sdelay $0x4  }
0x27: {  	[tilespmem:$0x1FA0] =	vst v0  }
0x28: {  	v0 =	vld [tilespmem:s16+$0xFFFFFFB0];
	_ =	sdelay $0x4  }
0x29: {  	[tilespmem:$0x1F30] =	vst v0  }
0x2a: {  	v0 =	vld [tilespmem:s16+$0x30];
	_ =	sdelay $0x4  }
0x2b: {  	[tilespmem:$0x1FB0] =	vst v0  }
0x2c: {  	v0 =	vld [tilespmem:s16+$0xFFFFFFC0];
	_ =	sdelay $0x4  }
0x2d: {  	[tilespmem:$0x1F40] =	vst v0  }
0x2e: {  	v0 =	vld [tilespmem:s16+$0x40];
	_ =	sdelay $0x4  }
0x2f: {  	[tilespmem:$0x1FC0] =	vst v0  }
0x30: {  	v0 =	vld [tilespmem:s16+$0xFFFFFFD0];
	_ =	sdelay $0x4  }
0x31: {  	[tilespmem:$0x1F50] =	vst v0  }
0x32: {  	v0 =	vld [tilespmem:s16+$0x50];
	_ =	sdelay $0x4  }
0x33: {  	[tilespmem:$0x1FD0] =	vst v0  }
0x34: {  	v0 =	vld [tilespmem:s16+$0xFFFFFFE0];
	_ =	sdelay $0x4  }
0x35: {  	[tilespmem:$0x1F60] =	vst v0  }
0x36: {  	v0 =	vld [tilespmem:s16+$0x60];
	_ =	sdelay $0x4  }
0x37: {  	[tilespmem:$0x1FE0] =	vst v0  }
0x38: {  	v0 =	vld [tilespmem:s16+$0xFFFFFFF0];
	_ =	sdelay $0x4  }
0x39: {  	[tilespmem:$0x1F70] =	vst v0  }
0x3a: {  	v0 =	vld [tilespmem:s16+$0x70];
	_ =	sdelay $0x4  }
0x3b: {  	[tilespmem:$0x1FF0] =	vst v0  }
0x3c: {  	[tilespmem:s10], [sflag:$0x1] =	stream.indirect.gather [hbm4b:s3+s8], $0x120, s9, s8, $0xb8;
	[tilespmem:$0x14000] =	vst v63  }
0x3d: {  	_ = 	snop  }
0x3e: {  	[tilespmem:s12], [sflag:$0x2] =	stream.indirect.gather [hbm4b:s3+s8], $0x120, s11, s8, $0xb8;
	[tilespmem:$0x14000] =	vst v63  }
0x3f: {  	_ =	swait.ge [sflag:s13], $0x9000  }
0x40: {  	[sflag:s13] =	ssyncset.done $0x0  }
0x41: {  	s17 =	sadd.s32 $0x0, s6;
	[sflag:s13] =	ssyncadd.s32 $0xFFFF7000  }
0x42: {  	[hbm4b:s17+s2] =	stream.linear.scatter [tilespmem:s10], [sflag:$0x1], $0x9000, $0x38;
	[tilespmem:$0x14000] =	vst v63  }
0x43: {  	_ =	swait.ge [sflag:s14], $0x9000  }
0x44: {  	[sflag:s14] =	ssyncset.done $0x0  }
0x45: {  	s17 =	sadd.s32 $0x1200, s17;
	[sflag:s14] =	ssyncadd.s32 $0xFFFF7000  }
0x46: {  	[hbm4b:s17+s2] =	stream.linear.scatter [tilespmem:s12], [sflag:$0x2], $0x9000, $0x38;
	[tilespmem:$0x14000] =	vst v63  }
0x47: {  	_ =	swait.ge [sflag:s13], $0x9000  }
0x48: {  	[sflag:s13] =	ssyncset.done $0x0  }
0x49: {  	[sflag:s13] =	ssyncadd.s32 $0xFFFF7000  }
0x4a: {  	_ =	swait.ge [sflag:s14], $0x9000  }
0x4b: {  	s17 =	simm.s32 $0x2400;
	[sflag:s14] =	ssyncset.done $0x0  }
.LBB2_4:
0x4c: {  	p0 =	sne.s32 s17, $0x43800;
	[sflag:s14] =	ssyncadd.s32 $0xFFFF7000;
	s16 =	sadd.s32 $0x100, s16  }
0x4d: {  	s18 =	smov.u32 s17;
	s17 =	sadd.s32 $0x2400, s17;
	v0 =	vld [tilespmem:s16+$0xFFFFFF80];
	_ =	sdelay $0x4  }
0x4e: {  	[tilespmem:$0x1F00] =	vst v0  }
0x4f: {  	v0 =	vld [tilespmem:s16+$0x0];
	_ =	sdelay $0x4  }
0x50: {  	[tilespmem:$0x1F80] =	vst v0  }
0x51: {  	v0 =	vld [tilespmem:s16+$0xFFFFFF90];
	_ =	sdelay $0x4  }
0x52: {  	[tilespmem:$0x1F10] =	vst v0  }
0x53: {  	v0 =	vld [tilespmem:s16+$0x10];
	_ =	sdelay $0x4  }
0x54: {  	[tilespmem:$0x1F90] =	vst v0  }
0x55: {  	v0 =	vld [tilespmem:s16+$0xFFFFFFA0];
	_ =	sdelay $0x4  }
0x56: {  	[tilespmem:$0x1F20] =	vst v0  }
0x57: {  	v0 =	vld [tilespmem:s16+$0x20];
	_ =	sdelay $0x4  }
0x58: {  	[tilespmem:$0x1FA0] =	vst v0  }
0x59: {  	v0 =	vld [tilespmem:s16+$0xFFFFFFB0];
	_ =	sdelay $0x4  }
0x5a: {  	[tilespmem:$0x1F30] =	vst v0  }
0x5b: {  	v0 =	vld [tilespmem:s16+$0x30];
	_ =	sdelay $0x4  }
0x5c: {  	[tilespmem:$0x1FB0] =	vst v0  }
0x5d: {  	v0 =	vld [tilespmem:s16+$0xFFFFFFC0];
	_ =	sdelay $0x4  }
0x5e: {  	[tilespmem:$0x1F40] =	vst v0  }
0x5f: {  	v0 =	vld [tilespmem:s16+$0x40];
	_ =	sdelay $0x4  }
0x60: {  	[tilespmem:$0x1FC0] =	vst v0  }
0x61: {  	v0 =	vld [tilespmem:s16+$0xFFFFFFD0];
	_ =	sdelay $0x4  }
0x62: {  	[tilespmem:$0x1F50] =	vst v0  }
0x63: {  	v0 =	vld [tilespmem:s16+$0x50];
	_ =	sdelay $0x4  }
0x64: {  	[tilespmem:$0x1FD0] =	vst v0  }
0x65: {  	v0 =	vld [tilespmem:s16+$0xFFFFFFE0];
	_ =	sdelay $0x4  }
0x66: {  	[tilespmem:$0x1F60] =	vst v0  }
0x67: {  	v0 =	vld [tilespmem:s16+$0x60];
	_ =	sdelay $0x4  }
0x68: {  	[tilespmem:$0x1FE0] =	vst v0  }
0x69: {  	v0 =	vld [tilespmem:s16+$0xFFFFFFF0];
	_ =	sdelay $0x4  }
0x6a: {  	[tilespmem:$0x1F70] =	vst v0  }
0x6b: {  	v0 =	vld [tilespmem:s16+$0x70];
	_ =	sdelay $0x4  }
0x6c: {  	[tilespmem:$0x1FF0] =	vst v0  }
0x6d: {  	[tilespmem:s10], [sflag:$0x1] =	stream.indirect.gather [hbm4b:s3+s8], $0x120, s9, s8, $0xb8;
	[tilespmem:$0x14000] =	vst v63  }
0x6e: {  	_ = 	snop  }
0x6f: {  	[tilespmem:s12], [sflag:$0x2] =	stream.indirect.gather [hbm4b:s3+s8], $0x120, s11, s8, $0xb8;
	[tilespmem:$0x14000] =	vst v63  }
0x70: {  	_ =	swait.ge [sflag:s13], $0x9000  }
0x71: {  	[sflag:s13] =	ssyncset.done $0x0  }
0x72: {  	s18 =	sadd.s32 s18, s6;
	[sflag:s13] =	ssyncadd.s32 $0xFFFF7000  }
0x73: {  	[hbm4b:s18+s2] =	stream.linear.scatter [tilespmem:s10], [sflag:$0x1], $0x9000, $0x38;
	[tilespmem:$0x14000] =	vst v63  }
0x74: {  	_ =	swait.ge [sflag:s14], $0x9000  }
0x75: {  	[sflag:s14] =	ssyncset.done $0x0  }
0x76: {  	s18 =	sadd.s32 $0x1200, s18;
	[sflag:s14] =	ssyncadd.s32 $0xFFFF7000  }
0x77: {  	[hbm4b:s18+s2] =	stream.linear.scatter [tilespmem:s12], [sflag:$0x2], $0x9000, $0x38;
	[tilespmem:$0x14000] =	vst v63  }
.Ltmp1:
0x78: {  	_ =	swait.ge [sflag:s13], $0x9000;
	(pc) =	sbr.rel @p0 .LBB2_4-.Ltmp1, $4  }
0x79: {  	[sflag:s13] =	ssyncset.done $0x0  }
0x7a: {  	[sflag:s13] =	ssyncadd.s32 $0xFFFF7000  }
0x7b: {  	_ =	swait.ge [sflag:s14], $0x9000  }
0x7c: {  	[sflag:s14] =	ssyncset.done $0x0  }
0x7d: {  	s15 =	sadd.s32 $0x1, s15  }
0x7e: {  	p0 =	sne.s32 s15, s5  }
.Ltmp2:
0x7f: {  	_ = 	snop;
	(pc) =	sbr.rel @p0 .LBB2_1-.Ltmp2, $2  }
0x80: {  	_ =	sdelay $0x2  }
0x81: {  	[sflag:s14] =	ssyncadd.s32 $0xFFFF7000  }
0x82: {  	_ =	sfence.sel $0x180000  }
0x83: {  	[bflag:$0x0] =	sbarrier.arrive $0xFFFF  }
0x84: {  	p0 =	sne.s32 s0, $0x0;
	_ =	strace $0x9000004D  }
0x85: {  	s0 =	sadd.s32 @!p0 $0x100000, s1;
	[bflag:$0x2] =	sbarrier.arrive $0xFFFF  }
0x86: {  	[sflag:s0] =	ssyncadd.tile.s32 @!p0 $0x1;
	_ =	shalt  }
.Lfunc_end2:
_tile_overlayer_lowered:
.L_overlay_start_2:
0x87: {  	(tag) =	ssettag $0x2  }
0x88: {  	s0 =	rddreg [dreg:$0x0];
	s2 =	stileid.u32  }
0x89: {  	s1 =	rddreg [dreg:$0x1];
	p0 =	sne.s32 s2, $0x0  }
0x8a: {  	s3 =	rddreg [dreg:$0x2];
	[bflag:$0x3] =	sbarrier.arrive $0xFFFF;
	s2 =	simm.s32 @!p0 $0x1C03  }
0x8b: {  	[timem:s3], [sflag:s2] =	dma.local @!p0 [hbm:s0], s1  }
0x8c: {  	s0 =	simm.s32 @!p0 $0x3  }
0x8d: {  	_ =	swait.ge @!p0 [sflag:s0], s1  }
0x8e: {  	s1 =	ssub.s32 @!p0 $0x0, s1;
	[sflag:s0] =	ssyncset.done @!p0 $0x0  }
0x8f: {  	[sflag:s0] =	ssyncadd.s32 @!p0 s1  }
0x90: {  	[bflag:$0x3] =	sbarrier.arrive $0xFFFF  }
0x91: {  	_ =	shalt  }

// kernel: kernel.15.cloned.1.call-start
scs
__scs_entry_jumppad:
0x0: {  	(pc) =	sbr.rel $0x88, $3  }
0x1: {  	(tag) =	ssettag $0x0;
	lr =	simm.s32 $0x1  }
0x2: {  	[smem:$0x3F9A] =	sst lr;
	_ =	strace $0xD0000000  }
0x3: {  	_ = 	snop  }
0x4: {  	_ = 	snop  }
0x5: {  	_ = 	snop  }
0x6: {  	_ = 	snop  }
0x7: {  	_ = 	snop  }
__scs_overlays_trampoline_lowered:
0x8: {  	[smem:$0x3FA9] =	sst s0  }
0x9: {  	[smem:$0x3FAA] =	sst s1  }
0xa: {  	[smem:$0x3FAB] =	sst s2  }
0xb: {  	[smem:$0x3FAC] =	sst s3  }
0xc: {  	[smem:$0x3FAD] =	sst s4  }
0xd: {  	[smem:$0x3FAE] =	sst s5  }
0xe: {  	[smem:$0x3FAF] =	sst s6  }
0xf: {  	[smem:$0x3FB0] =	sst s7  }
0x10: {  	[smem:$0x3FB1] =	sst s8  }
0x11: {  	[smem:$0x3FB2] =	sst s9;
	s0 =	simm.s32 @!p0 $0x0  }
0x12: {  	s1 =	sld [smem:$0x3F98];
	s0 =	simm.s32 @p0 $0x1  }
0x13: {  	[smem:$0x3FB3] =	sst s0;
	s0 =	simm.s32 @!p1 $0x0  }
0x14: {  	s2 =	sld [smem:$0x3F97];
	s0 =	simm.s32 @p1 $0x1  }
0x15: {  	[smem:$0x3FB4] =	sst s0;
	s0 =	simm.s32 @!p2 $0x0  }
0x16: {  	s3 =	sld [smem:$0x3FDB];
	s0 =	simm.s32 @p2 $0x1  }
0x17: {  	s4 =	simm.s32 $0x1BF5;
	[smem:$0x3FB6] =	sst s0  }
0x18: {  	s0 =	sld [smem:$0x3F99];
	_ =	swait.ge [sflag:s4], $0x0  }
0x19: {  	s7 =	sld [smem:$0x3F9A]  }
0x1a: {  	s8 =	sadd.s32 $0xFFFFE003, lr  }
0x1b: {  	s9 =	sadd.s32 $0xFFFFFEF7, lr;
	s5 =	simm.s32 $0xFFFFFFFF;
	p2 =	slt.u32 s8, $0xFFFFF086  }
0x1c: {  	p1 =	slt.u32 s9, $0xF7A;
	s5 =	simm.s32 @!p2 $0x0  }
0x1d: {  	s5 =	simm.s32 @p1 $0x1;
	p0 =	seq.s32 s7, s2  }
0x1e: {  	s7 =	smul.u32 @!p0 $0xF7A, s2;
	p2 =	seq.s32 @!p0 s5, $0x0  }
0x1f: {  	s9 =	smul.u32 $0xF7A, s1;
	s8 =	simm.s32 @!p0 $0x1BF5;
	p2 =	por !p2, p0  }
0x20: {  	[sflag:s8] =	ssyncset.s32 @!p0 $0xFFFFF086;
	s6 =	sadd.s32 @!p0 s3, s7;
	s7 =	simm.s32 @!p0 $0x108  }
0x21: {  	s3 =	sadd.s32 s3, s9;
	s6 =	sadd.s32 @!p0 $0x88, s6;
	s7 =	simm.s32 @p2 $0x1082  }
0x22: {  	[simem:s7], [sflag:s8] =	dma.local @!p0 [hbm:s6], $0xF7A  }
0x23: {  	s9 =	sor.u32 $0xD0000000, s2;
	s6 =	simm.s32 $0x108;
	_ =	swait.ge @!p0 [sflag:s8], $0x0  }
0x24: {  	s3 =	sadd.s32 $0x88, s3;
	s6 =	simm.s32 @!p1 $0x1082;
	[sflag:s4] =	ssyncset.s32 $0xFFFFF086  }
0x25: {  	[simem:s6], [sflag:s4] =	dma.local [hbm:s3], $0xF7A  }
0x26: {  	[smem:$0x3F9A] =	sst s1;
	(tag) =	ssettag s2;
	_ =	strace s9  }
0x27: {  	s1 =	sld [smem:$0x3FAA]  }
0x28: {  	s2 =	sld [smem:$0x3FAB]  }
0x29: {  	s4 =	sld [smem:$0x3FAD]  }
0x2a: {  	p0 =	seq.s32 s5, $0x0;
	s5 =	sld [smem:$0x3FAE]  }
0x2b: {  	s6 =	sld [smem:$0x3FAF]  }
0x2c: {  	s7 =	sld [smem:$0x3FB0]  }
0x2d: {  	s3 =	simm.s32 $0x108;
	s8 =	sld [smem:$0x3FB1]  }
0x2e: {  	s3 =	simm.s32 @!p0 $0x1082;
	s9 =	sld [smem:$0x3FB2]  }
0x2f: {  	lr =	sadd.s32 s0, s3;
	s0 =	sld [smem:$0x3FA9]  }
0x30: {  	s3 =	sld [smem:$0x3FAC]  }
0x31: {  	[smem:$0x3FB5] =	sst s10  }
0x32: {  	s10 =	sld [smem:$0x3FB3];
	_ =	sdelay $0x3  }
0x33: {  	p0 =	seq.s32 s10, $0x1;
	s10 =	sld [smem:$0x3FB5];
	_ =	sdelay $0x3  }
0x34: {  	[smem:$0x3FB5] =	sst s10  }
0x35: {  	s10 =	sld [smem:$0x3FB4];
	_ =	sdelay $0x3  }
0x36: {  	p1 =	seq.s32 s10, $0x1;
	s10 =	sld [smem:$0x3FB5];
	_ =	sdelay $0x3  }
0x37: {  	[smem:$0x3FB5] =	sst s10  }
0x38: {  	s10 =	sld [smem:$0x3FB6]  }
0x39: {  	_ = 	snop;
	(pc) =	sbr.ind lr, $3  }
0x3a: {  	_ = 	snop  }
0x3b: {  	_ = 	snop  }
0x3c: {  	p2 =	seq.s32 s10, $0x1;
	s10 =	sld [smem:$0x3FB5]  }
0x3d: {  	_ =	shalt  }
0x3e: {  	_ =	shalt  }
0x3f: {  	_ =	shalt  }
0x40: {  	_ =	shalt  }
0x41: {  	_ =	shalt  }
0x42: {  	_ =	shalt  }
0x43: {  	_ =	shalt  }
0x44: {  	_ =	shalt  }
0x45: {  	_ =	shalt  }
0x46: {  	_ =	shalt  }
0x47: {  	_ =	shalt  }
0x48: {  	_ =	shalt  }
0x49: {  	_ =	shalt  }
0x4a: {  	_ =	shalt  }
0x4b: {  	_ =	shalt  }
0x4c: {  	_ =	shalt  }
0x4d: {  	_ =	shalt  }
0x4e: {  	_ =	shalt  }
0x4f: {  	_ =	shalt  }
0x50: {  	_ =	shalt  }
0x51: {  	_ =	shalt  }
0x52: {  	_ =	shalt  }
0x53: {  	_ =	shalt  }
0x54: {  	_ =	shalt  }
0x55: {  	_ =	shalt  }
0x56: {  	_ =	shalt  }
0x57: {  	_ =	shalt  }
0x58: {  	_ =	shalt  }
0x59: {  	_ =	shalt  }
0x5a: {  	_ =	shalt  }
0x5b: {  	_ =	shalt  }
0x5c: {  	_ =	shalt  }
0x5d: {  	_ =	shalt  }
0x5e: {  	_ =	shalt  }
0x5f: {  	_ =	shalt  }
0x60: {  	_ =	shalt  }
0x61: {  	_ =	shalt  }
0x62: {  	_ =	shalt  }
0x63: {  	_ =	shalt  }
0x64: {  	_ =	shalt  }
0x65: {  	_ =	shalt  }
0x66: {  	_ =	shalt  }
0x67: {  	_ =	shalt  }
0x68: {  	_ =	shalt  }
0x69: {  	_ =	shalt  }
0x6a: {  	_ =	shalt  }
0x6b: {  	_ =	shalt  }
0x6c: {  	_ =	shalt  }
0x6d: {  	_ =	shalt  }
0x6e: {  	_ =	shalt  }
0x6f: {  	_ =	shalt  }
0x70: {  	_ =	shalt  }
0x71: {  	_ =	shalt  }
0x72: {  	_ =	shalt  }
0x73: {  	_ =	shalt  }
0x74: {  	_ =	shalt  }
0x75: {  	_ =	shalt  }
0x76: {  	_ =	shalt  }
0x77: {  	_ =	shalt  }
0x78: {  	_ =	shalt  }
0x79: {  	_ =	shalt  }
0x7a: {  	_ =	shalt  }
0x7b: {  	_ =	shalt  }
0x7c: {  	_ =	shalt  }
0x7d: {  	_ =	shalt  }
0x7e: {  	_ =	shalt  }
0x7f: {  	_ =	shalt  }
0x80: {  	_ =	shalt  }
0x81: {  	_ =	shalt  }
0x82: {  	_ =	shalt  }
0x83: {  	_ =	shalt  }
0x84: {  	_ =	shalt  }
0x85: {  	_ =	shalt  }
0x86: {  	_ =	shalt  }
0x87: {  	_ =	shalt  }
.Lfunc_end0:
.L_simem_size_0:
called_computation.4_lowered:
.L_overlay_start_0:
0x88: {  	s2 =	sld [smem:$0x3FD9]  }
0x89: {  	s3 =	sld [smem:$0x3FFE];
	_ =	sdelay $0x1  }
0x8a: {  	s1 =	srdreg.scid  }
0x8b: {  	s0 =	sand.u32 $0x1, s1  }
0x8c: {  	s16 =	sshll.u32 s0, $0xA;
	s2 =	sadd.s32 s3, s2  }
0x8d: {  	s2 =	sadd.s32 s2, s16  }
0x8e: {  	[smem:$0x3FC1] =	sst s2  }
0x8f: {  	_ = 	snop  }
0x90: {  	(tm) =	ssettm $0x1  }
0x91: {  	s17 =	sld [smem:$0x3FFB];
	_ =	sdelay $0x3  }
0x92: {  	_ =	strace s17  }
0x93: {  	s2 =	sld [smem:$0x3FFC];
	_ =	sdelay $0x3  }
0x94: {  	_ =	strace s2  }
0x95: {  	s2 =	sld [smem:$0x3FFD];
	_ =	sdelay $0x3  }
0x96: {  	_ =	strace s2  }
0x97: {  	_ =	strace $0x8FFFFFFF  }
0x98: {  	s18 =	sld [smem:$0x3FDB];
	_ =	sdelay $0x1  }
0x99: {  	s19 =	simm.s32 $_scs_section_size  }
0x9a: {  	s4 =	simm.s32 $_size__tile_overlayer_lowered;
	s5 =	simm.s32 $_tile_overlayer_lowered  }
0x9b: {  	s22 =	simm.s32 $0x1BFF;
	s21 =	sshll.u32 s5, $0x1;
	s2 =	sadd.s32 s19, s18  }
0x9c: {  	s6 =	simm.s32 $0x0;
	s20 =	sshll.u32 s4, $0x1;
	s4 =	sadd.s32 s21, s2  }
0x9d: {  	[timem:s6], [sflag:s22] =	dma.local [hbm:s4], s20  }
0x9e: {  	_ =	swait.ge [sflag:s22], s20  }
0x9f: {  	s3 =	ssub.s32 $0x0, s20;
	[sflag:s22] =	ssyncset.done $0x0  }
0xa0: {  	[sflag:s22] =	ssyncadd.s32 s3;
	_ =	sdelay $0x1  }
0xa1: {  	s23 =	simm.s32 $0x1B8B  }
0xa2: {  	_ =	swait.ge [sflag:s23], $0x1  }
0xa3: {  	[sflag:s23] =	ssyncset.done $0x0  }
0xa4: {  	s25 =	simm.s32 $0x1B8E;
	s24 =	sld [smem:$0x3FFE];
	[sflag:s23] =	ssyncadd.s32 $0xFFFFFFFF  }
0xa5: {  	s26 =	simm.s32 $execute0_lowered;
	[smem:$0x3FD2] =	sst s25  }
0xa6: {  	s4 =	sshll.u32 s26, $0x1;
	_ =	strace $0x8000004F;
	[dreg:$0x1] =	wrdreg $0xFFFFFFFF  }
0xa7: {  	s28 =	simm.s32 $_size_execute0_lowered;
	s2 =	sadd.s32 s2, s4;
	[dreg:$0x0] =	wrdreg $0x0  }
0xa8: {  	s4 =	sshll.u32 s28, $0x1;
	[dreg:$0x2] =	wrdreg s2  }
0xa9: {  	[dreg:$0x3] =	wrdreg s4  }
0xaa: {  	[dreg:$0x4] =	wrdreg $0xC0  }
0xab: {  	_ =	task [dreg:s6], $0x5FFFF  }
0xac: {  	[dreg:$0x1] =	wrdreg $0xFFFFFFFF  }
0xad: {  	[dreg:$0x0] =	wrdreg $0x60  }
0xae: {  	[dreg:$0x2] =	wrdreg s24  }
0xaf: {  	[dreg:$0x3] =	wrdreg $0x9  }
0xb0: {  	_ =	task.clear_ibuf [dreg:s6], $0x4FFFF;
	_ =	strace $0x9000004F  }
0xb1: {  	s29 =	simm.s32 $0x9;
	_ =	strace $0x80000051  }
0xb2: {  	_ =	swait.ge [sflag:s29], $0x1  }
0xb3: {  	[sflag:s29] =	ssyncadd.s32 $0xFFFFFFFF  }
0xb4: {  	_ =	strace $0x90000051  }
0xb5: {  	_ =	sfence  }
0xb6: {  	s30 =	sld [smem:$0x0];
	_ =	sdelay $0x2  }
0xb7: {  	s31 =	sshll.u32 s1, $0xD;
	s1 =	sshrl.u32 s1, $0x2  }
0xb8: {  	s3 =	sand.u32 $0x4000, s31;
	s1 =	sadd.s32 s1, s30  }
0xb9: {  	s0 =	sor.u32 s3, s0;
	s1 =	sshll.u32 s1, $0x11  }
0xba: {  	s0 =	sor.u32 s1, s0  }
0xbb: {  	s0 =	sadd.s32 $0x8F2B, s0  }
0xbc: {  	[sflag:s0] =	ssyncadd.remote.s32 $0x1  }
0xbd: {  	_ =	sfence.sel $0xFFFF  }
0xbe: {  	[dreg:$0x0] =	wrdreg $0xFFFFFFFF;
	(pc) =	sbr.abs _section_cstart, $3  }
0xbf: {  	[dreg:$0x1] =	wrdreg $0xFFFFFFFF  }
0xc0: {  	_ =	task.clear_ibuf [dreg:s6], $0x2FFFF;
	_ =	strace $0x9FFFFFFF  }
0xc1: {  	(tm) =	ssettm $0x7FFFFFFF  }
tec
execute0_lowered:
.L_overlay_start_1:
0x0: {  	(tag) =	ssettag $0x1  }
0x1: {  	s3 =	rddreg [dreg:$0x0]  }
0x2: {  	s0 =	rddreg [dreg:$0x1]  }
0x3: {  	s4 =	srdreg.scid;
	s1 =	stileid.u32  }
0x4: {  	s2 =	simm.s32 $0x0;
	s11 =	simm.s32 $0x180;
	s5 =	smul.u32 $0x3100, s1  }
0x5: {  	s12 =	simm.s32 $0x1;
	s4 =	sand.u32 $0x1, s4;
	s29 =	smul.u32 $0x24C00, s1  }
0x6: {  	s13 =	simm.s32 $0x0;
	[smem:$0x7FF] =	sst s2;
	s6 =	smul.u32 $0x1880, s4  }
0x7: {  	_ =	strace $0x80000050;
	s7 =	ssub.s32 $0x2, s4;
	s9 =	smul.u32 $0x12600, s4  }
0x8: {  	s8 =	sshrl.u32 s7, $0x1;
	s30 =	sadd.s32 s29, s3;
	s5 =	sadd.s32 s6, s5  }
0x9: {  	s31 =	ssub.s32 s7, s8;
	s8 =	simm.s32 $0x2;
	s5 =	sshrl.u32 s5, $0x3  }
0xa: {  	s4 =	smax.u32 s31, $0x1;
	s10 =	sadd.s32 s5, s3;
	s5 =	sadd.s32 s9, s30  }
0xb: {  	s3 =	sadd.s32 $0xDD1000, s3;
	s9 =	simm.s32 $0x80;
	s5 =	sadd.s32 $0x18AE00, s5  }
0xc: {  	s6 =	sadd.s32 $0x8E00, s10;
	s7 =	sadd.s32 $0x2C00, s10;
	s10 =	simm.s32 $0x100  }
.LBB2_1:
0xd: {  	s14 =	sadd.s32 $0x0, s7  }
0xe: {  	[tilespmem:s2], [sflag:$0x2] =	stream.linear.gather [hbm4b:s14+s2], $0x80, $0x38;
	[tilespmem:$0x3180] =	vst v63  }
0xf: {  	_ =	swait.ge [sflag:s8], $0x80  }
0x10: {  	[sflag:s8] =	ssyncset.done $0x0  }
0x11: {  	s31 =	sadd.s32 $0x0, s6;
	[sflag:s8] =	ssyncadd.s32 $0xFFFFFF80  }
0x12: {  	[tilespmem:s9], [sflag:$0x2] =	stream.linear.gather [hbm4b:s31+s2], $0x80, $0x38;
	[tilespmem:$0x3180] =	vst v63  }
0x13: {  	_ =	swait.ge [sflag:s8], $0x80  }
0x14: {  	[sflag:s8] =	ssyncset.done $0x0  }
0x15: {  	[sflag:s8] =	ssyncadd.s32 $0xFFFFFF80  }
0x16: {  	v0 =	vld [tilespmem:$0xF0]  }
0x17: {  	v1 =	vld [tilespmem:$0x70]  }
0x18: {  	v2 =	vld [tilespmem:$0xB0]  }
0x19: {  	v4 =	vld [tilespmem:$0x10]  }
0x1a: {  	v5 =	vld [tilespmem:$0x0]  }
0x1b: {  	v6 =	vld [tilespmem:$0xE0]  }
0x1c: {  	v7 =	vld [tilespmem:$0x90]  }
0x1d: {  	v8 =	vld [tilespmem:$0x60]  }
0x1e: {  	v9 =	vld [tilespmem:$0xA0]  }
0x1f: {  	v11 =	vld [tilespmem:$0x80]  }
0x20: {  	v10 =	vld [tilespmem:$0x20]  }
0x21: {  	v13 =	vld [tilespmem:$0xC0];
	vm0 =	vlt.s32 v2, $0xF4F;
	vm1 =	vlt.s32 v6, $0xF4F  }
0x22: {  	v3 =	vld [tilespmem:$0x30];
	v4 =	vmul.u32 $0xF80, v4;
	vm10 =	vlt.s32 v7, $0xF4F;
	v8 =	vmul.u32 $0xF80, v8  }
0x23: {  	v14 =	vld [tilespmem:$0xD0];
	vm11 =	vlt.s32 v0, $0xF4F;
	vm12 =	vlt.s32 v9, $0xF4F;
	v5 =	vmul.u32 $0xF80, v5  }
0x24: {  	v12 =	vld [tilespmem:$0x40];
	v1 =	vmul.u32 $0xF80, v1;
	vm13 =	vlt.s32 v11, $0xF4F;
	v7 =	vnsel vm10, $0xF4F, v7  }
0x25: {  	v60 =	vld [tilespmem:$0x50];
	v62 =	vmul.u32 $0xF80, v10;
	v6 =	vnsel vm1, $0xF4F, v6;
	v4 =	vadd.s32 v4, v7  }
0x26: {  	vm14 =	vlt.s32 v13, $0xF4F;
	v0 =	vnsel vm11, $0xF4F, v0;
	v61 =	vadd.s32 v8, v6;
	[tilespmem:$0x110] =	vst v4  }
0x27: {  	v9 =	vnsel vm12, $0xF4F, v9;
	v0 =	vadd.s32 v1, v0;
	v1 =	vmul.u32 $0xF80, v3;
	[tilespmem:$0x160] =	vst v61  }
0x28: {  	vm15 =	vlt.s32 v14, $0xF4F;
	v2 =	vnsel vm0, $0xF4F, v2;
	v63 =	vadd.s32 v62, v9;
	[tilespmem:$0x170] =	vst v0  }
0x29: {  	v3 =	vnsel vm13, $0xF4F, v11;
	[tilespmem:$0x120] =	vst v63;
	v0 =	vadd.s32 v1, v2;
	v1 =	vmul.u32 $0xF80, v12  }
0x2a: {  	v3 =	vadd.s32 v5, v3;
	v2 =	vmul.u32 $0xF80, v60;
	[tilespmem:$0x130] =	vst v0;
	v0 =	vnsel vm14, $0xF4F, v13  }
0x2b: {  	s16 =	sadd.s32 $0x600, s5;
	s15 =	simm.s32 $0x10;
	[tilespmem:$0x100] =	vst v3;
	v0 =	vadd.s32 v1, v0;
	v1 =	vnsel vm15, $0xF4F, v14  }
0x2c: {  	s18 =	simm.s32 $0x20;
	s17 =	smov.u32 s5;
	s14 =	smov.u32 s16;
	[tilespmem:$0x140] =	vst v0;
	v0 =	vadd.s32 v2, v1  }
.LBB2_2:
0x2d: {  	p0 =	sne.s32 s18, $0x300  }
0x2e: {  	s16 =	sadd.s32 $0x600, s16;
	[tilespmem:$0x150] =	vst v0;
	s19 =	smov.u32 s18;
	s18 =	sadd.s32 $0x10, s18  }
0x2f: {  	[tilespmem:s11], [sflag:$0x1] =	stream.indirect.gather [hbm4b:s3+s9], $0x60, s10, s9, $0xb8;
	[tilespmem:$0x3180] =	vst v63  }
0x30: {  	_ =	swait.ge [sflag:s12], $0x3000  }
0x31: {  	[sflag:s12] =	ssyncset.done $0x0  }
0x32: {  	[sflag:s12] =	ssyncadd.s32 $0xFFFFD000  }
0x33: {  	[hbm4b:s17+s2] =	stream.linear.scatter [tilespmem:s11], [sflag:$0x2], $0x3000, $0x38;
	[tilespmem:$0x3180] =	vst v63  }
0x34: {  	s17 =	smov.u32 s14;
	s14 =	smov.u32 s16;
	_ =	swait.ge [sflag:s8], $0x3000  }
0x35: {  	[sflag:s8] =	ssyncset.done $0x0  }
0x36: {  	s20 =	sadd.s32 s15, s7;
	[sflag:s8] =	ssyncadd.s32 $0xFFFFD000  }
0x37: {  	[tilespmem:s2], [sflag:$0x2] =	stream.linear.gather [hbm4b:s20+s2], $0x80, $0x38;
	[tilespmem:$0x3180] =	vst v63  }
0x38: {  	_ =	swait.ge [sflag:s8], $0x80  }
0x39: {  	[sflag:s8] =	ssyncset.done $0x0  }
0x3a: {  	s20 =	sadd.s32 s15, s6;
	s15 =	smov.u32 s19;
	[sflag:s8] =	ssyncadd.s32 $0xFFFFFF80  }
0x3b: {  	[tilespmem:s9], [sflag:$0x2] =	stream.linear.gather [hbm4b:s20+s2], $0x80, $0x38;
	[tilespmem:$0x3180] =	vst v63  }
0x3c: {  	_ =	swait.ge [sflag:s8], $0x80  }
0x3d: {  	[sflag:s8] =	ssyncset.done $0x0  }
0x3e: {  	[sflag:s8] =	ssyncadd.s32 $0xFFFFFF80  }
0x3f: {  	v0 =	vld [tilespmem:$0xF0]  }
0x40: {  	v1 =	vld [tilespmem:$0x70]  }
0x41: {  	v2 =	vld [tilespmem:$0xB0]  }
0x42: {  	v3 =	vld [tilespmem:$0x30]  }
0x43: {  	v4 =	vld [tilespmem:$0x10]  }
0x44: {  	v5 =	vld [tilespmem:$0x0]  }
0x45: {  	v6 =	vld [tilespmem:$0xE0]  }
0x46: {  	v7 =	vld [tilespmem:$0x90];
	vm0 =	vlt.s32 v2, $0xF4F  }
0x47: {  	v2 =	vnsel vm0, $0xF4F, v2;
	v8 =	vld [tilespmem:$0x60]  }
0x48: {  	v9 =	vld [tilespmem:$0xA0]  }
0x49: {  	v10 =	vld [tilespmem:$0x20]  }
0x4a: {  	v4 =	vmul.u32 $0xF80, v4;
	v5 =	vmul.u32 $0xF80, v5;
	v11 =	vld [tilespmem:$0x80];
	vm0 =	vlt.s32 v6, $0xF4F  }
0x4b: {  	v1 =	vmul.u32 $0xF80, v1;
	vm1 =	vlt.s32 v7, $0xF4F;
	v12 =	vld [tilespmem:$0x40];
	v6 =	vnsel vm0, $0xF4F, v6  }
0x4c: {  	vm0 =	vlt.s32 v0, $0xF4F;
	v7 =	vnsel vm1, $0xF4F, v7;
	v13 =	vld [tilespmem:$0xC0];
	v8 =	vmul.u32 $0xF80, v8  }
0x4d: {  	v0 =	vnsel vm0, $0xF4F, v0;
	v4 =	vadd.s32 v4, v7;
	vm1 =	vlt.s32 v9, $0xF4F;
	v7 =	vld [tilespmem:$0x50]  }
0x4e: {  	v0 =	vadd.s32 v1, v0;
	[tilespmem:$0x110] =	vst v4;
	v4 =	vnsel vm1, $0xF4F, v9;
	v9 =	vld [tilespmem:$0xD0];
	v6 =	vadd.s32 v8, v6  }
0x4f: {  	v3 =	vmul.u32 $0xF80, v3;
	v1 =	vmul.u32 $0xF80, v10;
	vm0 =	vlt.s32 v11, $0xF4F;
	[tilespmem:$0x160] =	vst v6  }
0x50: {  	v6 =	vnsel vm0, $0xF4F, v11  }
.Ltmp0:
0x51: {  	v2 =	vadd.s32 v3, v2;
	v1 =	vadd.s32 v1, v4;
	v5 =	vadd.s32 v5, v6;
	[tilespmem:$0x170] =	vst v0;
	(pc) =	sbr.rel @p0 .LBB2_2-.Ltmp0, $4  }
0x52: {  	v0 =	vmul.u32 $0xF80, v12;
	vm0 =	vlt.s32 v13, $0xF4F;
	[tilespmem:$0x120] =	vst v1;
	v1 =	vmul.u32 $0xF80, v7  }
0x53: {  	[tilespmem:$0x130] =	vst v2;
	v2 =	vnsel vm0, $0xF4F, v13;
	vm0 =	vlt.s32 v9, $0xF4F  }
0x54: {  	[tilespmem:$0x100] =	vst v5;
	v0 =	vadd.s32 v0, v2;
	v2 =	vnsel vm0, $0xF4F, v9  }
0x55: {  	[tilespmem:$0x140] =	vst v0;
	v0 =	vadd.s32 v1, v2  }
0x56: {  	[tilespmem:$0x150] =	vst v0  }
0x57: {  	[tilespmem:s11], [sflag:$0x1] =	stream.indirect.gather [hbm4b:s3+s9], $0x60, s10, s9, $0xb8;
	[tilespmem:$0x3180] =	vst v63  }
0x58: {  	_ =	swait.ge [sflag:s12], $0x3000  }
0x59: {  	[sflag:s12] =	ssyncset.done $0x0  }
0x5a: {  	[sflag:s12] =	ssyncadd.s32 $0xFFFFD000  }
0x5b: {  	[hbm4b:s17+s2] =	stream.linear.scatter [tilespmem:s11], [sflag:$0x2], $0x3000, $0x38;
	[tilespmem:$0x3180] =	vst v63  }
0x5c: {  	_ =	swait.ge [sflag:s8], $0x3000  }
0x5d: {  	[sflag:s8] =	ssyncset.done $0x0  }
0x5e: {  	s16 =	sadd.s32 s15, s7;
	[sflag:s8] =	ssyncadd.s32 $0xFFFFD000  }
0x5f: {  	[tilespmem:s2], [sflag:$0x2] =	stream.linear.gather [hbm4b:s16+s2], $0x80, $0x38;
	[tilespmem:$0x3180] =	vst v63  }
0x60: {  	_ =	swait.ge [sflag:s8], $0x80  }
0x61: {  	[sflag:s8] =	ssyncset.done $0x0  }
0x62: {  	s31 =	sadd.s32 s15, s6;
	[sflag:s8] =	ssyncadd.s32 $0xFFFFFF80  }
0x63: {  	[tilespmem:s9], [sflag:$0x2] =	stream.linear.gather [hbm4b:s31+s2], $0x80, $0x38;
	[tilespmem:$0x3180] =	vst v63  }
0x64: {  	_ =	swait.ge [sflag:s8], $0x80  }
0x65: {  	[sflag:s8] =	ssyncset.done $0x0  }
0x66: {  	[sflag:s8] =	ssyncadd.s32 $0xFFFFFF80  }
0x67: {  	v51 =	vld [tilespmem:$0xF0]  }
0x68: {  	v1 =	vld [tilespmem:$0x70]  }
0x69: {  	v2 =	vld [tilespmem:$0xB0]  }
0x6a: {  	v4 =	vld [tilespmem:$0x10]  }
0x6b: {  	v5 =	vld [tilespmem:$0x0]  }
0x6c: {  	v6 =	vld [tilespmem:$0xE0]  }
0x6d: {  	v7 =	vld [tilespmem:$0x90]  }
0x6e: {  	v8 =	vld [tilespmem:$0x60]  }
0x6f: {  	v9 =	vld [tilespmem:$0xA0]  }
0x70: {  	v11 =	vld [tilespmem:$0x80]  }
0x71: {  	v10 =	vld [tilespmem:$0x20]  }
0x72: {  	v3 =	vld [tilespmem:$0x30];
	vm0 =	vlt.s32 v2, $0xF4F;
	vm1 =	vlt.s32 v6, $0xF4F  }
0x73: {  	v12 =	vld [tilespmem:$0x40];
	v4 =	vmul.u32 $0xF80, v4;
	vm10 =	vlt.s32 v7, $0xF4F;
	v8 =	vmul.u32 $0xF80, v8  }
0x74: {  	v52 =	vld [tilespmem:$0x50];
	vm11 =	vlt.s32 v51, $0xF4F;
	vm12 =	vlt.s32 v9, $0xF4F;
	v5 =	vmul.u32 $0xF80, v5  }
0x75: {  	v14 =	vld [tilespmem:$0xD0];
	v1 =	vmul.u32 $0xF80, v1;
	vm13 =	vlt.s32 v11, $0xF4F;
	v7 =	vnsel vm10, $0xF4F, v7  }
0x76: {  	v13 =	vld [tilespmem:$0xC0];
	v54 =	vmul.u32 $0xF80, v10;
	v6 =	vnsel vm1, $0xF4F, v6;
	v4 =	vadd.s32 v4, v7  }
0x77: {  	v55 =	vmul.u32 $0xF80, v3;
	v0 =	vnsel vm11, $0xF4F, v51;
	v53 =	vadd.s32 v8, v6;
	[tilespmem:$0x110] =	vst v4  }
0x78: {  	v59 =	vmul.u32 $0xF80, v12;
	v9 =	vnsel vm12, $0xF4F, v9;
	v0 =	vadd.s32 v1, v0;
	[tilespmem:$0x160] =	vst v53  }
0x79: {  	v60 =	vmul.u32 $0xF80, v52;
	v2 =	vnsel vm0, $0xF4F, v2;
	v57 =	vadd.s32 v54, v9;
	[tilespmem:$0x170] =	vst v0  }
0x7a: {  	vm15 =	vlt.s32 v14, $0xF4F;
	v56 =	vnsel vm13, $0xF4F, v11;
	v58 =	vadd.s32 v55, v2;
	[tilespmem:$0x120] =	vst v57  }
0x7b: {  	vm14 =	vlt.s32 v13, $0xF4F;
	v62 =	vnsel vm15, $0xF4F, v14;
	v3 =	vadd.s32 v5, v56;
	[tilespmem:$0x130] =	vst v58  }
0x7c: {  	v61 =	vnsel vm14, $0xF4F, v13;
	v63 =	vadd.s32 v60, v62;
	[tilespmem:$0x100] =	vst v3  }
0x7d: {  	v0 =	vadd.s32 v59, v61;
	[tilespmem:$0x150] =	vst v63  }
0x7e: {  	[tilespmem:$0x140] =	vst v0  }
0x7f: {  	[tilespmem:s11], [sflag:$0x1] =	stream.indirect.gather [hbm4b:s3+s9], $0x60, s10, s9, $0xb8;
	[tilespmem:$0x3180] =	vst v63  }
0x80: {  	s13 =	sadd.s32 $0x1, s13;
	_ =	swait.ge [sflag:s12], $0x3000  }
0x81: {  	p0 =	sne.s32 s13, s4;
	[sflag:s12] =	ssyncset.done $0x0  }
.Ltmp1:
0x82: {  	[sflag:s12] =	ssyncadd.s32 $0xFFFFD000;
	(pc) =	sbr.rel @p0 .LBB2_1-.Ltmp1, $4  }
0x83: {  	[hbm4b:s14+s2] =	stream.linear.scatter [tilespmem:s11], [sflag:$0x2], $0x3000, $0x38;
	[tilespmem:$0x3180] =	vst v63  }
0x84: {  	_ =	swait.ge [sflag:s8], $0x3000  }
0x85: {  	[sflag:s8] =	ssyncset.done $0x0  }
0x86: {  	[sflag:s8] =	ssyncadd.s32 $0xFFFFD000  }
0x87: {  	_ =	sfence.sel $0x180000  }
0x88: {  	[bflag:$0x0] =	sbarrier.arrive $0xFFFF  }
0x89: {  	p0 =	sne.s32 s1, $0x0;
	_ =	strace $0x90000050  }
0x8a: {  	s0 =	sadd.s32 @!p0 $0x100000, s0;
	[bflag:$0x2] =	sbarrier.arrive $0xFFFF  }
0x8b: {  	[sflag:s0] =	ssyncadd.tile.s32 @!p0 $0x1;
	_ =	shalt  }
.Lfunc_end2:
_tile_overlayer_lowered:
.L_overlay_start_2:
0x8c: {  	(tag) =	ssettag $0x2  }
0x8d: {  	s0 =	rddreg [dreg:$0x0];
	s2 =	stileid.u32  }
0x8e: {  	s1 =	rddreg [dreg:$0x1];
	p0 =	sne.s32 s2, $0x0  }
0x8f: {  	s3 =	rddreg [dreg:$0x2];
	[bflag:$0x3] =	sbarrier.arrive $0xFFFF;
	s2 =	simm.s32 @!p0 $0x1C02  }
0x90: {  	[timem:s3], [sflag:s2] =	dma.local @!p0 [hbm:s0], s1  }
0x91: {  	s0 =	simm.s32 @!p0 $0x2  }
0x92: {  	_ =	swait.ge @!p0 [sflag:s0], s1  }
0x93: {  	s1 =	ssub.s32 @!p0 $0x0, s1;
	[sflag:s0] =	ssyncset.done @!p0 $0x0  }
0x94: {  	[sflag:s0] =	ssyncadd.s32 @!p0 s1  }
0x95: {  	[bflag:$0x3] =	sbarrier.arrive $0xFFFF  }
0x96: {  	_ =	shalt  }

// kernel: kernel.9.cloned.1.call-start
scs
__scs_entry_jumppad:
0x0: {  	(pc) =	sbr.rel $0x88, $3  }
0x1: {  	(tag) =	ssettag $0x0;
	lr =	simm.s32 $0x1  }
0x2: {  	[smem:$0x3F9A] =	sst lr;
	_ =	strace $0xD0000000  }
0x3: {  	_ = 	snop  }
0x4: {  	_ = 	snop  }
0x5: {  	_ = 	snop  }
0x6: {  	_ = 	snop  }
0x7: {  	_ = 	snop  }
__scs_overlays_trampoline_lowered:
0x8: {  	[smem:$0x3FA9] =	sst s0  }
0x9: {  	[smem:$0x3FAA] =	sst s1  }
0xa: {  	[smem:$0x3FAB] =	sst s2  }
0xb: {  	[smem:$0x3FAC] =	sst s3  }
0xc: {  	[smem:$0x3FAD] =	sst s4  }
0xd: {  	[smem:$0x3FAE] =	sst s5  }
0xe: {  	[smem:$0x3FAF] =	sst s6  }
0xf: {  	[smem:$0x3FB0] =	sst s7  }
0x10: {  	[smem:$0x3FB1] =	sst s8  }
0x11: {  	[smem:$0x3FB2] =	sst s9;
	s0 =	simm.s32 @!p0 $0x0  }
0x12: {  	s1 =	sld [smem:$0x3F98];
	s0 =	simm.s32 @p0 $0x1  }
0x13: {  	[smem:$0x3FB3] =	sst s0;
	s0 =	simm.s32 @!p1 $0x0  }
0x14: {  	s2 =	sld [smem:$0x3F97];
	s0 =	simm.s32 @p1 $0x1  }
0x15: {  	[smem:$0x3FB4] =	sst s0;
	s0 =	simm.s32 @!p2 $0x0  }
0x16: {  	s3 =	sld [smem:$0x3FDB];
	s0 =	simm.s32 @p2 $0x1  }
0x17: {  	s4 =	simm.s32 $0x1BF5;
	[smem:$0x3FB6] =	sst s0  }
0x18: {  	s0 =	sld [smem:$0x3F99];
	_ =	swait.ge [sflag:s4], $0x0  }
0x19: {  	s7 =	sld [smem:$0x3F9A]  }
0x1a: {  	s8 =	sadd.s32 $0xFFFFE003, lr  }
0x1b: {  	s9 =	sadd.s32 $0xFFFFFEF7, lr;
	s5 =	simm.s32 $0xFFFFFFFF;
	p2 =	slt.u32 s8, $0xFFFFF086  }
0x1c: {  	p1 =	slt.u32 s9, $0xF7A;
	s5 =	simm.s32 @!p2 $0x0  }
0x1d: {  	s5 =	simm.s32 @p1 $0x1;
	p0 =	seq.s32 s7, s2  }
0x1e: {  	s7 =	smul.u32 @!p0 $0xF7A, s2;
	p2 =	seq.s32 @!p0 s5, $0x0  }
0x1f: {  	s9 =	smul.u32 $0xF7A, s1;
	s8 =	simm.s32 @!p0 $0x1BF5;
	p2 =	por !p2, p0  }
0x20: {  	[sflag:s8] =	ssyncset.s32 @!p0 $0xFFFFF086;
	s6 =	sadd.s32 @!p0 s3, s7;
	s7 =	simm.s32 @!p0 $0x108  }
0x21: {  	s3 =	sadd.s32 s3, s9;
	s6 =	sadd.s32 @!p0 $0x88, s6;
	s7 =	simm.s32 @p2 $0x1082  }
0x22: {  	[simem:s7], [sflag:s8] =	dma.local @!p0 [hbm:s6], $0xF7A  }
0x23: {  	s9 =	sor.u32 $0xD0000000, s2;
	s6 =	simm.s32 $0x108;
	_ =	swait.ge @!p0 [sflag:s8], $0x0  }
0x24: {  	s3 =	sadd.s32 $0x88, s3;
	s6 =	simm.s32 @!p1 $0x1082;
	[sflag:s4] =	ssyncset.s32 $0xFFFFF086  }
0x25: {  	[simem:s6], [sflag:s4] =	dma.local [hbm:s3], $0xF7A  }
0x26: {  	[smem:$0x3F9A] =	sst s1;
	(tag) =	ssettag s2;
	_ =	strace s9  }
0x27: {  	s1 =	sld [smem:$0x3FAA]  }
0x28: {  	s2 =	sld [smem:$0x3FAB]  }
0x29: {  	s4 =	sld [smem:$0x3FAD]  }
0x2a: {  	p0 =	seq.s32 s5, $0x0;
	s5 =	sld [smem:$0x3FAE]  }
0x2b: {  	s6 =	sld [smem:$0x3FAF]  }
0x2c: {  	s7 =	sld [smem:$0x3FB0]  }
0x2d: {  	s3 =	simm.s32 $0x108;
	s8 =	sld [smem:$0x3FB1]  }
0x2e: {  	s3 =	simm.s32 @!p0 $0x1082;
	s9 =	sld [smem:$0x3FB2]  }
0x2f: {  	lr =	sadd.s32 s0, s3;
	s0 =	sld [smem:$0x3FA9]  }
0x30: {  	s3 =	sld [smem:$0x3FAC]  }
0x31: {  	[smem:$0x3FB5] =	sst s10  }
0x32: {  	s10 =	sld [smem:$0x3FB3];
	_ =	sdelay $0x3  }
0x33: {  	p0 =	seq.s32 s10, $0x1;
	s10 =	sld [smem:$0x3FB5];
	_ =	sdelay $0x3  }
0x34: {  	[smem:$0x3FB5] =	sst s10  }
0x35: {  	s10 =	sld [smem:$0x3FB4];
	_ =	sdelay $0x3  }
0x36: {  	p1 =	seq.s32 s10, $0x1;
	s10 =	sld [smem:$0x3FB5];
	_ =	sdelay $0x3  }
0x37: {  	[smem:$0x3FB5] =	sst s10  }
0x38: {  	s10 =	sld [smem:$0x3FB6]  }
0x39: {  	_ = 	snop;
	(pc) =	sbr.ind lr, $3  }
0x3a: {  	_ = 	snop  }
0x3b: {  	_ = 	snop  }
0x3c: {  	p2 =	seq.s32 s10, $0x1;
	s10 =	sld [smem:$0x3FB5]  }
0x3d: {  	_ =	shalt  }
0x3e: {  	_ =	shalt  }
0x3f: {  	_ =	shalt  }
0x40: {  	_ =	shalt  }
0x41: {  	_ =	shalt  }
0x42: {  	_ =	shalt  }
0x43: {  	_ =	shalt  }
0x44: {  	_ =	shalt  }
0x45: {  	_ =	shalt  }
0x46: {  	_ =	shalt  }
0x47: {  	_ =	shalt  }
0x48: {  	_ =	shalt  }
0x49: {  	_ =	shalt  }
0x4a: {  	_ =	shalt  }
0x4b: {  	_ =	shalt  }
0x4c: {  	_ =	shalt  }
0x4d: {  	_ =	shalt  }
0x4e: {  	_ =	shalt  }
0x4f: {  	_ =	shalt  }
0x50: {  	_ =	shalt  }
0x51: {  	_ =	shalt  }
0x52: {  	_ =	shalt  }
0x53: {  	_ =	shalt  }
0x54: {  	_ =	shalt  }
0x55: {  	_ =	shalt  }
0x56: {  	_ =	shalt  }
0x57: {  	_ =	shalt  }
0x58: {  	_ =	shalt  }
0x59: {  	_ =	shalt  }
0x5a: {  	_ =	shalt  }
0x5b: {  	_ =	shalt  }
0x5c: {  	_ =	shalt  }
0x5d: {  	_ =	shalt  }
0x5e: {  	_ =	shalt  }
0x5f: {  	_ =	shalt  }
0x60: {  	_ =	shalt  }
0x61: {  	_ =	shalt  }
0x62: {  	_ =	shalt  }
0x63: {  	_ =	shalt  }
0x64: {  	_ =	shalt  }
0x65: {  	_ =	shalt  }
0x66: {  	_ =	shalt  }
0x67: {  	_ =	shalt  }
0x68: {  	_ =	shalt  }
0x69: {  	_ =	shalt  }
0x6a: {  	_ =	shalt  }
0x6b: {  	_ =	shalt  }
0x6c: {  	_ =	shalt  }
0x6d: {  	_ =	shalt  }
0x6e: {  	_ =	shalt  }
0x6f: {  	_ =	shalt  }
0x70: {  	_ =	shalt  }
0x71: {  	_ =	shalt  }
0x72: {  	_ =	shalt  }
0x73: {  	_ =	shalt  }
0x74: {  	_ =	shalt  }
0x75: {  	_ =	shalt  }
0x76: {  	_ =	shalt  }
0x77: {  	_ =	shalt  }
0x78: {  	_ =	shalt  }
0x79: {  	_ =	shalt  }
0x7a: {  	_ =	shalt  }
0x7b: {  	_ =	shalt  }
0x7c: {  	_ =	shalt  }
0x7d: {  	_ =	shalt  }
0x7e: {  	_ =	shalt  }
0x7f: {  	_ =	shalt  }
0x80: {  	_ =	shalt  }
0x81: {  	_ =	shalt  }
0x82: {  	_ =	shalt  }
0x83: {  	_ =	shalt  }
0x84: {  	_ =	shalt  }
0x85: {  	_ =	shalt  }
0x86: {  	_ =	shalt  }
0x87: {  	_ =	shalt  }
.Lfunc_end0:
.L_simem_size_0:
called_computation.2_lowered:
.L_overlay_start_0:
0x88: {  	s2 =	sld [smem:$0x3FD9]  }
0x89: {  	s3 =	sld [smem:$0x3FFE];
	_ =	sdelay $0x1  }
0x8a: {  	s1 =	srdreg.scid  }
0x8b: {  	s0 =	sand.u32 $0x1, s1  }
0x8c: {  	s17 =	sshll.u32 s0, $0xA;
	s2 =	sadd.s32 s3, s2  }
0x8d: {  	s2 =	sadd.s32 s2, s17  }
0x8e: {  	[smem:$0x3FC1] =	sst s2  }
0x8f: {  	_ = 	snop  }
0x90: {  	s2 =	sld [smem:$0x3FD0];
	(tm) =	ssettm $0x1  }
0x91: {  	s18 =	sld [smem:$0x3FFB];
	_ =	sdelay $0x3  }
0x92: {  	_ =	strace s18  }
0x93: {  	s3 =	sld [smem:$0x3FFC];
	_ =	sdelay $0x3  }
0x94: {  	_ =	strace s3  }
0x95: {  	s3 =	sld [smem:$0x3FFD];
	_ =	sdelay $0x3  }
0x96: {  	_ =	strace s3  }
0x97: {  	_ =	strace $0x8FFFFFFF  }
0x98: {  	s19 =	sld [smem:$0x3FDB];
	_ =	sdelay $0x1  }
0x99: {  	s4 =	simm.s32 $_scs_section_size  }
0x9a: {  	s5 =	simm.s32 $_size__tile_overlayer_lowered;
	s6 =	simm.s32 $_tile_overlayer_lowered  }
0x9b: {  	s22 =	simm.s32 $0x1BFF;
	s21 =	sshll.u32 s6, $0x1;
	s3 =	sadd.s32 s4, s19  }
0x9c: {  	s7 =	simm.s32 $0x0;
	s20 =	sshll.u32 s5, $0x1;
	s5 =	sadd.s32 s21, s3  }
0x9d: {  	[timem:s7], [sflag:s22] =	dma.local [hbm:s5], s20  }
0x9e: {  	_ =	swait.ge [sflag:s22], s20  }
0x9f: {  	s4 =	ssub.s32 $0x0, s20;
	[sflag:s22] =	ssyncset.done $0x0  }
0xa0: {  	[sflag:s22] =	ssyncadd.s32 s4;
	_ =	sdelay $0x1  }
0xa1: {  	s23 =	simm.s32 $0x1B8B  }
0xa2: {  	_ =	swait.ge [sflag:s23], $0x1  }
0xa3: {  	[sflag:s23] =	ssyncset.done $0x0  }
0xa4: {  	s25 =	simm.s32 $0x1B8E;
	s24 =	sld [smem:$0x3FFE];
	[sflag:s23] =	ssyncadd.s32 $0xFFFFFFFF  }
0xa5: {  	s26 =	simm.s32 $execute0_lowered;
	[smem:$0x3FD2] =	sst s25  }
0xa6: {  	s5 =	sshll.u32 s26, $0x1;
	_ =	strace $0x80000049;
	[dreg:$0x1] =	wrdreg $0xFFFFFFFF  }
0xa7: {  	s28 =	simm.s32 $_size_execute0_lowered;
	s3 =	sadd.s32 s3, s5;
	[dreg:$0x0] =	wrdreg $0x0  }
0xa8: {  	s5 =	sshll.u32 s28, $0x1;
	[dreg:$0x2] =	wrdreg s3  }
0xa9: {  	[dreg:$0x3] =	wrdreg s5  }
0xaa: {  	[dreg:$0x4] =	wrdreg $0xC0  }
0xab: {  	_ =	task [dreg:s7], $0x5FFFF  }
0xac: {  	[dreg:$0x1] =	wrdreg $0xFFFFFFFF  }
0xad: {  	[dreg:$0x0] =	wrdreg $0x60  }
0xae: {  	[dreg:$0x2] =	wrdreg s24  }
0xaf: {  	[dreg:$0x3] =	wrdreg s2  }
0xb0: {  	[dreg:$0x4] =	wrdreg $0x9  }
0xb1: {  	_ =	task.clear_ibuf [dreg:s7], $0x5FFFF;
	_ =	strace $0x90000049  }
0xb2: {  	s29 =	simm.s32 $0x9;
	_ =	strace $0x8000004B  }
0xb3: {  	_ =	swait.ge [sflag:s29], $0x1  }
0xb4: {  	[sflag:s29] =	ssyncadd.s32 $0xFFFFFFFF  }
0xb5: {  	_ =	strace $0x9000004B  }
0xb6: {  	_ =	sfence  }
0xb7: {  	s30 =	sld [smem:$0x0];
	_ =	sdelay $0x2  }
0xb8: {  	s31 =	sshll.u32 s1, $0xD;
	s1 =	sshrl.u32 s1, $0x2  }
0xb9: {  	s3 =	sand.u32 $0x4000, s31;
	s1 =	sadd.s32 s1, s30  }
0xba: {  	s0 =	sor.u32 s3, s0;
	s1 =	sshll.u32 s1, $0x11  }
0xbb: {  	s0 =	sor.u32 s1, s0  }
0xbc: {  	s0 =	sadd.s32 $0x8F2B, s0  }
0xbd: {  	[sflag:s0] =	ssyncadd.remote.s32 $0x1  }
0xbe: {  	_ =	sfence.sel $0xFFFF  }
0xbf: {  	[dreg:$0x0] =	wrdreg $0xFFFFFFFF;
	(pc) =	sbr.abs _section_cstart, $3  }
0xc0: {  	[dreg:$0x1] =	wrdreg $0xFFFFFFFF  }
0xc1: {  	_ =	task.clear_ibuf [dreg:s7], $0x2FFFF;
	_ =	strace $0x9FFFFFFF  }
0xc2: {  	(tm) =	ssettm $0x7FFFFFFF  }
0xc3: {  	_ =	shalt  }
tec
execute0_lowered:
.L_overlay_start_1:
0x0: {  	(tag) =	ssettag $0x1  }
0x1: {  	s1 =	srdreg.scid;
	s5 =	rddreg [dreg:$0x0]  }
0x2: {  	s0 =	stileid.u32;
	s2 =	rddreg [dreg:$0x1];
	s3 =	simm.s32 $0x0  }
0x3: {  	s8 =	simm.s32 $0x1;
	s9 =	simm.s32 $0x1880;
	s10 =	simm.s32 $0x3100  }
0x4: {  	s11 =	simm.s32 $0x80;
	s4 =	sand.u32 $0x1, s1;
	s30 =	sshll.u32 s0, $0x1  }
0x5: {  	s12 =	simm.s32 $0x4980;
	s1 =	sor.u32 s4, s30;
	s4 =	ssub.s32 $0x2, s4  }
0x6: {  	[smem:$0x7FF] =	sst s3;
	s6 =	smul.u32 $0x310, s1;
	s31 =	sshrl.u32 s4, $0x1  }
0x7: {  	s13 =	simm.s32 $0x0;
	s1 =	rddreg [dreg:$0x2];
	s7 =	ssub.s32 s4, s31  }
0x8: {  	_ =	strace $0x8000004A;
	s6 =	sadd.s32 s6, s5;
	s7 =	smax.u32 s7, $0x1  }
0x9: {  	s4 =	sadd.s32 $0x2C00, s6;
	s5 =	sadd.s32 $0x8E00, s6;
	s6 =	sadd.s32 $0x18AE00, s6  }
.LBB2_1:
0xa: {  	[tilespmem:s3], [sflag:$0x1] =	stream.linear.gather [hbm4b:s4+s3], $0x1880, $0x38;
	[tilespmem:$0x4A00] =	vst v63  }
0xb: {  	_ =	swait.ge [sflag:s8], $0x1880  }
0xc: {  	[sflag:s8] =	ssyncset.done $0x0  }
0xd: {  	[sflag:s8] =	ssyncadd.s32 $0xFFFFE780  }
0xe: {  	[tilespmem:s9], [sflag:$0x1] =	stream.linear.gather [hbm4b:s5+s3], $0x1880, $0x38;
	[tilespmem:$0x4A00] =	vst v63  }
0xf: {  	_ =	swait.ge [sflag:s8], $0x1880  }
0x10: {  	[sflag:s8] =	ssyncset.done $0x0  }
0x11: {  	[sflag:s8] =	ssyncadd.s32 $0xFFFFE780  }
0x12: {  	[tilespmem:s10], [sflag:$0x1] =	stream.linear.gather [hbm4b:s6+s3], $0x1880, $0x38;
	[tilespmem:$0x4A00] =	vst v63  }
0x13: {  	_ =	swait.ge [sflag:s8], $0x1880  }
0x14: {  	[sflag:s8] =	ssyncset.done $0x0  }
0x15: {  	s14 =	simm.s32 $0x0;
	[sflag:s8] =	ssyncadd.s32 $0xFFFFE780  }
0x16: {  	v0 =	vld [tilespmem:s14+$0x0];
	_ =	sdelay $0x1  }
0x17: {  	v1 =	vld [tilespmem:s14+$0x1880];
	_ =	sdelay $0x2  }
0x18: {  	v0 =	vmul.u32 $0xF80, v0;
	_ =	sdelay $0x1  }
0x19: {  	vm0 =	vlt.s32 v1, $0xF50;
	v0 =	vadd.s32 v1, v0  }
0x1a: {  	v0 =	vnsel vm0, $0x3E000, v0  }
0x1b: {  	[tilespmem:$0x4980] =	vst v0  }
0x1c: {  	v0 =	vld [tilespmem:s14+$0x10];
	_ =	sdelay $0x1  }
0x1d: {  	v57 =	vld [tilespmem:s14+$0x1890];
	_ =	sdelay $0x2  }
0x1e: {  	v0 =	vmul.u32 $0xF80, v0;
	_ =	sdelay $0x1  }
0x1f: {  	vm9 =	vlt.s32 v57, $0xF50;
	v0 =	vadd.s32 v57, v0  }
0x20: {  	v0 =	vnsel vm9, $0x3E000, v0  }
0x21: {  	[tilespmem:$0x4990] =	vst v0  }
0x22: {  	v0 =	vld [tilespmem:s14+$0x20];
	_ =	sdelay $0x1  }
0x23: {  	v58 =	vld [tilespmem:s14+$0x18A0];
	_ =	sdelay $0x2  }
0x24: {  	v0 =	vmul.u32 $0xF80, v0;
	_ =	sdelay $0x1  }
0x25: {  	vm10 =	vlt.s32 v58, $0xF50;
	v0 =	vadd.s32 v58, v0  }
0x26: {  	v0 =	vnsel vm10, $0x3E000, v0  }
0x27: {  	[tilespmem:$0x49A0] =	vst v0  }
0x28: {  	v0 =	vld [tilespmem:s14+$0x30];
	_ =	sdelay $0x1  }
0x29: {  	v59 =	vld [tilespmem:s14+$0x18B0];
	_ =	sdelay $0x2  }
0x2a: {  	v0 =	vmul.u32 $0xF80, v0;
	_ =	sdelay $0x1  }
0x2b: {  	vm11 =	vlt.s32 v59, $0xF50;
	v0 =	vadd.s32 v59, v0  }
0x2c: {  	v0 =	vnsel vm11, $0x3E000, v0  }
0x2d: {  	[tilespmem:$0x49B0] =	vst v0  }
0x2e: {  	v0 =	vld [tilespmem:s14+$0x40];
	_ =	sdelay $0x1  }
0x2f: {  	v60 =	vld [tilespmem:s14+$0x18C0];
	_ =	sdelay $0x2  }
0x30: {  	v0 =	vmul.u32 $0xF80, v0;
	_ =	sdelay $0x1  }
0x31: {  	vm12 =	vlt.s32 v60, $0xF50;
	v0 =	vadd.s32 v60, v0  }
0x32: {  	v0 =	vnsel vm12, $0x3E000, v0  }
0x33: {  	[tilespmem:$0x49C0] =	vst v0  }
0x34: {  	v0 =	vld [tilespmem:s14+$0x50];
	_ =	sdelay $0x1  }
0x35: {  	v61 =	vld [tilespmem:s14+$0x18D0];
	_ =	sdelay $0x2  }
0x36: {  	v0 =	vmul.u32 $0xF80, v0;
	_ =	sdelay $0x1  }
0x37: {  	vm13 =	vlt.s32 v61, $0xF50;
	v0 =	vadd.s32 v61, v0  }
0x38: {  	v0 =	vnsel vm13, $0x3E000, v0  }
0x39: {  	[tilespmem:$0x49D0] =	vst v0  }
0x3a: {  	v0 =	vld [tilespmem:s14+$0x60];
	_ =	sdelay $0x1  }
0x3b: {  	v62 =	vld [tilespmem:s14+$0x18E0];
	_ =	sdelay $0x2  }
0x3c: {  	v0 =	vmul.u32 $0xF80, v0;
	_ =	sdelay $0x1  }
0x3d: {  	vm14 =	vlt.s32 v62, $0xF50;
	v0 =	vadd.s32 v62, v0  }
0x3e: {  	v0 =	vnsel vm14, $0x3E000, v0  }
0x3f: {  	[tilespmem:$0x49E0] =	vst v0  }
0x40: {  	v0 =	vld [tilespmem:s14+$0x70];
	_ =	sdelay $0x1  }
0x41: {  	v63 =	vld [tilespmem:s14+$0x18F0];
	_ =	sdelay $0x2  }
0x42: {  	v0 =	vmul.u32 $0xF80, v0;
	_ =	sdelay $0x1  }
0x43: {  	vm15 =	vlt.s32 v63, $0xF50;
	v0 =	vadd.s32 v63, v0  }
0x44: {  	v0 =	vnsel vm15, $0x3E000, v0  }
0x45: {  	s31 =	simm.s32 $0x3100;
	[tilespmem:$0x49F0] =	vst v0  }
0x46: {  	[hbm4b:s2+s11] =	stream.indirect.scatter [tilespmem:s31], [sflag:$0x1], $0x1, s12, s11, $0xb8;
	[tilespmem:$0x4A00] =	vst v63  }
0x47: {  	_ =	swait.ge [sflag:s8], $0x80  }
0x48: {  	s17 =	simm.s32 $0x400;
	s14 =	simm.s32 $0x200;
	[sflag:s8] =	ssyncset.done $0x0  }
.LBB2_2:
0x49: {  	s16 =	sshra.s32 s14, $0x2  }
0x4a: {  	[sflag:s8] =	ssyncadd.s32 $0xFFFFFF80;
	s14 =	smov.u32 s17;
	s15 =	sadd.s32 $0x200, s17  }
0x4b: {  	p0 =	sne.s32 s17, $0x6000;
	v0 =	vld [tilespmem:s16+$0x0];
	_ =	sdelay $0x1  }
0x4c: {  	v1 =	vld [tilespmem:s16+$0x1880];
	_ =	sdelay $0x2  }
0x4d: {  	v0 =	vmul.u32 $0xF80, v0;
	_ =	sdelay $0x1  }
0x4e: {  	vm0 =	vlt.s32 v1, $0xF50;
	v0 =	vadd.s32 v1, v0  }
0x4f: {  	v0 =	vnsel vm0, $0x3E000, v0  }
0x50: {  	[tilespmem:$0x4980] =	vst v0  }
0x51: {  	v0 =	vld [tilespmem:s16+$0x10];
	_ =	sdelay $0x1  }
0x52: {  	v1 =	vld [tilespmem:s16+$0x1890];
	_ =	sdelay $0x2  }
0x53: {  	v0 =	vmul.u32 $0xF80, v0;
	_ =	sdelay $0x1  }
0x54: {  	vm0 =	vlt.s32 v1, $0xF50;
	v0 =	vadd.s32 v1, v0  }
0x55: {  	v0 =	vnsel vm0, $0x3E000, v0  }
0x56: {  	[tilespmem:$0x4990] =	vst v0  }
0x57: {  	v0 =	vld [tilespmem:s16+$0x20];
	_ =	sdelay $0x1  }
0x58: {  	v1 =	vld [tilespmem:s16+$0x18A0];
	_ =	sdelay $0x2  }
0x59: {  	v0 =	vmul.u32 $0xF80, v0;
	_ =	sdelay $0x1  }
0x5a: {  	vm0 =	vlt.s32 v1, $0xF50;
	v0 =	vadd.s32 v1, v0  }
0x5b: {  	v0 =	vnsel vm0, $0x3E000, v0  }
0x5c: {  	[tilespmem:$0x49A0] =	vst v0  }
0x5d: {  	v0 =	vld [tilespmem:s16+$0x30];
	_ =	sdelay $0x1  }
0x5e: {  	v1 =	vld [tilespmem:s16+$0x18B0];
	_ =	sdelay $0x2  }
0x5f: {  	v0 =	vmul.u32 $0xF80, v0;
	_ =	sdelay $0x1  }
0x60: {  	vm0 =	vlt.s32 v1, $0xF50;
	v0 =	vadd.s32 v1, v0  }
0x61: {  	v0 =	vnsel vm0, $0x3E000, v0  }
0x62: {  	[tilespmem:$0x49B0] =	vst v0  }
0x63: {  	v0 =	vld [tilespmem:s16+$0x40];
	_ =	sdelay $0x1  }
0x64: {  	v1 =	vld [tilespmem:s16+$0x18C0];
	_ =	sdelay $0x2  }
0x65: {  	v0 =	vmul.u32 $0xF80, v0;
	_ =	sdelay $0x1  }
0x66: {  	vm0 =	vlt.s32 v1, $0xF50;
	v0 =	vadd.s32 v1, v0  }
0x67: {  	v0 =	vnsel vm0, $0x3E000, v0  }
0x68: {  	[tilespmem:$0x49C0] =	vst v0  }
0x69: {  	v0 =	vld [tilespmem:s16+$0x50];
	_ =	sdelay $0x1  }
0x6a: {  	v1 =	vld [tilespmem:s16+$0x18D0];
	_ =	sdelay $0x2  }
0x6b: {  	v0 =	vmul.u32 $0xF80, v0;
	_ =	sdelay $0x1  }
0x6c: {  	vm0 =	vlt.s32 v1, $0xF50;
	v0 =	vadd.s32 v1, v0  }
0x6d: {  	v0 =	vnsel vm0, $0x3E000, v0  }
0x6e: {  	[tilespmem:$0x49D0] =	vst v0  }
0x6f: {  	v0 =	vld [tilespmem:s16+$0x60]  }
0x70: {  	v1 =	vld [tilespmem:s16+$0x18E0];
	_ =	sdelay $0x3  }
0x71: {  	v0 =	vmul.u32 $0xF80, v0;
	_ =	sdelay $0x1  }
0x72: {  	vm0 =	vlt.s32 v1, $0xF50;
	v0 =	vadd.s32 v1, v0  }
0x73: {  	v0 =	vnsel vm0, $0x3E000, v0  }
0x74: {  	[tilespmem:$0x49E0] =	vst v0  }
0x75: {  	v0 =	vld [tilespmem:s16+$0x70]  }
0x76: {  	v1 =	vld [tilespmem:s16+$0x18F0];
	_ =	sdelay $0x3  }
0x77: {  	v0 =	vmul.u32 $0xF80, v0;
	_ =	sdelay $0x1  }
0x78: {  	vm0 =	vlt.s32 v1, $0xF50;
	v0 =	vadd.s32 v1, v0  }
.Ltmp0:
0x79: {  	v0 =	vnsel vm0, $0x3E000, v0;
	(pc) =	sbr.rel @p0 .LBB2_2-.Ltmp0, $4  }
0x7a: {  	s16 =	sadd.s32 $0x3100, s16;
	[tilespmem:$0x49F0] =	vst v0  }
0x7b: {  	[hbm4b:s2+s11] =	stream.indirect.scatter [tilespmem:s16], [sflag:$0x1], $0x1, s12, s11, $0xb8;
	[tilespmem:$0x4A00] =	vst v63  }
0x7c: {  	_ =	swait.ge [sflag:s8], $0x80  }
0x7d: {  	s17 =	smov.u32 s15;
	[sflag:s8] =	ssyncset.done $0x0  }
0x7e: {  	s14 =	sshra.s32 s14, $0x2;
	[sflag:s8] =	ssyncadd.s32 $0xFFFFFF80  }
0x7f: {  	v0 =	vld [tilespmem:s14+$0x0];
	_ =	sdelay $0x1  }
0x80: {  	v1 =	vld [tilespmem:s14+$0x1880];
	_ =	sdelay $0x2  }
0x81: {  	v0 =	vmul.u32 $0xF80, v0;
	_ =	sdelay $0x1  }
0x82: {  	vm0 =	vlt.s32 v1, $0xF50;
	v0 =	vadd.s32 v1, v0  }
0x83: {  	v0 =	vnsel vm0, $0x3E000, v0  }
0x84: {  	[tilespmem:$0x4980] =	vst v0  }
0x85: {  	v0 =	vld [tilespmem:s14+$0x10];
	_ =	sdelay $0x1  }
0x86: {  	v57 =	vld [tilespmem:s14+$0x1890];
	_ =	sdelay $0x2  }
0x87: {  	v0 =	vmul.u32 $0xF80, v0;
	_ =	sdelay $0x1  }
0x88: {  	vm9 =	vlt.s32 v57, $0xF50;
	v0 =	vadd.s32 v57, v0  }
0x89: {  	v0 =	vnsel vm9, $0x3E000, v0  }
0x8a: {  	[tilespmem:$0x4990] =	vst v0  }
0x8b: {  	v0 =	vld [tilespmem:s14+$0x20];
	_ =	sdelay $0x1  }
0x8c: {  	v58 =	vld [tilespmem:s14+$0x18A0];
	_ =	sdelay $0x2  }
0x8d: {  	v0 =	vmul.u32 $0xF80, v0;
	_ =	sdelay $0x1  }
0x8e: {  	vm10 =	vlt.s32 v58, $0xF50;
	v0 =	vadd.s32 v58, v0  }
0x8f: {  	v0 =	vnsel vm10, $0x3E000, v0  }
0x90: {  	[tilespmem:$0x49A0] =	vst v0  }
0x91: {  	v0 =	vld [tilespmem:s14+$0x30];
	_ =	sdelay $0x1  }
0x92: {  	v59 =	vld [tilespmem:s14+$0x18B0];
	_ =	sdelay $0x2  }
0x93: {  	v0 =	vmul.u32 $0xF80, v0;
	_ =	sdelay $0x1  }
0x94: {  	vm11 =	vlt.s32 v59, $0xF50;
	v0 =	vadd.s32 v59, v0  }
0x95: {  	v0 =	vnsel vm11, $0x3E000, v0  }
0x96: {  	[tilespmem:$0x49B0] =	vst v0  }
0x97: {  	v0 =	vld [tilespmem:s14+$0x40];
	_ =	sdelay $0x1  }
0x98: {  	v60 =	vld [tilespmem:s14+$0x18C0];
	_ =	sdelay $0x2  }
0x99: {  	v0 =	vmul.u32 $0xF80, v0;
	_ =	sdelay $0x1  }
0x9a: {  	vm12 =	vlt.s32 v60, $0xF50;
	v0 =	vadd.s32 v60, v0  }
0x9b: {  	v0 =	vnsel vm12, $0x3E000, v0  }
0x9c: {  	[tilespmem:$0x49C0] =	vst v0  }
0x9d: {  	v0 =	vld [tilespmem:s14+$0x50];
	_ =	sdelay $0x1  }
0x9e: {  	v61 =	vld [tilespmem:s14+$0x18D0];
	_ =	sdelay $0x2  }
0x9f: {  	v0 =	vmul.u32 $0xF80, v0;
	_ =	sdelay $0x1  }
0xa0: {  	vm13 =	vlt.s32 v61, $0xF50;
	v0 =	vadd.s32 v61, v0  }
0xa1: {  	v0 =	vnsel vm13, $0x3E000, v0  }
0xa2: {  	[tilespmem:$0x49D0] =	vst v0  }
0xa3: {  	v0 =	vld [tilespmem:s14+$0x60];
	_ =	sdelay $0x1  }
0xa4: {  	v62 =	vld [tilespmem:s14+$0x18E0];
	_ =	sdelay $0x2  }
0xa5: {  	v0 =	vmul.u32 $0xF80, v0;
	_ =	sdelay $0x1  }
0xa6: {  	vm14 =	vlt.s32 v62, $0xF50;
	v0 =	vadd.s32 v62, v0  }
0xa7: {  	v0 =	vnsel vm14, $0x3E000, v0  }
0xa8: {  	[tilespmem:$0x49E0] =	vst v0  }
0xa9: {  	v0 =	vld [tilespmem:s14+$0x70];
	_ =	sdelay $0x1  }
0xaa: {  	v63 =	vld [tilespmem:s14+$0x18F0];
	_ =	sdelay $0x2  }
0xab: {  	v0 =	vmul.u32 $0xF80, v0;
	_ =	sdelay $0x1  }
0xac: {  	s13 =	sadd.s32 $0x1, s13;
	vm15 =	vlt.s32 v63, $0xF50;
	v0 =	vadd.s32 v63, v0  }
0xad: {  	p0 =	sne.s32 s13, s7;
	v0 =	vnsel vm15, $0x3E000, v0  }
.Ltmp1:
0xae: {  	s14 =	sadd.s32 $0x3100, s14;
	[tilespmem:$0x49F0] =	vst v0;
	(pc) =	sbr.rel @p0 .LBB2_1-.Ltmp1, $4  }
0xaf: {  	[hbm4b:s2+s11] =	stream.indirect.scatter [tilespmem:s14], [sflag:$0x1], $0x1, s12, s11, $0xb8;
	[tilespmem:$0x4A00] =	vst v63  }
0xb0: {  	_ =	swait.ge [sflag:s8], $0x80  }
0xb1: {  	[sflag:s8] =	ssyncset.done $0x0  }
0xb2: {  	[sflag:s8] =	ssyncadd.s32 $0xFFFFFF80  }
0xb3: {  	_ =	sfence.sel $0x180000  }
0xb4: {  	[bflag:$0x0] =	sbarrier.arrive $0xFFFF  }
0xb5: {  	p0 =	sne.s32 s0, $0x0;
	_ =	strace $0x9000004A  }
0xb6: {  	s0 =	sadd.s32 @!p0 $0x100000, s1;
	[bflag:$0x2] =	sbarrier.arrive $0xFFFF  }
0xb7: {  	[sflag:s0] =	ssyncadd.tile.s32 @!p0 $0x1;
	_ =	shalt  }
.Lfunc_end2:
_tile_overlayer_lowered:
.L_overlay_start_2:
0xb8: {  	(tag) =	ssettag $0x2  }
0xb9: {  	s0 =	rddreg [dreg:$0x0];
	s2 =	stileid.u32  }
0xba: {  	s1 =	rddreg [dreg:$0x1];
	p0 =	sne.s32 s2, $0x0  }
0xbb: {  	s3 =	rddreg [dreg:$0x2];
	[bflag:$0x3] =	sbarrier.arrive $0xFFFF;
	s2 =	simm.s32 @!p0 $0x1C01  }
0xbc: {  	[timem:s3], [sflag:s2] =	dma.local @!p0 [hbm:s0], s1  }
0xbd: {  	s0 =	simm.s32 @!p0 $0x1  }
0xbe: {  	_ =	swait.ge @!p0 [sflag:s0], s1  }
0xbf: {  	s1 =	ssub.s32 @!p0 $0x0, s1;
	[sflag:s0] =	ssyncset.done @!p0 $0x0  }
0xc0: {  	[sflag:s0] =	ssyncadd.s32 @!p0 s1  }
0xc1: {  	[bflag:$0x3] =	sbarrier.arrive $0xFFFF  }
0xc2: {  	_ =	shalt  }

// kernel: sparse-core-data-format-call.1.cloned.1.call-start
scs
called_computation.1_lowered:
.L_overlay_start_0:
0x0: {  	s2 =	sld [smem:$0x3FD9]  }
0x1: {  	s3 =	sld [smem:$0x3FFE];
	_ =	sdelay $0x1  }
0x2: {  	s1 =	srdreg.scid  }
0x3: {  	s0 =	sand.u32 $0x1, s1  }
0x4: {  	s18 =	sshll.u32 s0, $0xA;
	s2 =	sadd.s32 s3, s2  }
0x5: {  	s2 =	sadd.s32 s2, s18  }
0x6: {  	[smem:$0x3FC1] =	sst s2  }
0x7: {  	_ = 	snop  }
0x8: {  	s2 =	sld [smem:$0x3FC9];
	(tm) =	ssettm $0x1  }
0x9: {  	s19 =	sld [smem:$0x3FFB];
	_ =	sdelay $0x3  }
0xa: {  	_ =	strace s19  }
0xb: {  	s3 =	sld [smem:$0x3FFC];
	_ =	sdelay $0x3  }
0xc: {  	_ =	strace s3  }
0xd: {  	s3 =	sld [smem:$0x3FFD];
	_ =	sdelay $0x3  }
0xe: {  	_ =	strace s3  }
0xf: {  	_ =	strace $0x8FFFFFFF  }
0x10: {  	s20 =	sld [smem:$0x3FDB];
	_ =	sdelay $0x1  }
0x11: {  	s4 =	simm.s32 $_scs_section_size  }
0x12: {  	s5 =	simm.s32 $_size__tile_overlayer_lowered;
	s6 =	simm.s32 $_tile_overlayer_lowered  }
0x13: {  	s23 =	simm.s32 $0x1BFF;
	s22 =	sshll.u32 s6, $0x1;
	s3 =	sadd.s32 s4, s20  }
0x14: {  	s7 =	simm.s32 $0x0;
	s21 =	sshll.u32 s5, $0x1;
	s5 =	sadd.s32 s22, s3  }
0x15: {  	[timem:s7], [sflag:s23] =	dma.local [hbm:s5], s21  }
0x16: {  	_ =	swait.ge [sflag:s23], s21  }
0x17: {  	s4 =	ssub.s32 $0x0, s21;
	[sflag:s23] =	ssyncset.done $0x0  }
0x18: {  	[sflag:s23] =	ssyncadd.s32 s4;
	_ =	sdelay $0x1  }
0x19: {  	s24 =	simm.s32 $0x1B8B  }
0x1a: {  	_ =	swait.ge [sflag:s24], $0x1  }
0x1b: {  	[sflag:s24] =	ssyncset.done $0x0  }
0x1c: {  	s26 =	simm.s32 $0x1B8E;
	s25 =	sld [smem:$0x3FFE];
	[sflag:s24] =	ssyncadd.s32 $0xFFFFFFFF  }
0x1d: {  	s27 =	simm.s32 $execute0_lowered;
	[smem:$0x3FD2] =	sst s26  }
0x1e: {  	s5 =	sshll.u32 s27, $0x1;
	_ =	strace $0x80000046;
	[dreg:$0x1] =	wrdreg $0xFFFFFFFF  }
0x1f: {  	s28 =	simm.s32 $_size_execute0_lowered;
	s3 =	sadd.s32 s3, s5;
	[dreg:$0x0] =	wrdreg $0x0  }
0x20: {  	s5 =	sshll.u32 s28, $0x1;
	[dreg:$0x2] =	wrdreg s3  }
0x21: {  	[dreg:$0x3] =	wrdreg s5  }
0x22: {  	[dreg:$0x4] =	wrdreg $0xC0  }
0x23: {  	_ =	task [dreg:s7], $0x5FFFF  }
0x24: {  	[dreg:$0x1] =	wrdreg $0xFFFFFFFF  }
0x25: {  	[dreg:$0x0] =	wrdreg $0x60  }
0x26: {  	[dreg:$0x2] =	wrdreg s2  }
0x27: {  	[dreg:$0x3] =	wrdreg s25  }
0x28: {  	[dreg:$0x4] =	wrdreg $0x9  }
0x29: {  	_ =	task.clear_ibuf [dreg:s7], $0x5FFFF;
	_ =	strace $0x90000046  }
0x2a: {  	s29 =	simm.s32 $0x9;
	_ =	strace $0x80000048  }
0x2b: {  	_ =	swait.ge [sflag:s29], $0x1  }
0x2c: {  	[sflag:s29] =	ssyncadd.s32 $0xFFFFFFFF  }
0x2d: {  	_ =	strace $0x90000048  }
0x2e: {  	_ =	sfence  }
0x2f: {  	s30 =	sld [smem:$0x0];
	_ =	sdelay $0x2  }
0x30: {  	s31 =	sshll.u32 s1, $0xD;
	s1 =	sshrl.u32 s1, $0x2  }
0x31: {  	s3 =	sand.u32 $0x4000, s31;
	s1 =	sadd.s32 s1, s30  }
0x32: {  	s0 =	sor.u32 s3, s0;
	s1 =	sshll.u32 s1, $0x11  }
0x33: {  	s0 =	sor.u32 s1, s0  }
0x34: {  	s0 =	sadd.s32 $0x8F2B, s0  }
0x35: {  	[sflag:s0] =	ssyncadd.remote.s32 $0x1  }
0x36: {  	_ =	sfence.sel $0xFFFF  }
0x37: {  	[dreg:$0x0] =	wrdreg $0xFFFFFFFF;
	(pc) =	sbr.abs _section_cstart, $3  }
0x38: {  	[dreg:$0x1] =	wrdreg $0xFFFFFFFF  }
0x39: {  	_ =	task.clear_ibuf [dreg:s7], $0x2FFFF;
	_ =	strace $0x9FFFFFFF  }
0x3a: {  	(tm) =	ssettm $0x7FFFFFFF  }
0x3b: {  	_ =	shalt  }
tec
execute0_lowered:
.L_overlay_start_1:
0x0: {  	(tag) =	ssettag $0x1  }
0x1: {  	s0 =	rddreg [dreg:$0x1];
	s4 =	stileid.u32;
	_ =	strace $0x80000047  }
0x2: {  	s2 =	srdreg.scid;
	s30 =	simm.s32 $0x1;
	s31 =	simm.s32 $0x2  }
0x3: {  	s21 =	simm.s32 $0x0;
	s23 =	simm.s32 $0x0;
	s22 =	simm.s32 $0x0  }
0x4: {  	s24 =	simm.s32 $0x0;
	s12 =	simm.s32 $0x0;
	s13 =	simm.s32 $0x0  }
0x5: {  	s14 =	simm.s32 $0x0;
	s16 =	simm.s32 $0x0;
	s15 =	simm.s32 $0x0  }
0x6: {  	s18 =	simm.s32 $0x0;
	s8 =	sand.u32 $0x1, s4;
	s0 =	sadd.s32 $0x2C00, s0  }
0x7: {  	s29 =	sshll.u32 s2, $0x4;
	s1 =	ssub.s32 $0x2, s8;
	[dreg:$0x4] =	wrdreg s0  }
0x8: {  	s0 =	sand.u32 $0x10, s29;
	s3 =	sshrl.u32 s1, $0x1;
	s1 =	sand.u32 $0x1, s1  }
.Ltmp0:
0x9: {  	s0 =	sor.u32 s4, s0;
	s1 =	sadd.s32 s1, s3;
	(pc) =	sbr.rel .LBB1_1-.Ltmp0, $4  }
0xa: {  	[dreg:$0x3] =	wrdreg s8;
	s10 =	sshrl.u32 s0, $0x1;
	s9 =	smul.u32 $0x1C, s1  }
0xb: {  	s20 =	simm.s32 $0x0;
	[sflag:s30] =	ssyncpa.u1 $0x0;
	[dreg:$0x6] =	wrdreg s10  }
0xc: {  	[sflag:s31] =	ssyncpa.u1 $0x0;
	s11 =	sor.u32 $0x1, s9;
	[dreg:$0x5] =	wrdreg s9  }
0xd: {  	s19 =	smov.u32 s8;
	s17 =	smov.u32 s10;
	[dreg:$0x7] =	wrdreg s11  }
.LBB1_18:
0xe: {  	s12 =	rddreg [dreg:$0x8]  }
0xf: {  	s14 =	rddreg [dreg:$0xa]  }
0x10: {  	s22 =	rddreg [dreg:$0x16]  }
0x11: {  	s4 =	rddreg [dreg:$0x15]  }
0x12: {  	s24 =	rddreg [dreg:$0x18]  }
0x13: {  	s5 =	rddreg [dreg:$0x17]  }
0x14: {  	s16 =	rddreg [dreg:$0xc]  }
0x15: {  	s13 =	rddreg [dreg:$0x9]  }
0x16: {  	s6 =	rddreg [dreg:$0x4]  }
0x17: {  	s30 =	rddreg [dreg:$0x19]  }
0x18: {  	s8 =	rddreg [dreg:$0x3]  }
0x19: {  	s9 =	rddreg [dreg:$0x5]  }
0x1a: {  	s10 =	rddreg [dreg:$0x6]  }
0x1b: {  	s11 =	rddreg [dreg:$0x7]  }
0x1c: {  	s15 =	rddreg [dreg:$0xb]  }
0x1d: {  	s17 =	rddreg [dreg:$0xd]  }
0x1e: {  	s18 =	rddreg [dreg:$0xe]  }
0x1f: {  	s19 =	rddreg [dreg:$0xf]  }
0x20: {  	s20 =	rddreg [dreg:$0x10]  }
0x21: {  	s21 =	rddreg [dreg:$0x11]  }
0x22: {  	s0 =	sshll.u32 s12, $0x7;
	s1 =	sshll.u32 s14, $0x3;
	p0 =	sgt.s32 s14, $0x0  }
0x23: {  	s3 =	smov.u32 s12;
	s2 =	sand.u32 $0xFFFFFC00, s0;
	s1 =	sand.u32 $0xFFFFFC00, s1  }
0x24: {  	s25 =	smul.u32 $0xC4000, s16;
	s1 =	sadd.s32 s1, s2;
	s2 =	smov.u32 s14  }
0x25: {  	s26 =	smul.u32 $0xE00, s13;
	s0 =	sand.u32 $0x380, s0;
	s2 =	simm.s32 @!p0 $0x0  }
0x26: {  	s27 =	sshrl.u32 s14, $0x3;
	s0 =	sor.u32 s0, s1;
	s1 =	sadd.s32 s2, s22  }
0x27: {  	s0 =	sshrl.u32 s0, $0x7;
	p0 =	sgt.s32 s1, $0x7F;
	s1 =	ssub.s32 $0x80, s1  }
0x28: {  	s23 =	smulhi.u32 $0x2492493, s0;
	s1 =	simm.s32 @p0 $0x0;
	p0 =	sgt.s32 s12, $0x60  }
0x29: {  	s31 =	sand.u32 $0x7, s14;
	s28 =	sand.u32 $0xF, s27;
	s3 =	simm.s32 @!p0 $0x60  }
0x2a: {  	s2 =	sshrl.u32 s23, $0x1;
	s1 =	smul.u32 s4, s1;
	s3 =	sadd.s32 s24, s3  }
0x2b: {  	s22 =	rddreg [dreg:$0x12];
	s2 =	smul.u32 $0xE0, s2;
	s4 =	sadd.s32 $0xFFFFFFA0, s3  }
0x2c: {  	s1 =	smul.u32 s5, s1;
	s3 =	ssub.s32 $0xE0, s3;
	p0 =	sgt.s32 s4, $0x7F  }
0x2d: {  	s23 =	rddreg [dreg:$0x13];
	s4 =	sadd.s32 s6, s25;
	s3 =	simm.s32 @p0 $0x0  }
0x2e: {  	s0 =	ssub.s32 s0, s2;
	s29 =	sadd.s32 s26, s4;
	s1 =	smul.u32 s3, s1  }
0x2f: {  	s24 =	rddreg [dreg:$0x14];
	s0 =	sshll.u32 s0, $0x4;
	s2 =	sadd.s32 s28, s29  }
0x30: {  	s3 =	sor.u32 $0x8000, s30;
	s0 =	sadd.s32 s0, s2;
	s1 =	sand.u32 $0x3FFFFFFF, s1  }
0x31: {  	[hbm4b:s0+s31] =	stream.linear.scatter [tilespmem:s3], [sflag:$0x2], s1, $0x20;
	[tilespmem:$0x10100] =	vst v63  }
.LBB1_19:
0x32: {  	p0 =	slt.u32 s20, $0x2  }
0x33: {  	s0 =	smov.u32 s24;
	s2 =	smov.u32 s23;
	s5 =	smov.u32 s17  }
0x34: {  	p1 =	sgt.s32 @!p0 s24, $0x1;
	s1 =	sshra.s32 @!p0 s24, $0x1F;
	s3 =	sshra.s32 @!p0 s23, $0x1F  }
0x35: {  	p2 =	sgt.s32 @!p0 s21, $0x60;
	s4 =	sshra.s32 @!p0 s21, $0x1F;
	p1 =	por !p1, p0  }
0x36: {  	s1 =	sand.u32 @!p0 s1, s24;
	p2 =	por !p2, p0;
	s4 =	sand.u32 @!p0 s4, s21  }
0x37: {  	s0 =	simm.s32 @p1 $0x1;
	p1 =	sgt.s32 @!p0 s23, $0xDF;
	s1 =	sxor.u32 @!p0 $0xFFFFFFFF, s1  }
0x38: {  	s24 =	smov.u32 s16;
	p1 =	por !p1, p0;
	s0 =	sadd.s32 @!p0 s1, s0  }
0x39: {  	s1 =	sand.u32 @!p0 s3, s23;
	s3 =	smov.u32 s21;
	s2 =	simm.s32 @p1 $0xDF  }
0x3a: {  	p1 =	sgt.s32 @!p0 s0, $0x0;
	s0 =	ssub.s32 @!p0 $0x1, s0;
	s1 =	ssub.s32 @!p0 s2, s1  }
0x3b: {  	s3 =	simm.s32 @p2 $0x60;
	p1 =	por !p1, p0;
	s2 =	sadd.s32 @!p0 $0xFFFFFF21, s1  }
0x3c: {  	s0 =	simm.s32 @!p1 $0x0;
	p1 =	sgt.s32 @!p0 s2, $0x0;
	s2 =	ssub.s32 @!p0 $0x0, s22  }
0x3d: {  	s16 =	smov.u32 s19;
	s3 =	ssub.s32 @!p0 s3, s4;
	s2 =	smin.u32 @!p0 s22, s2  }
0x3e: {  	s1 =	ssub.s32 @!p0 $0xE0, s1;
	s4 =	sadd.s32 @!p0 $0xFFFFFFA0, s3;
	p2 =	sgt.s32 @!p0 s2, $0x7F  }
0x3f: {  	p1 =	por !p1, p0;
	s2 =	ssub.s32 @!p0 $0x80, s2;
	p2 =	por !p2, p0  }
0x40: {  	s3 =	ssub.s32 @!p0 $0xE0, s3;
	s1 =	simm.s32 @!p1 $0x0;
	s2 =	simm.s32 @!p2 $0x0  }
0x41: {  	p1 =	sgt.s32 @!p0 s4, $0x7F;
	s0 =	smul.u32 @!p0 s0, s2;
	s2 =	sadd.s32 $0x80, s15  }
0x42: {  	s4 =	sadd.s32 $0x10, s17;
	p1 =	por !p1, p0;
	p2 =	sgt.s32 s2, $0xDF  }
0x43: {  	s3 =	simm.s32 @!p1 $0x0;
	s0 =	smul.u32 @!p0 s1, s0;
	s5 =	smov.u32 @p2 s4  }
0x44: {  	s1 =	sadd.s32 $0x80, s18;
	s4 =	smov.u32 s18;
	p1 =	sgt.s32 s5, $0xDF  }
0x45: {  	s2 =	simm.s32 @p2 $0x0;
	s0 =	smul.u32 @!p0 s3, s0;
	s4 =	smov.u32 @p1 s1  }
0x46: {  	s1 =	sadd.s32 $0x2, s19;
	s3 =	smov.u32 s19;
	p2 =	sgt.s32 s4, $0x5F  }
0x47: {  	s21 =	smov.u32 s12;
	s23 =	smov.u32 s13;
	s3 =	smov.u32 @p2 s1  }
0x48: {  	s12 =	smov.u32 s15;
	s5 =	smov.u32 @p1 s10;
	p1 =	sgt.s32 s3, $0x1  }
0x49: {  	s13 =	smov.u32 s17;
	s3 =	smov.u32 @p1 s8;
	p1 =	sne.s32 s20, s11  }
.Ltmp1:
0x4a: {  	s22 =	smov.u32 s14;
	s14 =	smov.u32 s18;
	(pc) =	sbr.rel @!p1 .LBB1_20-.Ltmp1, $4  }
0x4b: {  	s15 =	smov.u32 s2;
	s0 =	sand.u32 @!p0 $0x3FFFFFFF, s0;
	s1 =	simm.s32 @!p0 $0x2  }
0x4c: {  	s17 =	smov.u32 s5;
	s4 =	simm.s32 @p2 $0x0;
	_ =	swait.ge @!p0 [sflag:s1], s0  }
0x4d: {  	s0 =	ssub.s32 @!p0 $0x0, s0;
	s18 =	smov.u32 s4;
	[sflag:s1] =	ssyncset.done @!p0 $0x0  }
0x4e: {  	s20 =	sadd.s32 $0x1, s20;
	[sflag:s1] =	ssyncadd.s32 @!p0 s0;
	s19 =	smov.u32 s3  }
.LBB1_1:
0x4f: {  	p0 =	sge.u32 s20, s9  }
.Ltmp2:
0x50: {  	_ = 	snop;
	(pc) =	sbr.rel @p0 .LBB1_3-.Ltmp2, $1  }
0x51: {  	_ =	sdelay $0x3  }
0x52: {  	s0 =	sand.u32 $0x78, s15;
	s1 =	sshll.u32 s17, $0x8;
	s2 =	sshll.u32 s15, $0x3  }
0x53: {  	s3 =	sshll.u32 s17, $0x7;
	p0 =	sgt.s32 s19, $0x1;
	s25 =	sshra.s32 s19, $0x1F  }
0x54: {  	s4 =	smov.u32 s18;
	s5 =	sshra.s32 s18, $0x1F;
	s27 =	sshra.s32 s17, $0x1F  }
0x55: {  	s29 =	sshra.s32 s15, $0x1F;
	s30 =	sxor.u32 $0xFFFFFFFF, s20;
	s1 =	sand.u32 $0xFFFFF800, s1  }
0x56: {  	s2 =	sand.u32 $0xFFFFFC00, s2;
	s7 =	sand.u32 $0x300, s3;
	s3 =	sand.u32 $0x80, s3  }
0x57: {  	s5 =	sand.u32 s5, s18;
	s28 =	sand.u32 s27, s17;
	s27 =	rddreg [dreg:$0x0]  }
0x58: {  	s1 =	sadd.s32 s1, s2;
	s0 =	sor.u32 s0, s3;
	s2 =	smov.u32 s19  }
0x59: {  	s3 =	sand.u32 s25, s19;
	s25 =	smul.u32 $0x1C00, s18;
	s1 =	sor.u32 s7, s1  }
0x5a: {  	s2 =	simm.s32 @!p0 $0x1;
	p0 =	sgt.s32 s18, $0xFFFFFFE0;
	s3 =	sxor.u32 $0xFFFFFFFF, s3  }
0x5b: {  	s0 =	sshrl.u32 s0, $0x3;
	s1 =	sshrl.u32 s1, $0x8;
	s4 =	simm.s32 @!p0 $0xFFFFFFE0  }
0x5c: {  	s2 =	sadd.s32 s3, s2;
	s6 =	smulhi.u32 $0x124924A, s1;
	s26 =	ssub.s32 s4, s5  }
0x5d: {  	p0 =	sgt.s32 s2, $0x0;
	s2 =	ssub.s32 $0x1, s2;
	s4 =	sadd.s32 $0x20, s26  }
0x5e: {  	s2 =	simm.s32 @p0 $0x0;
	s3 =	ssub.s32 $0x60, s26;
	p0 =	sgt.s32 s4, $0x7F  }
0x5f: {  	s5 =	sand.u32 s29, s15;
	s6 =	smul.u32 $0xE0, s6;
	s3 =	simm.s32 @p0 $0x0  }
0x60: {  	s4 =	smov.u32 s17;
	p0 =	sgt.s32 s17, $0xDF;
	s2 =	smul.u32 s2, s3  }
0x61: {  	s4 =	simm.s32 @!p0 $0xDF;
	p0 =	sgt.s32 s15, $0x80;
	s1 =	ssub.s32 s1, s6  }
0x62: {  	s3 =	ssub.s32 s4, s28;
	s4 =	smov.u32 s15;
	s28 =	sand.u32 $0x7, s15  }
0x63: {  	s1 =	sshll.u32 s1, $0x5;
	s7 =	sadd.s32 $0xFFFFFF21, s3;
	s4 =	simm.s32 @!p0 $0x80  }
0x64: {  	s3 =	ssub.s32 $0xE0, s3;
	p0 =	sgt.s32 s7, $0x0;
	s4 =	ssub.s32 s4, s5  }
0x65: {  	s7 =	smul.u32 $0xA8000, s19;
	s3 =	simm.s32 @p0 $0x0;
	s31 =	sadd.s32 $0xFFFFFF80, s4  }
0x66: {  	s2 =	smul.u32 s3, s2;
	p0 =	sgt.s32 s31, $0x7F;
	s3 =	ssub.s32 $0x100, s4  }
0x67: {  	s29 =	sshll.u32 s28, $0x12;
	s4 =	sadd.s32 s27, s7;
	s3 =	simm.s32 @p0 $0x0  }
0x68: {  	s5 =	sshll.u32 s30, $0xE;
	s4 =	sadd.s32 s25, s4;
	s2 =	smul.u32 s3, s2  }
0x69: {  	s30 =	sor.u32 $0x80, s29;
	s26 =	sand.u32 $0x4000, s5;
	s0 =	sadd.s32 s0, s4  }
0x6a: {  	s31 =	simm.s32 $0xE000;
	s0 =	sadd.s32 s1, s0;
	s2 =	sand.u32 $0x3FFFFFFF, s2  }
0x6b: {  	[tilespmem:s26], [sflag:$0x1] =	stream.strided.gather [hbm4b:s0+s30], s2, s31, s30, $0x38;
	[tilespmem:$0x10100] =	vst v63  }
.LBB1_3:
0x6c: {  	s0 =	sadd.s32 $0xFFFFFFFF, s20  }
0x6d: {  	p0 =	sge.u32 s0, s9  }
.Ltmp3:
0x6e: {  	_ = 	snop;
	(pc) =	sbr.rel @p0 .LBB1_19-.Ltmp3, $1  }
0x6f: {  	_ =	sdelay $0x3  }
0x70: {  	[dreg:$0x14] =	wrdreg s24  }
0x71: {  	[dreg:$0x13] =	wrdreg s23  }
0x72: {  	[dreg:$0x12] =	wrdreg s22  }
0x73: {  	[dreg:$0x11] =	wrdreg s21  }
0x74: {  	[dreg:$0xf] =	wrdreg s19  }
0x75: {  	[dreg:$0xe] =	wrdreg s18  }
0x76: {  	[dreg:$0xd] =	wrdreg s17  }
0x77: {  	[dreg:$0xb] =	wrdreg s15;
	s0 =	sshra.s32 s16, $0x1F  }
0x78: {  	p0 =	sgt.s32 s16, $0x1;
	s1 =	smov.u32 s16;
	s18 =	ssub.s32 $0x0, s14  }
0x79: {  	s2 =	sshra.s32 s14, $0x1F;
	p1 =	sgt.s32 s13, $0xDF;
	s3 =	smov.u32 s13  }
0x7a: {  	s4 =	sshra.s32 s13, $0x1F;
	p2 =	sgt.s32 s14, $0xFFFFFFE0;
	[dreg:$0x8] =	wrdreg s12  }
0x7b: {  	s5 =	smov.u32 s14;
	s24 =	ssub.s32 $0x0, s12;
	[dreg:$0xc] =	wrdreg s16  }
0x7c: {  	s25 =	sshra.s32 s12, $0x1F;
	[dreg:$0xa] =	wrdreg s14;
	s0 =	sand.u32 s0, s16  }
0x7d: {  	s1 =	simm.s32 @!p0 $0x1;
	s3 =	simm.s32 @!p1 $0xDF;
	s4 =	sand.u32 s4, s13  }
0x7e: {  	s2 =	sand.u32 s18, s2;
	s5 =	simm.s32 @!p2 $0xFFFFFFE0;
	p1 =	sgt.s32 s12, $0x80  }
0x7f: {  	s26 =	sand.u32 s24, s25;
	s0 =	sxor.u32 $0xFFFFFFFF, s0;
	s19 =	ssub.s32 s3, s4  }
0x80: {  	[dreg:$0x16] =	wrdreg s2;
	s21 =	sadd.s32 s2, s5;
	s5 =	smov.u32 s12  }
0x81: {  	s2 =	sadd.s32 $0x1, s16;
	s0 =	sadd.s32 s0, s1;
	s22 =	sadd.s32 $0xFFFFFF21, s19  }
0x82: {  	s23 =	sadd.s32 $0x20, s21;
	s7 =	ssub.s32 $0xE0, s19;
	s5 =	simm.s32 @!p1 $0x80  }
0x83: {  	p0 =	sgt.s32 s0, $0x0;
	s6 =	ssub.s32 $0x1, s0;
	p1 =	sgt.s32 s23, $0x7F  }
0x84: {  	s1 =	sadd.s32 s26, s5;
	s6 =	simm.s32 @p0 $0x0;
	p0 =	sgt.s32 s22, $0x0  }
0x85: {  	s0 =	ssub.s32 $0x60, s21;
	s27 =	sadd.s32 $0xFFFFFF80, s1;
	s7 =	simm.s32 @p0 $0x0  }
0x86: {  	s1 =	ssub.s32 $0x100, s1;
	p0 =	sgt.s32 s27, $0x7F;
	s28 =	smul.u32 s6, s7  }
0x87: {  	s0 =	simm.s32 @p1 $0x0;
	s1 =	simm.s32 @p0 $0x0;
	p0 =	slt.s32 s2, $0x2  }
0x88: {  	s3 =	sadd.s32 $0x80, s14;
	s2 =	simm.s32 @!p0 $0x2;
	s0 =	smul.u32 s0, s28  }
0x89: {  	[dreg:$0x9] =	wrdreg s13;
	p0 =	slt.s32 s3, $0x60;
	s2 =	ssub.s32 s2, s16  }
0x8a: {  	s3 =	simm.s32 @!p0 $0x60;
	s0 =	smul.u32 s1, s0;
	s1 =	sadd.s32 $0x1, s13  }
0x8b: {  	s3 =	ssub.s32 s3, s14;
	p0 =	slt.s32 s2, $0x1;
	p1 =	slt.s32 s1, $0xE0  }
0x8c: {  	[dreg:$0x10] =	wrdreg s20;
	s1 =	simm.s32 @!p1 $0xE0;
	p1 =	slt.s32 @!p0 s3, $0x1  }
0x8d: {  	[dreg:$0x18] =	wrdreg s26;
	s30 =	ssub.s32 s1, s13;
	p1 =	por p0, p1  }
0x8e: {  	[dreg:$0x15] =	wrdreg s6;
	p2 =	slt.s32 @!p1 s30, $0x1  }
0x8f: {  	[dreg:$0x17] =	wrdreg s7;
	p1 =	por p1, p2  }
.Ltmp4:
0x90: {  	s29 =	simm.s32 $0x1;
	[dreg:$0x1a] =	wrdreg s2;
	(pc) =	sbr.rel @p1 .LBB1_18-.Ltmp4, $4  }
0x91: {  	[dreg:$0x1b] =	wrdreg s3;
	s0 =	sand.u32 $0x3FFFFFFF, s0;
	s1 =	sand.u32 $0x1, s20  }
0x92: {  	_ =	swait.ge [sflag:s29], s0;
	s31 =	smul.u32 $0x4080, s1  }
0x93: {  	s0 =	ssub.s32 $0x0, s0;
	[sflag:s29] =	ssyncset.done $0x0  }
0x94: {  	[sflag:s29] =	ssyncadd.s32 s0;
	[dreg:$0x19] =	wrdreg s31  }
0x95: {  	s2 =	rddreg [dreg:$0x8]  }
0x96: {  	s0 =	sadd.s32 $0x80, s2  }
0x97: {  	p1 =	slt.s32 s0, $0xE0  }
.Ltmp5:
0x98: {  	s0 =	simm.s32 @!p1 $0xE0;
	(pc) =	sbr.rel .LBB1_6-.Ltmp5, $4  }
0x99: {  	s1 =	sshll.u32 @!p0 s1, $0xE;
	s0 =	ssub.s32 s0, s2  }
0x9a: {  	s9 =	simm.s32 $0x0;
	[dreg:$0x1c] =	wrdreg s1;
	s3 =	sadd.s32 $0xF, s0  }
0x9b: {  	s1 =	rddreg [dreg:$0x19];
	s31 =	sand.u32 $0xFFFFFFF0, s3;
	s0 =	sand.u32 @!p0 $0xFFFFFF00, s3  }
0x9c: {  	s2 =	sor.u32 @!p0 $0x8000, s1;
	p0 =	slt.s32 s3, $0x100;
	p1 =	sge.s32 s0, s31  }
.LBB1_17:
0x9d: {  	s9 =	sadd.s32 $0x1, s9;
	s1 =	rddreg [dreg:$0x1a]  }
0x9e: {  	p2 =	sne.s32 s9, s1  }
.Ltmp6:
0x9f: {  	_ = 	snop;
	(pc) =	sbr.rel @!p2 .LBB1_18-.Ltmp6, $1  }
0xa0: {  	_ =	sdelay $0x3  }
.LBB1_6:
.Ltmp7:
0xa1: {  	(pc) =	sbr.rel .LBB1_7-.Ltmp7, $4  }
0xa2: {  	_ = 	snop  }
0xa3: {  	s1 =	sshll.u32 s9, $0x10  }
0xa4: {  	s3 =	rddreg [dreg:$0x1c];
	s1 =	sshra.s32 s1, $0x2  }
0xa5: {  	s5 =	simm.s32 $0x0;
	s4 =	sadd.s32 s1, s3  }
.LBB1_16:
0xa6: {  	s5 =	sadd.s32 $0x1, s5;
	s1 =	rddreg [dreg:$0x1b]  }
0xa7: {  	p2 =	sne.s32 s5, s1  }
.Ltmp8:
0xa8: {  	_ = 	snop;
	(pc) =	sbr.rel @!p2 .LBB1_17-.Ltmp8, $1  }
0xa9: {  	_ =	sdelay $0x3  }
.LBB1_7:
0xaa: {  	s8 =	sshrl.u32 s5, $0x4  }
0xab: {  	s1 =	sshll.u32 s5, $0x3;
	s6 =	sand.u32 $0x78, s8  }
0xac: {  	s7 =	sadd.s32 $0x800, s1;
	s11 =	sadd.s32 $0x1000, s1;
	s12 =	sadd.s32 $0x1800, s1  }
0xad: {  	s25 =	sadd.s32 $0x2800, s1;
	s28 =	sadd.s32 $0x3000, s1;
	s1 =	sadd.s32 $0x3800, s1  }
0xae: {  	s10 =	smul.u32 $0x204, s6;
	s7 =	sshrl.u32 s7, $0x7;
	s6 =	sxor.u32 $0x40, s6  }
0xaf: {  	s11 =	sshrl.u32 s11, $0x7;
	s7 =	sand.u32 $0x78, s7;
	s14 =	smul.u32 $0x204, s6  }
0xb0: {  	s22 =	sshrl.u32 s12, $0x7;
	s21 =	sand.u32 $0x78, s11;
	s13 =	smul.u32 $0x204, s7  }
0xb1: {  	s26 =	sshrl.u32 s25, $0x7;
	s24 =	sand.u32 $0x78, s22;
	s23 =	smul.u32 $0x204, s21  }
0xb2: {  	s1 =	sshrl.u32 s1, $0x7;
	s6 =	sand.u32 $0x78, s26;
	s11 =	smul.u32 $0x204, s24  }
0xb3: {  	s3 =	sshll.u32 s5, $0x9;
	s1 =	sand.u32 $0x78, s1;
	s15 =	smul.u32 $0x204, s6  }
0xb4: {  	s27 =	simm.s32 $0x0;
	s3 =	sshra.s32 s3, $0x2;
	s1 =	smul.u32 $0x204, s1  }
.Ltmp9:
0xb5: {  	s3 =	sadd.s32 s3, s4;
	s7 =	sshrl.u32 s28, $0x7;
	(pc) =	sbr.rel .LBB1_8-.Ltmp9, $4  }
0xb6: {  	s24 =	sshrl.u32 s10, $0x2;
	s29 =	sand.u32 $0x78, s7;
	s7 =	sand.u32 $0x7F, s5  }
0xb7: {  	s20 =	sshrl.u32 s14, $0x2;
	s16 =	smul.u32 $0x204, s29;
	s6 =	sadd.s32 s7, s2  }
0xb8: {  	s26 =	sshrl.u32 s13, $0x2;
	s23 =	sshrl.u32 s23, $0x2;
	s25 =	sshrl.u32 s11, $0x2  }
0xb9: {  	s19 =	sshrl.u32 s15, $0x2;
	s14 =	sshrl.u32 s1, $0x2;
	s11 =	sshrl.u32 s16, $0x2  }
.LBB1_15:
0xba: {  	s27 =	sadd.s32 $0x1, s27  }
0xbb: {  	p2 =	sne.s32 s27, s30  }
.Ltmp10:
0xbc: {  	_ = 	snop;
	(pc) =	sbr.rel @!p2 .LBB1_16-.Ltmp10, $1  }
0xbd: {  	_ =	sdelay $0x3  }
.LBB1_8:
.Ltmp11:
0xbe: {  	(pc) =	sbr.rel @p0 .LBB1_12-.Ltmp11, $2  }
0xbf: {  	_ =	sdelay $0x2  }
0xc0: {  	s21 =	sshll.u32 s27, $0x7;
	s22 =	sadd.s32 s9, s27  }
0xc1: {  	s1 =	smul.u32 $0x10200, s22;
	s10 =	sand.u32 $0x380, s21  }
0xc2: {  	s10 =	sadd.s32 s10, s3  }
0xc3: {  	s1 =	sshra.s32 s1, $0x2;
	v1 =	vld [tilespmem:s10+$0x50]  }
0xc4: {  	v2 =	vld [tilespmem:s10+$0x40];
	s1 =	sadd.s32 s1, s2  }
0xc5: {  	v4 =	vld [tilespmem:s10+$0x30];
	s12 =	sadd.s32 s24, s1;
	s15 =	sadd.s32 s26, s1  }
0xc6: {  	v5 =	vld [tilespmem:s10+$0x20];
	s28 =	sadd.s32 s20, s1;
	s13 =	sadd.s32 s7, s12;
	s12 =	sadd.s32 s19, s1  }
0xc7: {  	v6 =	vld [tilespmem:s10+$0x10];
	s16 =	sadd.s32 s7, s15;
	s15 =	sadd.s32 s23, s1;
	s12 =	sadd.s32 s7, s12  }
0xc8: {  	v7 =	vld [tilespmem:s10+$0x0];
	s17 =	sadd.s32 s25, s1;
	s18 =	sadd.s32 s7, s15;
	s15 =	sadd.s32 s7, s28;
	[tilespmem:s12+$0x0 ss:$0x81] =	vst.msk $0xffff, v1  }
0xc9: {  	s17 =	sadd.s32 s7, s17;
	[tilespmem:s15+$0x0 ss:$0x81] =	vst.msk $0xffff, v2  }
0xca: {  	[tilespmem:s17+$0x0 ss:$0x81] =	vst.msk $0xffff, v4  }
0xcb: {  	[tilespmem:s18+$0x0 ss:$0x81] =	vst.msk $0xffff, v5  }
0xcc: {  	v0 =	vld [tilespmem:s10+$0x70];
	[tilespmem:s16+$0x0 ss:$0x81] =	vst.msk $0xffff, v6  }
0xcd: {  	p2 =	sgt.s32 s0, $0x100;
	v3 =	vld [tilespmem:s10+$0x60];
	[tilespmem:s13+$0x0 ss:$0x81] =	vst.msk $0xffff, v7  }
.Ltmp12:
0xce: {  	[tilespmem:s13+$0x0 ss:$0x81] =	vst.msk $0xffff, v7;
	(pc) =	sbr.rel @!p2 .LBB1_11-.Ltmp12, $4  }
0xcf: {  	s28 =	sadd.s32 s11, s1;
	s1 =	sadd.s32 s14, s1;
	[tilespmem:s16+$0x0 ss:$0x81] =	vst.msk $0xffff, v6  }
0xd0: {  	s1 =	sadd.s32 s7, s1;
	[tilespmem:s18+$0x0 ss:$0x81] =	vst.msk $0xffff, v5  }
0xd1: {  	s28 =	sadd.s32 s7, s28;
	[tilespmem:s1+$0x0 ss:$0x81] =	vst.msk $0xffff, v0  }
0xd2: {  	s29 =	simm.s32 $0x100;
	[tilespmem:s28+$0x0 ss:$0x81] =	vst.msk $0xffff, v3  }
.LBB1_10:
0xd3: {  	v5 =	vld [tilespmem:s10+$0x70];
	[tilespmem:s17+$0x0 ss:$0x81] =	vst.msk $0xffff, v4  }
0xd4: {  	v6 =	vld [tilespmem:s10+$0x60];
	[tilespmem:s15+$0x0 ss:$0x81] =	vst.msk $0xffff, v2  }
0xd5: {  	[tilespmem:s12+$0x0 ss:$0x81] =	vst.msk $0xffff, v1;
	v1 =	vld [tilespmem:s10+$0x50]  }
0xd6: {  	v2 =	vld [tilespmem:s10+$0x40];
	[tilespmem:s28+$0x0 ss:$0x81] =	vst.msk $0xffff, v3  }
0xd7: {  	v4 =	vld [tilespmem:s10+$0x30];
	[tilespmem:s1+$0x0 ss:$0x81] =	vst.msk $0xffff, v0  }
0xd8: {  	v7 =	vld [tilespmem:s10+$0x20];
	[tilespmem:s1+$0x0 ss:$0x81] =	vst.msk $0xffff, v5;
	v0 =	vmov v5  }
0xd9: {  	v5 =	vld [tilespmem:s10+$0x10];
	[tilespmem:s28+$0x0 ss:$0x81] =	vst.msk $0xffff, v6;
	v3 =	vmov v6  }
0xda: {  	s29 =	sadd.s32 $0x100, s29;
	v6 =	vld [tilespmem:s10+$0x0];
	[tilespmem:s12+$0x0 ss:$0x81] =	vst.msk $0xffff, v1  }
0xdb: {  	p2 =	slt.s32 s29, s0;
	[tilespmem:s15+$0x0 ss:$0x81] =	vst.msk $0xffff, v2  }
0xdc: {  	[tilespmem:s17+$0x0 ss:$0x81] =	vst.msk $0xffff, v4  }
0xdd: {  	[tilespmem:s18+$0x0 ss:$0x81] =	vst.msk $0xffff, v7  }
.Ltmp13:
0xde: {  	[tilespmem:s16+$0x0 ss:$0x81] =	vst.msk $0xffff, v5;
	(pc) =	sbr.rel @p2 .LBB1_10-.Ltmp13, $4  }
0xdf: {  	[tilespmem:s13+$0x0 ss:$0x81] =	vst.msk $0xffff, v6  }
0xe0: {  	[tilespmem:s13+$0x0 ss:$0x81] =	vst.msk $0xffff, v6  }
0xe1: {  	[tilespmem:s16+$0x0 ss:$0x81] =	vst.msk $0xffff, v5  }
0xe2: {  	[tilespmem:s18+$0x0 ss:$0x81] =	vst.msk $0xffff, v7  }
.LBB1_11:
0xe3: {  	[tilespmem:s17+$0x0 ss:$0x81] =	vst.msk $0xffff, v4  }
0xe4: {  	[tilespmem:s15+$0x0 ss:$0x81] =	vst.msk $0xffff, v2  }
0xe5: {  	[tilespmem:s12+$0x0 ss:$0x81] =	vst.msk $0xffff, v1  }
0xe6: {  	[tilespmem:s28+$0x0 ss:$0x81] =	vst.msk $0xffff, v3  }
0xe7: {  	[tilespmem:s1+$0x0 ss:$0x81] =	vst.msk $0xffff, v0  }
.LBB1_12:
.Ltmp14:
0xe8: {  	(pc) =	sbr.rel @p1 .LBB1_15-.Ltmp14, $1  }
0xe9: {  	_ =	sdelay $0x3  }
0xea: {  	s10 =	sand.u32 $0x380, s21  }
0xeb: {  	s1 =	smul.u32 $0x10200, s22;
	s10 =	sadd.s32 s10, s3  }
0xec: {  	v0 =	vmov s10  }
0xed: {  	s1 =	sshra.s32 s1, $0x2  }
0xee: {  	s10 =	smov.u32 s0;
	s1 =	sadd.s32 s1, s6  }
.LBB1_14:
0xef: {  	s13 =	sadd.s32 s10, s8  }
0xf0: {  	s12 =	sand.u32 $0x70, s10;
	s10 =	sadd.s32 $0x10, s10;
	s29 =	sand.u32 $0x78, s13  }
0xf1: {  	v1 =	vld.idx.msk [tilespmem:v0+s12+$0x0 ss:$0x1], $0xffff;
	p2 =	slt.s32 s10, s31;
	s12 =	smul.u32 $0x204, s29  }
.Ltmp15:
0xf2: {  	_ = 	snop;
	(pc) =	sbr.rel @p2 .LBB1_14-.Ltmp15, $4  }
0xf3: {  	_ = 	snop  }
0xf4: {  	s12 =	sshrl.u32 s12, $0x2  }
0xf5: {  	s12 =	sadd.s32 s12, s1  }
0xf6: {  	[tilespmem:s12+$0x0 ss:$0x81] =	vst.msk $0xffff, v1  }
.Ltmp16:
0xf7: {  	_ = 	snop;
	(pc) =	sbr.rel .LBB1_15-.Ltmp16, $1  }
0xf8: {  	_ =	sdelay $0x3  }
.LBB1_20:
0xf9: {  	_ =	sfence.sel $0x180000  }
0xfa: {  	s0 =	simm.s32 $0x1;
	[bflag:$0x0] =	sbarrier.arrive $0xFFFF  }
0xfb: {  	s30 =	simm.s32 $0x2;
	[sflag:s0] =	ssyncpa.u1 $0x1  }
0xfc: {  	[sflag:s30] =	ssyncpa.u1 $0x1  }
0xfd: {  	_ =	strace $0x90000047  }
0xfe: {  	s31 =	stileid.u32;
	[bflag:$0x2] =	sbarrier.arrive $0xFFFF  }
0xff: {  	p0 =	sne.s32 s31, $0x0;
	s0 =	rddreg [dreg:$0x2]  }
0x100: {  	s0 =	sadd.s32 @!p0 $0x100000, s0  }
0x101: {  	[sflag:s0] =	ssyncadd.tile.s32 @!p0 $0x1;
	_ =	shalt  }
.Lfunc_end1:
_tile_overlayer_lowered:
.L_overlay_start_2:
0x102: {  	(tag) =	ssettag $0x2  }
0x103: {  	s0 =	rddreg [dreg:$0x0];
	s2 =	stileid.u32  }
0x104: {  	s1 =	rddreg [dreg:$0x1];
	p0 =	sne.s32 s2, $0x0  }
0x105: {  	s3 =	rddreg [dreg:$0x2];
	[bflag:$0x3] =	sbarrier.arrive $0xFFFF;
	s2 =	simm.s32 @!p0 $0x1C01  }
0x106: {  	[timem:s3], [sflag:s2] =	dma.local @!p0 [hbm:s0], s1  }
0x107: {  	s0 =	simm.s32 @!p0 $0x1  }
0x108: {  	_ =	swait.ge @!p0 [sflag:s0], s1  }
0x109: {  	s1 =	ssub.s32 @!p0 $0x0, s1;
	[sflag:s0] =	ssyncset.done @!p0 $0x0  }
0x10a: {  	[sflag:s0] =	ssyncadd.s32 @!p0 s1  }
0x10b: {  	[bflag:$0x3] =	sbarrier.arrive $0xFFFF  }
0x10c: {  	_ =	shalt  }

// kernel: sparse-core-data-format-call.cloned.1.call-start
scs
called_computation_lowered:
.L_overlay_start_0:
0x0: {  	s2 =	sld [smem:$0x3FD9]  }
0x1: {  	s3 =	sld [smem:$0x3FFE];
	_ =	sdelay $0x1  }
0x2: {  	s1 =	srdreg.scid  }
0x3: {  	s0 =	sand.u32 $0x1, s1  }
0x4: {  	s18 =	sshll.u32 s0, $0xA;
	s2 =	sadd.s32 s3, s2  }
0x5: {  	s2 =	sadd.s32 s2, s18  }
0x6: {  	[smem:$0x3FC1] =	sst s2  }
0x7: {  	_ = 	snop  }
0x8: {  	s2 =	sld [smem:$0x3FD0];
	(tm) =	ssettm $0x1  }
0x9: {  	s19 =	sld [smem:$0x3FFB];
	_ =	sdelay $0x3  }
0xa: {  	_ =	strace s19  }
0xb: {  	s3 =	sld [smem:$0x3FFC];
	_ =	sdelay $0x3  }
0xc: {  	_ =	strace s3  }
0xd: {  	s3 =	sld [smem:$0x3FFD];
	_ =	sdelay $0x3  }
0xe: {  	_ =	strace s3  }
0xf: {  	_ =	strace $0x8FFFFFFF  }
0x10: {  	s20 =	sld [smem:$0x3FDB];
	_ =	sdelay $0x1  }
0x11: {  	s4 =	simm.s32 $_scs_section_size  }
0x12: {  	s5 =	simm.s32 $_size__tile_overlayer_lowered;
	s6 =	simm.s32 $_tile_overlayer_lowered  }
0x13: {  	s23 =	simm.s32 $0x1BFF;
	s22 =	sshll.u32 s6, $0x1;
	s3 =	sadd.s32 s4, s20  }
0x14: {  	s7 =	simm.s32 $0x0;
	s21 =	sshll.u32 s5, $0x1;
	s5 =	sadd.s32 s22, s3  }
0x15: {  	[timem:s7], [sflag:s23] =	dma.local [hbm:s5], s21  }
0x16: {  	_ =	swait.ge [sflag:s23], s21  }
0x17: {  	s4 =	ssub.s32 $0x0, s21;
	[sflag:s23] =	ssyncset.done $0x0  }
0x18: {  	[sflag:s23] =	ssyncadd.s32 s4;
	_ =	sdelay $0x1  }
0x19: {  	s24 =	simm.s32 $0x1B8B  }
0x1a: {  	_ =	swait.ge [sflag:s24], $0x1  }
0x1b: {  	[sflag:s24] =	ssyncset.done $0x0  }
0x1c: {  	s26 =	simm.s32 $0x1B8E;
	s25 =	sld [smem:$0x3FFE];
	[sflag:s24] =	ssyncadd.s32 $0xFFFFFFFF  }
0x1d: {  	s27 =	simm.s32 $execute0_lowered;
	[smem:$0x3FD2] =	sst s26  }
0x1e: {  	s5 =	sshll.u32 s27, $0x1;
	_ =	strace $0x80000052;
	[dreg:$0x1] =	wrdreg $0xFFFFFFFF  }
0x1f: {  	s28 =	simm.s32 $_size_execute0_lowered;
	s3 =	sadd.s32 s3, s5;
	[dreg:$0x0] =	wrdreg $0x0  }
0x20: {  	s5 =	sshll.u32 s28, $0x1;
	[dreg:$0x2] =	wrdreg s3  }
0x21: {  	[dreg:$0x3] =	wrdreg s5  }
0x22: {  	[dreg:$0x4] =	wrdreg $0xC0  }
0x23: {  	_ =	task [dreg:s7], $0x5FFFF  }
0x24: {  	[dreg:$0x1] =	wrdreg $0xFFFFFFFF  }
0x25: {  	[dreg:$0x0] =	wrdreg $0x60  }
0x26: {  	[dreg:$0x2] =	wrdreg s25  }
0x27: {  	[dreg:$0x3] =	wrdreg s2  }
0x28: {  	[dreg:$0x4] =	wrdreg $0x9  }
0x29: {  	_ =	task.clear_ibuf [dreg:s7], $0x5FFFF;
	_ =	strace $0x90000052  }
0x2a: {  	s29 =	simm.s32 $0x9;
	_ =	strace $0x80000054  }
0x2b: {  	_ =	swait.ge [sflag:s29], $0x1  }
0x2c: {  	[sflag:s29] =	ssyncadd.s32 $0xFFFFFFFF  }
0x2d: {  	_ =	strace $0x90000054  }
0x2e: {  	_ =	sfence  }
0x2f: {  	s30 =	sld [smem:$0x0];
	_ =	sdelay $0x2  }
0x30: {  	s31 =	sshll.u32 s1, $0xD;
	s1 =	sshrl.u32 s1, $0x2  }
0x31: {  	s3 =	sand.u32 $0x4000, s31;
	s1 =	sadd.s32 s1, s30  }
0x32: {  	s0 =	sor.u32 s3, s0;
	s1 =	sshll.u32 s1, $0x11  }
0x33: {  	s0 =	sor.u32 s1, s0  }
0x34: {  	s0 =	sadd.s32 $0x8F2B, s0  }
0x35: {  	[sflag:s0] =	ssyncadd.remote.s32 $0x1  }
0x36: {  	_ =	sfence.sel $0xFFFF  }
0x37: {  	[dreg:$0x0] =	wrdreg $0xFFFFFFFF;
	(pc) =	sbr.abs _section_cstart, $3  }
0x38: {  	[dreg:$0x1] =	wrdreg $0xFFFFFFFF  }
0x39: {  	_ =	task.clear_ibuf [dreg:s7], $0x2FFFF;
	_ =	strace $0x9FFFFFFF  }
0x3a: {  	(tm) =	ssettm $0x7FFFFFFF  }
0x3b: {  	_ =	shalt  }
tec
execute0_lowered:
.L_overlay_start_1:
0x0: {  	(tag) =	ssettag $0x1  }
0x1: {  	s0 =	rddreg [dreg:$0x0];
	s4 =	stileid.u32;
	_ =	strace $0x80000053  }
0x2: {  	s2 =	srdreg.scid;
	s30 =	simm.s32 $0x1;
	s31 =	simm.s32 $0x2  }
0x3: {  	s18 =	simm.s32 $0x0;
	s19 =	simm.s32 $0x0;
	s20 =	simm.s32 $0x0  }
0x4: {  	s10 =	simm.s32 $0x0;
	s11 =	simm.s32 $0x0;
	s17 =	simm.s32 $0x0  }
0x5: {  	s12 =	simm.s32 $0x0;
	s6 =	sand.u32 $0x1, s4;
	s29 =	sshll.u32 s2, $0x4  }
0x6: {  	s7 =	sadd.s32 $0xAC1000, s0;
	s1 =	ssub.s32 $0x2, s6;
	s0 =	sand.u32 $0x10, s29  }
0x7: {  	[dreg:$0x3] =	wrdreg s6;
	s3 =	sshrl.u32 s1, $0x1;
	s1 =	sand.u32 $0x1, s1  }
.Ltmp0:
0x8: {  	s0 =	sor.u32 s4, s0;
	s1 =	sadd.s32 s1, s3;
	(pc) =	sbr.rel .LBB1_1-.Ltmp0, $4  }
0x9: {  	[dreg:$0x4] =	wrdreg s7;
	s9 =	sshrl.u32 s0, $0x1;
	s8 =	smul.u32 $0x1C, s1  }
0xa: {  	s16 =	simm.s32 $0x0;
	[sflag:s30] =	ssyncpa.u1 $0x0;
	[dreg:$0x6] =	wrdreg s9  }
0xb: {  	[sflag:s31] =	ssyncpa.u1 $0x0;
	s13 =	sor.u32 $0x1, s8;
	[dreg:$0x5] =	wrdreg s8  }
0xc: {  	s15 =	smov.u32 s6;
	s14 =	smov.u32 s9;
	[dreg:$0x7] =	wrdreg s13  }
.LBB1_13:
0xd: {  	s4 =	rddreg [dreg:$0xd]  }
0xe: {  	s23 =	rddreg [dreg:$0xc]  }
0xf: {  	s17 =	rddreg [dreg:$0x8]  }
0x10: {  	s26 =	rddreg [dreg:$0x1]  }
0x11: {  	s29 =	rddreg [dreg:$0xe]  }
0x12: {  	s0 =	sshll.u32 s11, $0x8;
	s1 =	sshll.u32 s10, $0x3;
	s6 =	rddreg [dreg:$0x3]  }
0x13: {  	p0 =	sgt.s32 s10, $0x80;
	s2 =	smov.u32 s10;
	s7 =	rddreg [dreg:$0x4]  }
0x14: {  	s3 =	sshll.u32 s11, $0x7;
	s24 =	sand.u32 $0x78, s10;
	s8 =	rddreg [dreg:$0x5]  }
0x15: {  	s27 =	sand.u32 $0x7, s10;
	s31 =	simm.s32 $0xE000;
	s9 =	rddreg [dreg:$0x6]  }
0x16: {  	s0 =	sand.u32 $0xFFFFF800, s0;
	s1 =	sand.u32 $0xFFFFFC00, s1;
	s2 =	simm.s32 @!p0 $0x80  }
0x17: {  	s20 =	sand.u32 $0x300, s3;
	s0 =	sadd.s32 s0, s1;
	s2 =	sadd.s32 s4, s2  }
0x18: {  	s5 =	smul.u32 $0xA8000, s17;
	s0 =	sor.u32 s20, s0;
	s21 =	sadd.s32 $0xFFFFFF80, s2  }
0x19: {  	s1 =	ssub.s32 $0x100, s2;
	s0 =	sshrl.u32 s0, $0x8;
	p0 =	sgt.s32 s21, $0x7F  }
0x1a: {  	s13 =	rddreg [dreg:$0x7];
	s22 =	smulhi.u32 $0x124924A, s0;
	s1 =	simm.s32 @p0 $0x0  }
0x1b: {  	s18 =	rddreg [dreg:$0x9];
	s3 =	sand.u32 $0x80, s3;
	s1 =	smul.u32 s1, s23  }
0x1c: {  	s19 =	rddreg [dreg:$0xa];
	s3 =	sor.u32 s24, s3;
	s2 =	smul.u32 $0xE0, s22  }
0x1d: {  	s28 =	sshll.u32 s27, $0x12;
	s4 =	sor.u32 $0x8000, s29;
	s25 =	sshrl.u32 s3, $0x3  }
0x1e: {  	s3 =	sadd.s32 s26, s5;
	s1 =	smul.u32 $0x60, s1;
	s0 =	ssub.s32 s0, s2  }
0x1f: {  	s30 =	sor.u32 $0x80, s28;
	s2 =	sadd.s32 s25, s3;
	s0 =	sshll.u32 s0, $0x5  }
0x20: {  	s20 =	rddreg [dreg:$0xb];
	s1 =	sand.u32 $0x3FFFFFE0, s1;
	s0 =	sadd.s32 s0, s2  }
0x21: {  	[hbm4b:s0+s30] =	stream.strided.scatter [tilespmem:s4], [sflag:$0x2], s1, s31, s30, $0x20;
	[tilespmem:$0x10100] =	vst v63  }
.LBB1_14:
0x22: {  	p0 =	slt.u32 s16, $0x2  }
0x23: {  	s0 =	smov.u32 s20;
	s2 =	smov.u32 s19;
	p1 =	sgt.s32 @!p0 s20, $0x1  }
0x24: {  	s1 =	sshra.s32 @!p0 s20, $0x1F;
	s3 =	sshra.s32 @!p0 s19, $0x1F;
	p1 =	por !p1, p0  }
0x25: {  	s1 =	sand.u32 @!p0 s1, s20;
	s0 =	simm.s32 @p1 $0x1;
	p1 =	sgt.s32 @!p0 s19, $0xDF  }
0x26: {  	p2 =	sgt.s32 @!p0 s18, $0x80;
	s1 =	sxor.u32 @!p0 $0xFFFFFFFF, s1;
	p1 =	por !p1, p0  }
0x27: {  	s0 =	sadd.s32 @!p0 s1, s0;
	s1 =	sand.u32 @!p0 s3, s19;
	s2 =	simm.s32 @p1 $0xDF  }
0x28: {  	p2 =	por !p2, p0;
	s3 =	smov.u32 s18;
	s1 =	ssub.s32 @!p0 s2, s1  }
0x29: {  	p1 =	sgt.s32 @!p0 s0, $0x0;
	s0 =	ssub.s32 @!p0 $0x1, s0;
	s2 =	sadd.s32 @!p0 $0xFFFFFF21, s1  }
0x2a: {  	s3 =	simm.s32 @p2 $0x80;
	p2 =	sgt.s32 @!p0 s2, $0x0;
	s2 =	sshra.s32 @!p0 s18, $0x1F  }
0x2b: {  	s0 =	smul.u32 @!p0 $0x60, s0;
	p1 =	por !p1, p0;
	s2 =	sand.u32 @!p0 s2, s18  }
0x2c: {  	s1 =	ssub.s32 @!p0 $0xE0, s1;
	p2 =	por !p2, p0;
	s2 =	ssub.s32 @!p0 s3, s2  }
0x2d: {  	s0 =	simm.s32 @!p1 $0x0;
	s1 =	simm.s32 @!p2 $0x0;
	s3 =	sadd.s32 @!p0 $0xFFFFFF80, s2  }
0x2e: {  	s4 =	smov.u32 s14;
	s0 =	smul.u32 @!p0 s0, s1;
	p1 =	sgt.s32 @!p0 s3, $0x7F  }
0x2f: {  	s1 =	ssub.s32 @!p0 $0x100, s2;
	s2 =	sadd.s32 $0x80, s12;
	p1 =	por !p1, p0  }
0x30: {  	s3 =	sadd.s32 $0x10, s14;
	s1 =	simm.s32 @!p1 $0x0;
	p1 =	sgt.s32 s2, $0xDF  }
0x31: {  	s0 =	smul.u32 @!p0 s1, s0;
	s4 =	smov.u32 @p1 s3  }
0x32: {  	s1 =	sadd.s32 $0x2, s15;
	s3 =	smov.u32 s15;
	p2 =	sgt.s32 s4, $0xDF  }
0x33: {  	s20 =	smov.u32 s17;
	s3 =	smov.u32 @p2 s1  }
0x34: {  	s17 =	smov.u32 s15;
	s2 =	simm.s32 @p1 $0x0;
	p1 =	sgt.s32 s3, $0x1  }
0x35: {  	s19 =	smov.u32 s11;
	s3 =	smov.u32 @p1 s6;
	p1 =	sne.s32 s16, s13  }
.Ltmp1:
0x36: {  	s11 =	smov.u32 s14;
	s18 =	smov.u32 s10;
	(pc) =	sbr.rel @!p1 .LBB1_15-.Ltmp1, $4  }
0x37: {  	s10 =	smov.u32 s12;
	s0 =	sand.u32 @!p0 $0x3FFFFFE0, s0;
	s1 =	simm.s32 @!p0 $0x2  }
0x38: {  	s12 =	smov.u32 s2;
	s4 =	smov.u32 @p2 s9;
	_ =	swait.ge @!p0 [sflag:s1], s0  }
0x39: {  	s0 =	ssub.s32 @!p0 $0x0, s0;
	s14 =	smov.u32 s4;
	[sflag:s1] =	ssyncset.done @!p0 $0x0  }
0x3a: {  	s16 =	sadd.s32 $0x1, s16;
	[sflag:s1] =	ssyncadd.s32 @!p0 s0;
	s15 =	smov.u32 s3  }
.LBB1_1:
0x3b: {  	p0 =	sge.u32 s16, s8;
	s2 =	smov.u32 s15;
	s4 =	smov.u32 s14  }
0x3c: {  	s31 =	sadd.s32 $0xFFFFFFFF, s16;
	s0 =	sand.u32 @!p0 $0x1FFFFFF, s12;
	p1 =	sgt.s32 @!p0 s15, $0x1  }
0x3d: {  	s3 =	sshra.s32 @!p0 s15, $0x1F;
	s5 =	sshra.s32 @!p0 s14, $0x1F;
	s1 =	smulhi.u32 @!p0 $0x2492493, s0  }
0x3e: {  	p1 =	por !p1, p0;
	s3 =	sand.u32 @!p0 s3, s15;
	s5 =	sand.u32 @!p0 s5, s14  }
0x3f: {  	s2 =	simm.s32 @p1 $0x1;
	p1 =	sgt.s32 @!p0 s14, $0xDF;
	s3 =	sxor.u32 @!p0 $0xFFFFFFFF, s3  }
0x40: {  	s1 =	sshrl.u32 @!p0 s1, $0x1;
	p1 =	por !p1, p0;
	s2 =	sadd.s32 @!p0 s3, s2  }
0x41: {  	s1 =	smul.u32 @!p0 $0xE0, s1;
	s4 =	simm.s32 @p1 $0xDF;
	p1 =	sgt.s32 @!p0 s12, $0x60  }
0x42: {  	p2 =	sgt.s32 @!p0 s2, $0x0;
	s2 =	sshll.u32 @!p0 s2, $0x7;
	s3 =	ssub.s32 @!p0 s4, s5  }
0x43: {  	p1 =	por !p1, p0;
	s4 =	smov.u32 s12;
	s5 =	sadd.s32 @!p0 $0xFFFFFF21, s3  }
0x44: {  	s4 =	simm.s32 @p1 $0x60;
	p1 =	sgt.s32 @!p0 s5, $0x0;
	s5 =	sshra.s32 @!p0 s12, $0x1F  }
0x45: {  	s2 =	ssub.s32 @!p0 $0x80, s2;
	p2 =	por !p2, p0;
	s5 =	sand.u32 @!p0 s5, s12  }
0x46: {  	s3 =	ssub.s32 @!p0 $0xE0, s3;
	p1 =	por !p1, p0;
	s4 =	ssub.s32 @!p0 s4, s5  }
0x47: {  	s2 =	simm.s32 @!p2 $0x0;
	s3 =	simm.s32 @!p1 $0x0;
	s5 =	sadd.s32 @!p0 $0xFFFFFFA0, s4  }
0x48: {  	s0 =	ssub.s32 @!p0 s0, s1;
	s2 =	smul.u32 @!p0 s3, s2;
	p1 =	sgt.s32 @!p0 s5, $0x7F  }
0x49: {  	s3 =	ssub.s32 @!p0 $0xE0, s4;
	s4 =	smul.u32 @!p0 $0xC4000, s15;
	p1 =	por !p1, p0  }
0x4a: {  	s1 =	smul.u32 @!p0 $0xE00, s14;
	s5 =	sxor.u32 @!p0 $0xFFFFFFFF, s16;
	s3 =	simm.s32 @!p1 $0x0  }
0x4b: {  	s5 =	sshll.u32 @!p0 s5, $0xE;
	s2 =	smul.u32 @!p0 s3, s2;
	s3 =	sadd.s32 @!p0 s7, s4  }
0x4c: {  	s0 =	sshll.u32 @!p0 s0, $0x4;
	s4 =	sand.u32 @!p0 $0x4000, s5;
	s1 =	sadd.s32 @!p0 s1, s3  }
0x4d: {  	s2 =	sand.u32 @!p0 $0x3FFFFF80, s2;
	s0 =	sadd.s32 @!p0 s0, s1;
	s1 =	simm.s32 @!p0 $0x0  }
0x4e: {  	[tilespmem:s4], [sflag:$0x1] =	stream.linear.gather @!p0 [hbm4b:s0+s1], s2, $0x38;
	[tilespmem:$0x10100] =	vst v63  }
0x4f: {  	p0 =	sge.u32 s31, s8  }
.Ltmp2:
0x50: {  	_ = 	snop;
	(pc) =	sbr.rel @p0 .LBB1_14-.Ltmp2, $1  }
0x51: {  	_ =	sdelay $0x3  }
0x52: {  	p0 =	sgt.s32 s17, $0x1  }
0x53: {  	s0 =	sshra.s32 s17, $0x1F;
	p1 =	sgt.s32 s11, $0xDF;
	s1 =	smov.u32 s11  }
0x54: {  	s2 =	sshra.s32 s11, $0x1F;
	s3 =	smov.u32 s17;
	s24 =	ssub.s32 $0x0, s10  }
0x55: {  	s25 =	sshra.s32 s10, $0x1F;
	p2 =	sgt.s32 s10, $0x60;
	s4 =	smov.u32 s10  }
0x56: {  	s0 =	sand.u32 s0, s17;
	s1 =	simm.s32 @!p1 $0xDF;
	s2 =	sand.u32 s2, s11  }
0x57: {  	s3 =	simm.s32 @!p0 $0x1;
	s0 =	sxor.u32 $0xFFFFFFFF, s0;
	s1 =	ssub.s32 s1, s2  }
0x58: {  	s4 =	simm.s32 @!p2 $0x60;
	s0 =	sadd.s32 s0, s3;
	s2 =	sadd.s32 $0xFFFFFF21, s1  }
0x59: {  	s1 =	ssub.s32 $0xE0, s1;
	p0 =	sgt.s32 s0, $0x0;
	s0 =	ssub.s32 $0x1, s0  }
0x5a: {  	p1 =	sgt.s32 s2, $0x0;
	s2 =	sand.u32 s24, s25;
	s0 =	simm.s32 @p0 $0x0  }
0x5b: {  	s1 =	simm.s32 @p1 $0x0;
	[dreg:$0xd] =	wrdreg s2;
	s2 =	sadd.s32 s2, s4  }
0x5c: {  	s26 =	smul.u32 s0, s1;
	s27 =	sadd.s32 $0xFFFFFFA0, s2  }
0x5d: {  	s0 =	ssub.s32 $0xE0, s2;
	s1 =	sadd.s32 $0x1, s17;
	p0 =	sgt.s32 s27, $0x7F  }
0x5e: {  	s2 =	sadd.s32 $0x1, s11;
	s0 =	simm.s32 @p0 $0x0;
	p0 =	slt.s32 s1, $0x2  }
0x5f: {  	s1 =	simm.s32 @!p0 $0x2;
	p0 =	slt.s32 s2, $0xE0  }
0x60: {  	s23 =	ssub.s32 s1, s17;
	s2 =	simm.s32 @!p0 $0xE0;
	s1 =	sadd.s32 $0x80, s10  }
0x61: {  	s24 =	ssub.s32 s2, s11;
	p1 =	slt.s32 s1, $0xE0;
	p0 =	slt.s32 s23, $0x1  }
0x62: {  	[dreg:$0xb] =	wrdreg s20;
	s1 =	simm.s32 @!p1 $0xE0;
	p1 =	slt.s32 @!p0 s24, $0x1  }
0x63: {  	[dreg:$0xa] =	wrdreg s19;
	s25 =	ssub.s32 s1, s10;
	p1 =	por p0, p1  }
0x64: {  	[dreg:$0x9] =	wrdreg s18;
	s0 =	smul.u32 s0, s26;
	p2 =	slt.s32 @!p1 s25, $0x1  }
0x65: {  	[dreg:$0x8] =	wrdreg s17;
	p1 =	por p1, p2  }
.Ltmp3:
0x66: {  	s29 =	simm.s32 $0x1;
	s0 =	sshll.u32 s0, $0x7;
	(pc) =	sbr.rel @p1 .LBB1_13-.Ltmp3, $4  }
0x67: {  	[dreg:$0xc] =	wrdreg s26;
	s28 =	sand.u32 $0x3FFFFF80, s0;
	s0 =	sand.u32 $0x1, s16  }
0x68: {  	_ =	swait.ge [sflag:s29], s28;
	s31 =	smul.u32 $0x4080, s0  }
0x69: {  	s30 =	ssub.s32 $0x0, s28;
	[sflag:s29] =	ssyncset.done $0x0  }
0x6a: {  	[sflag:s29] =	ssyncadd.s32 s30;
	[dreg:$0xe] =	wrdreg s31  }
.Ltmp4:
0x6b: {  	(pc) =	sbr.rel .LBB1_4-.Ltmp4, $3  }
0x6c: {  	_ =	sdelay $0x1  }
0x6d: {  	s26 =	sshll.u32 @!p0 s0, $0xE;
	s0 =	rddreg [dreg:$0xe]  }
0x6e: {  	s28 =	simm.s32 $0x0;
	s27 =	sor.u32 @!p0 $0x8000, s0  }
.LBB1_12:
0x6f: {  	s28 =	sadd.s32 $0x1, s28  }
0x70: {  	p0 =	sne.s32 s28, s23  }
.Ltmp5:
0x71: {  	_ = 	snop;
	(pc) =	sbr.rel @!p0 .LBB1_13-.Ltmp5, $1  }
0x72: {  	_ =	sdelay $0x3  }
.LBB1_4:
0x73: {  	s0 =	smul.u32 $0x10200, s28;
	_ =	sdelay $0x1  }
0x74: {  	s0 =	sshra.s32 s0, $0x2  }
0x75: {  	s29 =	sadd.s32 s0, s27  }
0x76: {  	s9 =	simm.s32 $0x0;
	s30 =	sadd.s32 $0x810, s29;
	s31 =	sadd.s32 $0x1020, s29  }
0x77: {  	s0 =	sadd.s32 $0x1830, s29;
	s1 =	sadd.s32 $0x2040, s29;
	s2 =	sadd.s32 $0x2850, s29  }
.LBB1_5:
0x78: {  	s3 =	sadd.s32 s28, s9  }
0x79: {  	s3 =	sshll.u32 s3, $0x10  }
0x7a: {  	s3 =	sshra.s32 s3, $0x2  }
0x7b: {  	s3 =	sadd.s32 s3, s26  }
0x7c: {  	v0 =	vmov s3;
	_ =	sdelay $0x2  }
0x7d: {  	s17 =	simm.s32 $0x0  }
0x7e: {  	p1 =	sne.s32 s25, $0x1;
	s21 =	sand.u32 $0x3F80, s17  }
.Ltmp6:
0x7f: {  	s22 =	sand.u32 $0x7, s9;
	v8 =	vld.idx.msk [tilespmem:v0+s21+$0x0 ss:$0x1], $0xffff;
	(pc) =	sbr.rel @!p1 .LBB1_6-.Ltmp6, $4  }
0x80: {  	s13 =	simm.s32 $0x1;
	s5 =	smul.u32 $0x81, s22;
	v9 =	vld.idx.msk [tilespmem:v0+s21+$0x10 ss:$0x1], $0xffff  }
0x81: {  	s18 =	simm.s32 $0x80;
	p0 =	por $0x0, $0x0;
	s17 =	sand.u32 $0x7F, s17;
	v10 =	vld.idx.msk [tilespmem:v0+s21+$0x20 ss:$0x1], $0xffff  }
0x82: {  	s6 =	sadd.s32 s5, s29;
	s7 =	sadd.s32 s5, s31;
	s8 =	sadd.s32 s5, s0;
	v11 =	vld.idx.msk [tilespmem:v0+s21+$0x30 ss:$0x1], $0xffff  }
0x83: {  	s4 =	sadd.s32 s5, s1;
	s3 =	sadd.s32 s5, s30;
	s5 =	sadd.s32 s5, s2;
	v7 =	vld.idx.msk [tilespmem:v0+s21+$0x40 ss:$0x1], $0xffff  }
0x84: {  	_ =	sdelay $0x3  }
0x85: {  	s20 =	sand.u32 $0x3F80, s18;
	s19 =	sadd.s32 s17, s6;
	v1 =	vld.idx.msk [tilespmem:v0+s21+$0x50 ss:$0x1], $0xffff;
	p1 =	sne.s32 s25, $0x2  }
.Ltmp7:
0x86: {  	s22 =	sadd.s32 s17, s3;
	v2 =	vld.idx.msk [tilespmem:v0+s20+$0x0 ss:$0x1], $0xffff;
	[tilespmem:s19+$0x0 ss:$0x81] =	vst.msk $0xffff, v8;
	(pc) =	sbr.rel @!p1 .LBB1_8-.Ltmp7, $4  }
0x87: {  	v3 =	vld.idx.msk [tilespmem:v0+s20+$0x10 ss:$0x1], $0xffff;
	[tilespmem:s22+$0x0 ss:$0x81] =	vst.msk $0xffff, v9;
	s19 =	sadd.s32 s17, s7  }
0x88: {  	v4 =	vld.idx.msk [tilespmem:v0+s20+$0x20 ss:$0x1], $0xffff;
	s22 =	sadd.s32 s17, s8;
	[tilespmem:s19+$0x0 ss:$0x81] =	vst.msk $0xffff, v10  }
0x89: {  	s21 =	simm.s32 $0x2;
	s18 =	sadd.s32 s17, s5;
	v5 =	vld.idx.msk [tilespmem:v0+s20+$0x30 ss:$0x1], $0xffff;
	s19 =	sadd.s32 s17, s4;
	[tilespmem:s22+$0x0 ss:$0x81] =	vst.msk $0xffff, v11  }
0x8a: {  	p0 =	por $0x1, $0x1;
	v6 =	vld.idx.msk [tilespmem:v0+s20+$0x40 ss:$0x1], $0xffff;
	s22 =	sand.u32 $0x7F, s13;
	s13 =	simm.s32 $0x100;
	[tilespmem:s19+$0x0 ss:$0x81] =	vst.msk $0xffff, v7  }
.LBB1_9:
0x8b: {  	s19 =	smov.u32 s21;
	s21 =	sadd.s32 $0x1, s21  }
0x8c: {  	s17 =	sadd.s32 s22, s6;
	[tilespmem:s18+$0x0 ss:$0x81] =	vst.msk $0xffff, v1;
	v1 =	vld.idx.msk [tilespmem:v0+s20+$0x50 ss:$0x1], $0xffff;
	s20 =	sand.u32 $0x3F80, s13;
	p1 =	sne.s32 s25, s21  }
.Ltmp8:
0x8d: {  	[tilespmem:s17+$0x0 ss:$0x81] =	vst.msk $0xffff, v2;
	v2 =	vld.idx.msk [tilespmem:v0+s20+$0x0 ss:$0x1], $0xffff;
	s17 =	sadd.s32 s22, s3;
	(pc) =	sbr.rel @p1 .LBB1_9-.Ltmp8, $4  }
0x8e: {  	[tilespmem:s17+$0x0 ss:$0x81] =	vst.msk $0xffff, v3;
	v3 =	vld.idx.msk [tilespmem:v0+s20+$0x10 ss:$0x1], $0xffff;
	s17 =	sadd.s32 s22, s7  }
0x8f: {  	[tilespmem:s17+$0x0 ss:$0x81] =	vst.msk $0xffff, v4;
	v4 =	vld.idx.msk [tilespmem:v0+s20+$0x20 ss:$0x1], $0xffff;
	s17 =	sadd.s32 s22, s8  }
0x90: {  	[tilespmem:s17+$0x0 ss:$0x81] =	vst.msk $0xffff, v5;
	v5 =	vld.idx.msk [tilespmem:v0+s20+$0x30 ss:$0x1], $0xffff;
	s17 =	sadd.s32 s22, s4  }
0x91: {  	s13 =	sadd.s32 $0x80, s13;
	s18 =	sadd.s32 s22, s5;
	s22 =	sand.u32 $0x7F, s19;
	[tilespmem:s17+$0x0 ss:$0x81] =	vst.msk $0xffff, v6;
	v6 =	vld.idx.msk [tilespmem:v0+s20+$0x40 ss:$0x1], $0xffff  }
0x92: {  	_ =	sdelay $0x3  }
0x93: {  	s17 =	smov.u32 s22;
	s21 =	smov.u32 s20;
	v8 =	vmovc v2;
	v9 =	vmovc v3;
	v10 =	vmov v4;
	v11 =	vmov v5;
	v7 =	vmov v6  }
.LBB1_11:
0x94: {  	_ =	sdelay $0x2  }
0x95: {  	s6 =	sadd.s32 s17, s6;
	[tilespmem:s18+$0x0 ss:$0x81] =	vst.msk @p0 $0xffff, v1;
	s9 =	sadd.s32 $0x1, s9  }
0x96: {  	v0 =	vld.idx.msk [tilespmem:v0+s21+$0x50 ss:$0x1], $0xffff;
	s3 =	sadd.s32 s17, s3;
	[tilespmem:s6+$0x0 ss:$0x81] =	vst.msk $0xffff, v8;
	p0 =	sne.s32 s9, s24  }
.Ltmp9:
0x97: {  	s19 =	sadd.s32 s17, s7;
	[tilespmem:s3+$0x0 ss:$0x81] =	vst.msk $0xffff, v9;
	(pc) =	sbr.rel @p0 .LBB1_5-.Ltmp9, $4  }
.Ltmp10:
0x98: {  	s20 =	sadd.s32 s17, s8;
	[tilespmem:s19+$0x0 ss:$0x81] =	vst.msk $0xffff, v10;
	(pc) =	sbr.rel @!p0 .LBB1_12-.Ltmp10, $4  }
0x99: {  	s21 =	sadd.s32 s17, s4;
	[tilespmem:s20+$0x0 ss:$0x81] =	vst.msk $0xffff, v11  }
0x9a: {  	s22 =	sadd.s32 s17, s5;
	[tilespmem:s21+$0x0 ss:$0x81] =	vst.msk $0xffff, v7  }
0x9b: {  	[tilespmem:s22+$0x0 ss:$0x81] =	vst.msk $0xffff, v0  }
0x9c: {  	_ = 	snop  }
.LBB1_6:
.Ltmp11:
0x9d: {  	(pc) =	sbr.rel .LBB1_11-.Ltmp11, $2  }
0x9e: {  	_ =	sdelay $0x2  }
0x9f: {  	_ = 	snop  }
.LBB1_8:
.Ltmp12:
0xa0: {  	_ = 	snop;
	(pc) =	sbr.rel .LBB1_11-.Ltmp12, $2  }
0xa1: {  	_ =	sdelay $0x2  }
0xa2: {  	s17 =	smov.u32 s22;
	s21 =	smov.u32 s20;
	v8 =	vmovc v2;
	v9 =	vmovc v3;
	v10 =	vmov v4;
	v11 =	vmov v5;
	v7 =	vmov v6  }
.LBB1_15:
0xa3: {  	_ =	sfence.sel $0x180000  }
0xa4: {  	s0 =	simm.s32 $0x1;
	[bflag:$0x0] =	sbarrier.arrive $0xFFFF  }
0xa5: {  	s30 =	simm.s32 $0x2;
	[sflag:s0] =	ssyncpa.u1 $0x1  }
0xa6: {  	[sflag:s30] =	ssyncpa.u1 $0x1  }
0xa7: {  	_ =	strace $0x90000053  }
0xa8: {  	s31 =	stileid.u32;
	[bflag:$0x2] =	sbarrier.arrive $0xFFFF  }
0xa9: {  	p0 =	sne.s32 s31, $0x0;
	s0 =	rddreg [dreg:$0x2]  }
0xaa: {  	s0 =	sadd.s32 @!p0 $0x100000, s0  }
0xab: {  	[sflag:s0] =	ssyncadd.tile.s32 @!p0 $0x1;
	_ =	shalt  }
.Lfunc_end1:
_tile_overlayer_lowered:
.L_overlay_start_2:
0xac: {  	(tag) =	ssettag $0x2  }
0xad: {  	s0 =	rddreg [dreg:$0x0];
	s2 =	stileid.u32  }
0xae: {  	s1 =	rddreg [dreg:$0x1];
	p0 =	sne.s32 s2, $0x0  }
0xaf: {  	s3 =	rddreg [dreg:$0x2];
	[bflag:$0x3] =	sbarrier.arrive $0xFFFF;
	s2 =	simm.s32 @!p0 $0x1C01  }
0xb0: {  	[timem:s3], [sflag:s2] =	dma.local @!p0 [hbm:s0], s1  }
0xb1: {  	s0 =	simm.s32 @!p0 $0x1  }
0xb2: {  	_ =	swait.ge @!p0 [sflag:s0], s1  }
0xb3: {  	s1 =	ssub.s32 @!p0 $0x0, s1;
	[sflag:s0] =	ssyncset.done @!p0 $0x0  }
0xb4: {  	[sflag:s0] =	ssyncadd.s32 @!p0 s1  }
0xb5: {  	[bflag:$0x3] =	sbarrier.arrive $0xFFFF  }
0xb6: {  	_ =	shalt  }

</sc_bundles>
